<compile_context>
chip_gen: v7x
topology: tpu7x:2x2x1
jax: 0.10.2.dev20260603
libtpu: 0.0.44.dev20260713+nightly
codegen_flags: <defaults>
</compile_context>

<pallas_src>
import functools

import jax
import jax.numpy as jnp
from jax import lax
from jax.experimental import pallas as pl
from jax.experimental.pallas import tpu as pltpu
from jax.experimental.pallas import tpu_sc as plsc

BATCH = 16384
FACTOR = 32
TABLE = 1000000
NC = 2
NS = 16
NW = NC * NS
B_PER_W = BATCH // NW
CHUNK = 128
NCHUNK = B_PER_W // CHUNK
NRING = 8


def _gmf_body(uidx_hbm, iidx_hbm, utab_hbm, itab_hbm, out_hbm,
              uidx_v, iidx_v, uring, iring, out_v, usem, isem):
    wid = lax.axis_index("s") * NC + lax.axis_index("c")
    base = wid * B_PER_W

    pltpu.sync_copy(uidx_hbm.at[pl.ds(wid * NCHUNK, NCHUNK), :], uidx_v)
    pltpu.sync_copy(iidx_hbm.at[pl.ds(wid * NCHUNK, NCHUNK), :], iidx_v)

    iota = lax.iota(jnp.int32, 16)

    def fetch(r, ring, tab, sem, slot):
        blk = pl.multiple_of(lax.bitwise_and(r, ~127), 128)
        pltpu.async_copy(tab.at[:, pl.ds(blk, CHUNK)],
                         ring.at[slot], sem.at[slot])

    def drain(ring, tab, sem, slot):
        pltpu.make_async_copy(tab.at[:, pl.ds(0, CHUNK)],
                              ring.at[slot], sem.at[slot]).wait()

    def extract(ring, slot, rmod):
        cols = jnp.broadcast_to(rmod, (16,))
        lo = plsc.load_gather(ring.at[slot], [iota, cols])
        hi = plsc.load_gather(ring.at[slot], [iota + 16, cols])
        return lo, hi

    def group_body(g, _):
        j = lax.shift_right_logical(g, 3)
        cb = lax.shift_left(lax.bitwise_and(g, 7), 4)
        uv = uidx_v[j, pl.ds(cb, 16)]
        iv = iidx_v[j, pl.ds(cb, 16)]
        b0 = lax.shift_left(g, 4)

        for l in range(NRING):
            fetch(uv[l], uring, utab_hbm, usem, l)
            fetch(iv[l], iring, itab_hbm, isem, l)
        for l in range(16):
            slot = l % NRING
            drain(uring, utab_hbm, usem, slot)
            drain(iring, itab_hbm, isem, slot)
            um = lax.bitwise_and(uv[l], 127)
            im = lax.bitwise_and(iv[l], 127)
            ulo, uhi = extract(uring, slot, um)
            ilo, ihi = extract(iring, slot, im)
            bcol = jnp.broadcast_to(b0 + l, (16,))
            plsc.store_scatter(out_v, [iota, bcol], ulo * ilo)
            plsc.store_scatter(out_v, [iota + 16, bcol], uhi * ihi)
            if l + NRING < 16:
                fetch(uv[l + NRING], uring, utab_hbm, usem, slot)
                fetch(iv[l + NRING], iring, itab_hbm, isem, slot)
        return ()

    lax.fori_loop(0, B_PER_W // 16, group_body, ())

    pltpu.sync_copy(out_v, out_hbm.at[:, pl.ds(base, B_PER_W)])


@jax.jit
def _gmf(uidx2, iidx2, utabT, itabT):
    mesh = plsc.VectorSubcoreMesh(core_axis_name="c", subcore_axis_name="s")
    kfn = functools.partial(
        pl.kernel,
        mesh=mesh,
        compiler_params=pltpu.CompilerParams(needs_layout_passes=False),
        out_type=jax.ShapeDtypeStruct((FACTOR, BATCH), jnp.float32),
        scratch_types=[
            pltpu.VMEM((NCHUNK, CHUNK), jnp.int32),
            pltpu.VMEM((NCHUNK, CHUNK), jnp.int32),
            pltpu.VMEM((NRING, FACTOR, CHUNK), jnp.float32),
            pltpu.VMEM((NRING, FACTOR, CHUNK), jnp.float32),
            pltpu.VMEM((FACTOR, B_PER_W), jnp.float32),
            pltpu.SemaphoreType.DMA((NRING,)),
            pltpu.SemaphoreType.DMA((NRING,)),
        ],
    )(_gmf_body)
    return kfn(uidx2, iidx2, utabT, itabT)


def kernel(user_indices, item_indices, user_table, item_table):
    uidx2 = user_indices.astype(jnp.int32).reshape(BATCH // CHUNK, CHUNK)
    iidx2 = item_indices.astype(jnp.int32).reshape(BATCH // CHUNK, CHUNK)
    outT = _gmf(uidx2, iidx2, user_table.T, item_table.T)
    return outT.T

# --- scband reference (transcript-rebuilt; emitter-appended) ---
"""Pipeline reference for scband-generalized-matrix-factorization-43860206027177 (READ-ONLY COPY).

The authoritative reference and input builder live on the scoring server;
editing this copy changes nothing except your own understanding.
"""

import jax, jax.numpy as jnp
import numpy as np

NUM_USERS = 1000000
NUM_ITEMS = 1000000
FACTOR_NUM = 32
BATCH = 16384


def setup_inputs(seed: int = 0) -> dict:
    key = jax.random.key(seed)
    k1, k2, k3, k4 = jax.random.split(key, 4)
    user_indices = jax.random.randint(k1, (BATCH,), 0, NUM_USERS, dtype=jnp.int64 if jax.config.read('jax_enable_x64') else jnp.int32)
    item_indices = jax.random.randint(k2, (BATCH,), 0, NUM_ITEMS, dtype=jnp.int64 if jax.config.read('jax_enable_x64') else jnp.int32)
    user_table = jax.random.normal(k3, (NUM_USERS, FACTOR_NUM), dtype=jnp.float32) * 0.01
    item_table = jax.random.normal(k4, (NUM_ITEMS, FACTOR_NUM), dtype=jnp.float32) * 0.01
    return {
        'user_indices': user_indices,
        'item_indices': item_indices,
        'user_table': user_table,
        'item_table': item_table,
    }


def reference(user_indices, item_indices, user_table, item_table):
    # embedding lookups (gather)
    user_embedding = jnp.take(user_table, user_indices, axis=0)
    item_embedding = jnp.take(item_table, item_indices, axis=0)
    # elementwise product (GMF)
    element_product = user_embedding * item_embedding
    return element_product

if __name__ == "__main__":
    import jax
    _d = setup_inputs()
    print(jax.jit(kernel)(*tuple(_d.values())))

</pallas_src>

<mosaic_0001>
#map = affine_map<(d0, d1) -> (0, 0)>
module attributes {stable_mosaic.version = 14 : i64} {
  func.func @_gmf_body(%arg0: i32, %arg1: i32, %arg2: memref<128x128xi32, #tpu.memory_space<hbm>>, %arg3: memref<128x128xi32, #tpu.memory_space<hbm>>, %arg4: memref<32x1000000xf32, #tpu.memory_space<hbm>>, %arg5: memref<32x1000000xf32, #tpu.memory_space<hbm>>, %arg6: memref<32x16384xf32, #tpu.memory_space<hbm>>, %arg7: memref<4x128xi32, #tpu.memory_space<vmem>>, %arg8: memref<4x128xi32, #tpu.memory_space<vmem>>, %arg9: memref<8x32x128xf32, #tpu.memory_space<vmem>>, %arg10: memref<8x32x128xf32, #tpu.memory_space<vmem>>, %arg11: memref<32x512xf32, #tpu.memory_space<vmem>>, %arg12: memref<8x!tpu.dma_semaphore, #tpu.memory_space<semaphore_mem>>, %arg13: memref<8x!tpu.dma_semaphore, #tpu.memory_space<semaphore_mem>>) attributes {dimension_semantics = [#tpu.dimension_semantics<core_parallel>, #tpu.dimension_semantics<subcore_parallel>], iteration_bounds = array<i64: 2, 16>, scalar_prefetch = 0 : i64, scratch_operands = 7 : i64, tpu.core_type = #tpu.core_type<sc_vector_subcore>, window_params = [{transform_indices = #map}, {transform_indices = #map}, {transform_indices = #map}, {transform_indices = #map}, {transform_indices = #map}]} {
    %mul3A = arith.constant 2 : i32
    %mul3A_0 = arith.muli %arg1, %mul3A : i32
    %add3A = arith.addi %mul3A_0, %arg0 : i32
    %mul3A_1 = arith.constant 512 : i32
    %mul3A_2 = arith.muli %add3A, %mul3A_1 : i32
    %mul3A_3 = arith.constant 4 : i32
    %mul3A_4 = arith.muli %add3A, %mul3A_3 : i32
    "tpu.region"() ({
      %run_scoped3A = tpu.sem_alloc : memref<!tpu.dma_semaphore, #tpu.memory_space<semaphore_mem>>
      %dma_start3A = arith.constant 0 : i32
      %dma_start3A_11 = tpu.memref_slice %arg2[%mul3A_4, %dma_start3A] : memref<128x128xi32, #tpu.memory_space<hbm>> -> memref<4x128xi32, #tpu.memory_space<hbm>>
      %dma_start3A_12 = arith.constant 0 : i32
      %dma_start3A_13 = tpu.memref_slice %arg2[%mul3A_4, %dma_start3A_12] : memref<128x128xi32, #tpu.memory_space<hbm>> -> memref<4x128xi32, #tpu.memory_space<hbm>>
      tpu.enqueue_dma source(%dma_start3A_13 : memref<4x128xi32, #tpu.memory_space<hbm>>) target(%arg7 : memref<4x128xi32, #tpu.memory_space<vmem>>) target_semaphore(%run_scoped3A : memref<!tpu.dma_semaphore, #tpu.memory_space<semaphore_mem>>)
      %dma_wait3A = arith.constant 0 : i32
      %dma_wait3A_14 = tpu.memref_slice %arg2[%mul3A_4, %dma_wait3A] : memref<128x128xi32, #tpu.memory_space<hbm>> -> memref<4x128xi32, #tpu.memory_space<hbm>>
      %dma_wait3A_15 = arith.constant 0 : i32
      %dma_wait3A_16 = tpu.memref_slice %arg2[%mul3A_4, %dma_wait3A_15] : memref<128x128xi32, #tpu.memory_space<hbm>> -> memref<4x128xi32, #tpu.memory_space<hbm>>
      tpu.wait_dma2 semaphore(%run_scoped3A : memref<!tpu.dma_semaphore, #tpu.memory_space<semaphore_mem>>) src(%dma_wait3A_16 : memref<4x128xi32, #tpu.memory_space<hbm>>) dst(%arg7 : memref<4x128xi32, #tpu.memory_space<vmem>>)
      tpu.yield
    }) : () -> ()
    %mul3A_5 = arith.constant 4 : i32
    %mul3A_6 = arith.muli %add3A, %mul3A_5 : i32
    "tpu.region"() ({
      %run_scoped3A = tpu.sem_alloc : memref<!tpu.dma_semaphore, #tpu.memory_space<semaphore_mem>>
      %dma_start3A = arith.constant 0 : i32
      %dma_start3A_11 = tpu.memref_slice %arg3[%mul3A_6, %dma_start3A] : memref<128x128xi32, #tpu.memory_space<hbm>> -> memref<4x128xi32, #tpu.memory_space<hbm>>
      %dma_start3A_12 = arith.constant 0 : i32
      %dma_start3A_13 = tpu.memref_slice %arg3[%mul3A_6, %dma_start3A_12] : memref<128x128xi32, #tpu.memory_space<hbm>> -> memref<4x128xi32, #tpu.memory_space<hbm>>
      tpu.enqueue_dma source(%dma_start3A_13 : memref<4x128xi32, #tpu.memory_space<hbm>>) target(%arg8 : memref<4x128xi32, #tpu.memory_space<vmem>>) target_semaphore(%run_scoped3A : memref<!tpu.dma_semaphore, #tpu.memory_space<semaphore_mem>>)
      %dma_wait3A = arith.constant 0 : i32
      %dma_wait3A_14 = tpu.memref_slice %arg3[%mul3A_6, %dma_wait3A] : memref<128x128xi32, #tpu.memory_space<hbm>> -> memref<4x128xi32, #tpu.memory_space<hbm>>
      %dma_wait3A_15 = arith.constant 0 : i32
      %dma_wait3A_16 = tpu.memref_slice %arg3[%mul3A_6, %dma_wait3A_15] : memref<128x128xi32, #tpu.memory_space<hbm>> -> memref<4x128xi32, #tpu.memory_space<hbm>>
      tpu.wait_dma2 semaphore(%run_scoped3A : memref<!tpu.dma_semaphore, #tpu.memory_space<semaphore_mem>>) src(%dma_wait3A_16 : memref<4x128xi32, #tpu.memory_space<hbm>>) dst(%arg8 : memref<4x128xi32, #tpu.memory_space<vmem>>)
      tpu.yield
    }) : () -> ()
    %iota3A = tpu.iota {dimensions = array<i32: 0>} : vector<16xi32>
    %scan3A = arith.constant 0 : i32
    %scan3A_7 = arith.constant 32 : i32
    %scan3A_8 = arith.addi %scan3A, %scan3A_7 : i32
    %scan3A_9 = arith.constant 1 : i32
    scf.for %scan3A_11 = %scan3A to %scan3A_8 step %scan3A_9  : i32 {
      %shift_right_logical3A = arith.constant 3 : i32
      %shift_right_logical3A_12 = arith.shrui %scan3A_11, %shift_right_logical3A : i32
      %and3A = arith.constant 7 : i32
      %and3A_13 = arith.andi %scan3A_11, %and3A : i32
      %shift_left3A = arith.constant 4 : i32
      %shift_left3A_14 = arith.shli %and3A_13, %shift_left3A : i32
      %get3A = arith.index_cast %shift_right_logical3A_12 : i32 to index
      %get3A_15 = arith.index_cast %shift_left3A_14 : i32 to index
      %get3A_16 = tpu.vector_load %arg7[%get3A, %get3A_15] {strides = array<i32>} : memref<4x128xi32, #tpu.memory_space<vmem>>, vector<16xi32>,
      %get3A_17 = arith.index_cast %shift_right_logical3A_12 : i32 to index
      %get3A_18 = arith.index_cast %shift_left3A_14 : i32 to index
      %get3A_19 = tpu.vector_load %arg8[%get3A_17, %get3A_18] {strides = array<i32>} : memref<4x128xi32, #tpu.memory_space<vmem>>, vector<16xi32>,
      %shift_left3A_20 = arith.constant 4 : i32
      %shift_left3A_21 = arith.shli %scan3A_11, %shift_left3A_20 : i32
      %slice3A = vector.extract_strided_slice %get3A_16 {offsets = [0], sizes = [1], strides = [1]} : vector<16xi32> to vector<1xi32>
      %squeeze3A = vector.extract %slice3A[0] : i32 from vector<1xi32>
      %and3A_22 = arith.constant -128 : i32
      %and3A_23 = arith.andi %squeeze3A, %and3A_22 : i32
      %multiple_of3A = tpu.assume_multiple %and3A_23, 128 : i32
      %dma_start3A = arith.constant 0 : i32
      %dma_start3A_24 = arith.constant 0 : i32
      %dma_start3A_25 = arith.constant 0 : i32
      %dma_start3A_26 = arith.constant 0 : i32
      %dma_start3A_27 = tpu.memref_slice %arg9[%dma_start3A, %dma_start3A_25, %dma_start3A_26] : memref<8x32x128xf32, #tpu.memory_space<vmem>> -> memref<1x32x128xf32, #tpu.memory_space<vmem>>
      %dma_start3A_28 = tpu.memref_squeeze %dma_start3A_27 : memref<1x32x128xf32, #tpu.memory_space<vmem>> -> memref<32x128xf32, #tpu.memory_space<vmem>>
      %dma_start3A_29 = arith.constant 0 : i32
      %dma_start3A_30 = tpu.memref_slice %arg4[%dma_start3A_29, %multiple_of3A] : memref<32x1000000xf32, #tpu.memory_space<hbm>> -> memref<32x128xf32, #tpu.memory_space<hbm>>
      %dma_start3A_31 = tpu.memref_slice %arg12[%dma_start3A_24] : memref<8x!tpu.dma_semaphore, #tpu.memory_space<semaphore_mem>> -> memref<1x!tpu.dma_semaphore, #tpu.memory_space<semaphore_mem>>
      %dma_start3A_32 = tpu.memref_squeeze %dma_start3A_31 : memref<1x!tpu.dma_semaphore, #tpu.memory_space<semaphore_mem>> -> memref<!tpu.dma_semaphore, #tpu.memory_space<semaphore_mem>>
      %dma_start3A_33 = arith.constant 0 : i32
      %dma_start3A_34 = arith.constant 0 : i32
      %dma_start3A_35 = tpu.memref_slice %arg9[%dma_start3A, %dma_start3A_33, %dma_start3A_34] : memref<8x32x128xf32, #tpu.memory_space<vmem>> -> memref<1x32x128xf32, #tpu.memory_space<vmem>>
      %dma_start3A_36 = tpu.memref_squeeze %dma_start3A_35 : memref<1x32x128xf32, #tpu.memory_space<vmem>> -> memref<32x128xf32, #tpu.memory_space<vmem>>
      %dma_start3A_37 = arith.constant 0 : i32
      %dma_start3A_38 = tpu.memref_slice %arg4[%dma_start3A_37, %multiple_of3A] : memref<32x1000000xf32, #tpu.memory_space<hbm>> -> memref<32x128xf32, #tpu.memory_space<hbm>>
      tpu.enqueue_dma source(%dma_start3A_38 : memref<32x128xf32, #tpu.memory_space<hbm>>) target(%dma_start3A_36 : memref<32x128xf32, #tpu.memory_space<vmem>>) target_semaphore(%dma_start3A_32 : memref<!tpu.dma_semaphore, #tpu.memory_space<semaphore_mem>>)
      %slice3A_39 = vector.extract_strided_slice %get3A_19 {offsets = [0], sizes = [1], strides = [1]} : vector<16xi32> to vector<1xi32>
      %squeeze3A_40 = vector.extract %slice3A_39[0] : i32 from vector<1xi32>
      %and3A_41 = arith.constant -128 : i32
      %and3A_42 = arith.andi %squeeze3A_40, %and3A_41 : i32
      %multiple_of3A_43 = tpu.assume_multiple %and3A_42, 128 : i32
      %dma_start3A_44 = arith.constant 0 : i32
      %dma_start3A_45 = arith.constant 0 : i32
      %dma_start3A_46 = arith.constant 0 : i32
      %dma_start3A_47 = arith.constant 0 : i32
      %dma_start3A_48 = tpu.memref_slice %arg10[%dma_start3A_44, %dma_start3A_46, %dma_start3A_47] : memref<8x32x128xf32, #tpu.memory_space<vmem>> -> memref<1x32x128xf32, #tpu.memory_space<vmem>>
      %dma_start3A_49 = tpu.memref_squeeze %dma_start3A_48 : memref<1x32x128xf32, #tpu.memory_space<vmem>> -> memref<32x128xf32, #tpu.memory_space<vmem>>
      %dma_start3A_50 = arith.constant 0 : i32
      %dma_start3A_51 = tpu.memref_slice %arg5[%dma_start3A_50, %multiple_of3A_43] : memref<32x1000000xf32, #tpu.memory_space<hbm>> -> memref<32x128xf32, #tpu.memory_space<hbm>>
      %dma_start3A_52 = tpu.memref_slice %arg13[%dma_start3A_45] : memref<8x!tpu.dma_semaphore, #tpu.memory_space<semaphore_mem>> -> memref<1x!tpu.dma_semaphore, #tpu.memory_space<semaphore_mem>>
      %dma_start3A_53 = tpu.memref_squeeze %dma_start3A_52 : memref<1x!tpu.dma_semaphore, #tpu.memory_space<semaphore_mem>> -> memref<!tpu.dma_semaphore, #tpu.memory_space<semaphore_mem>>
      %dma_start3A_54 = arith.constant 0 : i32
      %dma_start3A_55 = arith.constant 0 : i32
      %dma_start3A_56 = tpu.memref_slice %arg10[%dma_start3A_44, %dma_start3A_54, %dma_start3A_55] : memref<8x32x128xf32, #tpu.memory_space<vmem>> -> memref<1x32x128xf32, #tpu.memory_space<vmem>>
      %dma_start3A_57 = tpu.memref_squeeze %dma_start3A_56 : memref<1x32x128xf32, #tpu.memory_space<vmem>> -> memref<32x128xf32, #tpu.memory_space<vmem>>
      %dma_start3A_58 = arith.constant 0 : i32
      %dma_start3A_59 = tpu.memref_slice %arg5[%dma_start3A_58, %multiple_of3A_43] : memref<32x1000000xf32, #tpu.memory_space<hbm>> -> memref<32x128xf32, #tpu.memory_space<hbm>>
      tpu.enqueue_dma source(%dma_start3A_59 : memref<32x128xf32, #tpu.memory_space<hbm>>) target(%dma_start3A_57 : memref<32x128xf32, #tpu.memory_space<vmem>>) target_semaphore(%dma_start3A_53 : memref<!tpu.dma_semaphore, #tpu.memory_space<semaphore_mem>>)
      %slice3A_60 = vector.extract_strided_slice %get3A_16 {offsets = [1], sizes = [1], strides = [1]} : vector<16xi32> to vector<1xi32>
      %squeeze3A_61 = vector.extract %slice3A_60[0] : i32 from vector<1xi32>
      %and3A_62 = arith.constant -128 : i32
      %and3A_63 = arith.andi %squeeze3A_61, %and3A_62 : i32
      %multiple_of3A_64 = tpu.assume_multiple %and3A_63, 128 : i32
      %dma_start3A_65 = arith.constant 1 : i32
      %dma_start3A_66 = arith.constant 1 : i32
      %dma_start3A_67 = arith.constant 0 : i32
      %dma_start3A_68 = arith.constant 0 : i32
      %dma_start3A_69 = tpu.memref_slice %arg9[%dma_start3A_65, %dma_start3A_67, %dma_start3A_68] : memref<8x32x128xf32, #tpu.memory_space<vmem>> -> memref<1x32x128xf32, #tpu.memory_space<vmem>>
      %dma_start3A_70 = tpu.memref_squeeze %dma_start3A_69 : memref<1x32x128xf32, #tpu.memory_space<vmem>> -> memref<32x128xf32, #tpu.memory_space<vmem>>
      %dma_start3A_71 = arith.constant 0 : i32
      %dma_start3A_72 = tpu.memref_slice %arg4[%dma_start3A_71, %multiple_of3A_64] : memref<32x1000000xf32, #tpu.memory_space<hbm>> -> memref<32x128xf32, #tpu.memory_space<hbm>>
      %dma_start3A_73 = tpu.memref_slice %arg12[%dma_start3A_66] : memref<8x!tpu.dma_semaphore, #tpu.memory_space<semaphore_mem>> -> memref<1x!tpu.dma_semaphore, #tpu.memory_space<semaphore_mem>>
      %dma_start3A_74 = tpu.memref_squeeze %dma_start3A_73 : memref<1x!tpu.dma_semaphore, #tpu.memory_space<semaphore_mem>> -> memref<!tpu.dma_semaphore, #tpu.memory_space<semaphore_mem>>
      %dma_start3A_75 = arith.constant 0 : i32
      %dma_start3A_76 = arith.constant 0 : i32
      %dma_start3A_77 = tpu.memref_slice %arg9[%dma_start3A_65, %dma_start3A_75, %dma_start3A_76] : memref<8x32x128xf32, #tpu.memory_space<vmem>> -> memref<1x32x128xf32, #tpu.memory_space<vmem>>
      %dma_start3A_78 = tpu.memref_squeeze %dma_start3A_77 : memref<1x32x128xf32, #tpu.memory_space<vmem>> -> memref<32x128xf32, #tpu.memory_space<vmem>>
      %dma_start3A_79 = arith.constant 0 : i32
      %dma_start3A_80 = tpu.memref_slice %arg4[%dma_start3A_79, %multiple_of3A_64] : memref<32x1000000xf32, #tpu.memory_space<hbm>> -> memref<32x128xf32, #tpu.memory_space<hbm>>
      tpu.enqueue_dma source(%dma_start3A_80 : memref<32x128xf32, #tpu.memory_space<hbm>>) target(%dma_start3A_78 : memref<32x128xf32, #tpu.memory_space<vmem>>) target_semaphore(%dma_start3A_74 : memref<!tpu.dma_semaphore, #tpu.memory_space<semaphore_mem>>)
      %slice3A_81 = vector.extract_strided_slice %get3A_19 {offsets = [1], sizes = [1], strides = [1]} : vector<16xi32> to vector<1xi32>
      %squeeze3A_82 = vector.extract %slice3A_81[0] : i32 from vector<1xi32>
      %and3A_83 = arith.constant -128 : i32
      %and3A_84 = arith.andi %squeeze3A_82, %and3A_83 : i32
      %multiple_of3A_85 = tpu.assume_multiple %and3A_84, 128 : i32
      %dma_start3A_86 = arith.constant 1 : i32
      %dma_start3A_87 = arith.constant 1 : i32
      %dma_start3A_88 = arith.constant 0 : i32
      %dma_start3A_89 = arith.constant 0 : i32
      %dma_start3A_90 = tpu.memref_slice %arg10[%dma_start3A_86, %dma_start3A_88, %dma_start3A_89] : memref<8x32x128xf32, #tpu.memory_space<vmem>> -> memref<1x32x128xf32, #tpu.memory_space<vmem>>
      %dma_start3A_91 = tpu.memref_squeeze %dma_start3A_90 : memref<1x32x128xf32, #tpu.memory_space<vmem>> -> memref<32x128xf32, #tpu.memory_space<vmem>>
      %dma_start3A_92 = arith.constant 0 : i32
      %dma_start3A_93 = tpu.memref_slice %arg5[%dma_start3A_92, %multiple_of3A_85] : memref<32x1000000xf32, #tpu.memory_space<hbm>> -> memref<32x128xf32, #tpu.memory_space<hbm>>
      %dma_start3A_94 = tpu.memref_slice %arg13[%dma_start3A_87] : memref<8x!tpu.dma_semaphore, #tpu.memory_space<semaphore_mem>> -> memref<1x!tpu.dma_semaphore, #tpu.memory_space<semaphore_mem>>
      %dma_start3A_95 = tpu.memref_squeeze %dma_start3A_94 : memref<1x!tpu.dma_semaphore, #tpu.memory_space<semaphore_mem>> -> memref<!tpu.dma_semaphore, #tpu.memory_space<semaphore_mem>>
      %dma_start3A_96 = arith.constant 0 : i32
      %dma_start3A_97 = arith.constant 0 : i32
      %dma_start3A_98 = tpu.memref_slice %arg10[%dma_start3A_86, %dma_start3A_96, %dma_start3A_97] : memref<8x32x128xf32, #tpu.memory_space<vmem>> -> memref<1x32x128xf32, #tpu.memory_space<vmem>>
      %dma_start3A_99 = tpu.memref_squeeze %dma_start3A_98 : memref<1x32x128xf32, #tpu.memory_space<vmem>> -> memref<32x128xf32, #tpu.memory_space<vmem>>
      %dma_start3A_100 = arith.constant 0 : i32
      %dma_start3A_101 = tpu.memref_slice %arg5[%dma_start3A_100, %multiple_of3A_85] : memref<32x1000000xf32, #tpu.memory_space<hbm>> -> memref<32x128xf32, #tpu.memory_space<hbm>>
      tpu.enqueue_dma source(%dma_start3A_101 : memref<32x128xf32, #tpu.memory_space<hbm>>) target(%dma_start3A_99 : memref<32x128xf32, #tpu.memory_space<vmem>>) target_semaphore(%dma_start3A_95 : memref<!tpu.dma_semaphore, #tpu.memory_space<semaphore_mem>>)
      %slice3A_102 = vector.extract_strided_slice %get3A_16 {offsets = [2], sizes = [1], strides = [1]} : vector<16xi32> to vector<1xi32>
      %squeeze3A_103 = vector.extract %slice3A_102[0] : i32 from vector<1xi32>
      %and3A_104 = arith.constant -128 : i32
      %and3A_105 = arith.andi %squeeze3A_103, %and3A_104 : i32
      %multiple_of3A_106 = tpu.assume_multiple %and3A_105, 128 : i32
      %dma_start3A_107 = arith.constant 2 : i32
      %dma_start3A_108 = arith.constant 2 : i32
      %dma_start3A_109 = arith.constant 0 : i32
      %dma_start3A_110 = arith.constant 0 : i32
      %dma_start3A_111 = tpu.memref_slice %arg9[%dma_start3A_107, %dma_start3A_109, %dma_start3A_110] : memref<8x32x128xf32, #tpu.memory_space<vmem>> -> memref<1x32x128xf32, #tpu.memory_space<vmem>>
      %dma_start3A_112 = tpu.memref_squeeze %dma_start3A_111 : memref<1x32x128xf32, #tpu.memory_space<vmem>> -> memref<32x128xf32, #tpu.memory_space<vmem>>
      %dma_start3A_113 = arith.constant 0 : i32
      %dma_start3A_114 = tpu.memref_slice %arg4[%dma_start3A_113, %multiple_of3A_106] : memref<32x1000000xf32, #tpu.memory_space<hbm>> -> memref<32x128xf32, #tpu.memory_space<hbm>>
      %dma_start3A_115 = tpu.memref_slice %arg12[%dma_start3A_108] : memref<8x!tpu.dma_semaphore, #tpu.memory_space<semaphore_mem>> -> memref<1x!tpu.dma_semaphore, #tpu.memory_space<semaphore_mem>>
      %dma_start3A_116 = tpu.memref_squeeze %dma_start3A_115 : memref<1x!tpu.dma_semaphore, #tpu.memory_space<semaphore_mem>> -> memref<!tpu.dma_semaphore, #tpu.memory_space<semaphore_mem>>
      %dma_start3A_117 = arith.constant 0 : i32
      %dma_start3A_118 = arith.constant 0 : i32
      %dma_start3A_119 = tpu.memref_slice %arg9[%dma_start3A_107, %dma_start3A_117, %dma_start3A_118] : memref<8x32x128xf32, #tpu.memory_space<vmem>> -> memref<1x32x128xf32, #tpu.memory_space<vmem>>
      %dma_start3A_120 = tpu.memref_squeeze %dma_start3A_119 : memref<1x32x128xf32, #tpu.memory_space<vmem>> -> memref<32x128xf32, #tpu.memory_space<vmem>>
      %dma_start3A_121 = arith.constant 0 : i32
      %dma_start3A_122 = tpu.memref_slice %arg4[%dma_start3A_121, %multiple_of3A_106] : memref<32x1000000xf32, #tpu.memory_space<hbm>> -> memref<32x128xf32, #tpu.memory_space<hbm>>
      tpu.enqueue_dma source(%dma_start3A_122 : memref<32x128xf32, #tpu.memory_space<hbm>>) target(%dma_start3A_120 : memref<32x128xf32, #tpu.memory_space<vmem>>) target_semaphore(%dma_start3A_116 : memref<!tpu.dma_semaphore, #tpu.memory_space<semaphore_mem>>)
      %slice3A_123 = vector.extract_strided_slice %get3A_19 {offsets = [2], sizes = [1], strides = [1]} : vector<16xi32> to vector<1xi32>
      %squeeze3A_124 = vector.extract %slice3A_123[0] : i32 from vector<1xi32>
      %and3A_125 = arith.constant -128 : i32
      %and3A_126 = arith.andi %squeeze3A_124, %and3A_125 : i32
      %multiple_of3A_127 = tpu.assume_multiple %and3A_126, 128 : i32
      %dma_start3A_128 = arith.constant 2 : i32
      %dma_start3A_129 = arith.constant 2 : i32
      %dma_start3A_130 = arith.constant 0 : i32
      %dma_start3A_131 = arith.constant 0 : i32
      %dma_start3A_132 = tpu.memref_slice %arg10[%dma_start3A_128, %dma_start3A_130, %dma_start3A_131] : memref<8x32x128xf32, #tpu.memory_space<vmem>> -> memref<1x32x128xf32, #tpu.memory_space<vmem>>
      %dma_start3A_133 = tpu.memref_squeeze %dma_start3A_132 : memref<1x32x128xf32, #tpu.memory_space<vmem>> -> memref<32x128xf32, #tpu.memory_space<vmem>>
      %dma_start3A_134 = arith.constant 0 : i32
      %dma_start3A_135 = tpu.memref_slice %arg5[%dma_start3A_134, %multiple_of3A_127] : memref<32x1000000xf32, #tpu.memory_space<hbm>> -> memref<32x128xf32, #tpu.memory_space<hbm>>
      %dma_start3A_136 = tpu.memref_slice %arg13[%dma_start3A_129] : memref<8x!tpu.dma_semaphore, #tpu.memory_space<semaphore_mem>> -> memref<1x!tpu.dma_semaphore, #tpu.memory_space<semaphore_mem>>
      %dma_start3A_137 = tpu.memref_squeeze %dma_start3A_136 : memref<1x!tpu.dma_semaphore, #tpu.memory_space<semaphore_mem>> -> memref<!tpu.dma_semaphore, #tpu.memory_space<semaphore_mem>>
      %dma_start3A_138 = arith.constant 0 : i32
      %dma_start3A_139 = arith.constant 0 : i32
      %dma_start3A_140 = tpu.memref_slice %arg10[%dma_start3A_128, %dma_start3A_138, %dma_start3A_139] : memref<8x32x128xf32, #tpu.memory_space<vmem>> -> memref<1x32x128xf32, #tpu.memory_space<vmem>>
      %dma_start3A_141 = tpu.memref_squeeze %dma_start3A_140 : memref<1x32x128xf32, #tpu.memory_space<vmem>> -> memref<32x128xf32, #tpu.memory_space<vmem>>
      %dma_start3A_142 = arith.constant 0 : i32
      %dma_start3A_143 = tpu.memref_slice %arg5[%dma_start3A_142, %multiple_of3A_127] : memref<32x1000000xf32, #tpu.memory_space<hbm>> -> memref<32x128xf32, #tpu.memory_space<hbm>>
      tpu.enqueue_dma source(%dma_start3A_143 : memref<32x128xf32, #tpu.memory_space<hbm>>) target(%dma_start3A_141 : memref<32x128xf32, #tpu.memory_space<vmem>>) target_semaphore(%dma_start3A_137 : memref<!tpu.dma_semaphore, #tpu.memory_space<semaphore_mem>>)
      %slice3A_144 = vector.extract_strided_slice %get3A_16 {offsets = [3], sizes = [1], strides = [1]} : vector<16xi32> to vector<1xi32>
      %squeeze3A_145 = vector.extract %slice3A_144[0] : i32 from vector<1xi32>
      %and3A_146 = arith.constant -128 : i32
      %and3A_147 = arith.andi %squeeze3A_145, %and3A_146 : i32
      %multiple_of3A_148 = tpu.assume_multiple %and3A_147, 128 : i32
      %dma_start3A_149 = arith.constant 3 : i32
      %dma_start3A_150 = arith.constant 3 : i32
      %dma_start3A_151 = arith.constant 0 : i32
      %dma_start3A_152 = arith.constant 0 : i32
      %dma_start3A_153 = tpu.memref_slice %arg9[%dma_start3A_149, %dma_start3A_151, %dma_start3A_152] : memref<8x32x128xf32, #tpu.memory_space<vmem>> -> memref<1x32x128xf32, #tpu.memory_space<vmem>>
      %dma_start3A_154 = tpu.memref_squeeze %dma_start3A_153 : memref<1x32x128xf32, #tpu.memory_space<vmem>> -> memref<32x128xf32, #tpu.memory_space<vmem>>
      %dma_start3A_155 = arith.constant 0 : i32
      %dma_start3A_156 = tpu.memref_slice %arg4[%dma_start3A_155, %multiple_of3A_148] : memref<32x1000000xf32, #tpu.memory_space<hbm>> -> memref<32x128xf32, #tpu.memory_space<hbm>>
      %dma_start3A_157 = tpu.memref_slice %arg12[%dma_start3A_150] : memref<8x!tpu.dma_semaphore, #tpu.memory_space<semaphore_mem>> -> memref<1x!tpu.dma_semaphore, #tpu.memory_space<semaphore_mem>>
      %dma_start3A_158 = tpu.memref_squeeze %dma_start3A_157 : memref<1x!tpu.dma_semaphore, #tpu.memory_space<semaphore_mem>> -> memref<!tpu.dma_semaphore, #tpu.memory_space<semaphore_mem>>
      %dma_start3A_159 = arith.constant 0 : i32
      %dma_start3A_160 = arith.constant 0 : i32
      %dma_start3A_161 = tpu.memref_slice %arg9[%dma_start3A_149, %dma_start3A_159, %dma_start3A_160] : memref<8x32x128xf32, #tpu.memory_space<vmem>> -> memref<1x32x128xf32, #tpu.memory_space<vmem>>
      %dma_start3A_162 = tpu.memref_squeeze %dma_start3A_161 : memref<1x32x128xf32, #tpu.memory_space<vmem>> -> memref<32x128xf32, #tpu.memory_space<vmem>>
      %dma_start3A_163 = arith.constant 0 : i32
      %dma_start3A_164 = tpu.memref_slice %arg4[%dma_start3A_163, %multiple_of3A_148] : memref<32x1000000xf32, #tpu.memory_space<hbm>> -> memref<32x128xf32, #tpu.memory_space<hbm>>
      tpu.enqueue_dma source(%dma_start3A_164 : memref<32x128xf32, #tpu.memory_space<hbm>>) target(%dma_start3A_162 : memref<32x128xf32, #tpu.memory_space<vmem>>) target_semaphore(%dma_start3A_158 : memref<!tpu.dma_semaphore, #tpu.memory_space<semaphore_mem>>)
      %slice3A_165 = vector.extract_strided_slice %get3A_19 {offsets = [3], sizes = [1], strides = [1]} : vector<16xi32> to vector<1xi32>
      %squeeze3A_166 = vector.extract %slice3A_165[0] : i32 from vector<1xi32>
      %and3A_167 = arith.constant -128 : i32
      %and3A_168 = arith.andi %squeeze3A_166, %and3A_167 : i32
      %multiple_of3A_169 = tpu.assume_multiple %and3A_168, 128 : i32
      %dma_start3A_170 = arith.constant 3 : i32
      %dma_start3A_171 = arith.constant 3 : i32
      %dma_start3A_172 = arith.constant 0 : i32
      %dma_start3A_173 = arith.constant 0 : i32
      %dma_start3A_174 = tpu.memref_slice %arg10[%dma_start3A_170, %dma_start3A_172, %dma_start3A_173] : memref<8x32x128xf32, #tpu.memory_space<vmem>> -> memref<1x32x128xf32, #tpu.memory_space<vmem>>
      %dma_start3A_175 = tpu.memref_squeeze %dma_start3A_174 : memref<1x32x128xf32, #tpu.memory_space<vmem>> -> memref<32x128xf32, #tpu.memory_space<vmem>>
      %dma_start3A_176 = arith.constant 0 : i32
      %dma_start3A_177 = tpu.memref_slice %arg5[%dma_start3A_176, %multiple_of3A_169] : memref<32x1000000xf32, #tpu.memory_space<hbm>> -> memref<32x128xf32, #tpu.memory_space<hbm>>
      %dma_start3A_178 = tpu.memref_slice %arg13[%dma_start3A_171] : memref<8x!tpu.dma_semaphore, #tpu.memory_space<semaphore_mem>> -> memref<1x!tpu.dma_semaphore, #tpu.memory_space<semaphore_mem>>
      %dma_start3A_179 = tpu.memref_squeeze %dma_start3A_178 : memref<1x!tpu.dma_semaphore, #tpu.memory_space<semaphore_mem>> -> memref<!tpu.dma_semaphore, #tpu.memory_space<semaphore_mem>>
      %dma_start3A_180 = arith.constant 0 : i32
      %dma_start3A_181 = arith.constant 0 : i32
      %dma_start3A_182 = tpu.memref_slice %arg10[%dma_start3A_170, %dma_start3A_180, %dma_start3A_181] : memref<8x32x128xf32, #tpu.memory_space<vmem>> -> memref<1x32x128xf32, #tpu.memory_space<vmem>>
      %dma_start3A_183 = tpu.memref_squeeze %dma_start3A_182 : memref<1x32x128xf32, #tpu.memory_space<vmem>> -> memref<32x128xf32, #tpu.memory_space<vmem>>
      %dma_start3A_184 = arith.constant 0 : i32
      %dma_start3A_185 = tpu.memref_slice %arg5[%dma_start3A_184, %multiple_of3A_169] : memref<32x1000000xf32, #tpu.memory_space<hbm>> -> memref<32x128xf32, #tpu.memory_space<hbm>>
      tpu.enqueue_dma source(%dma_start3A_185 : memref<32x128xf32, #tpu.memory_space<hbm>>) target(%dma_start3A_183 : memref<32x128xf32, #tpu.memory_space<vmem>>) target_semaphore(%dma_start3A_179 : memref<!tpu.dma_semaphore, #tpu.memory_space<semaphore_mem>>)
      %slice3A_186 = vector.extract_strided_slice %get3A_16 {offsets = [4], sizes = [1], strides = [1]} : vector<16xi32> to vector<1xi32>
      %squeeze3A_187 = vector.extract %slice3A_186[0] : i32 from vector<1xi32>
      %and3A_188 = arith.constant -128 : i32
      %and3A_189 = arith.andi %squeeze3A_187, %and3A_188 : i32
      %multiple_of3A_190 = tpu.assume_multiple %and3A_189, 128 : i32
      %dma_start3A_191 = arith.constant 4 : i32
      %dma_start3A_192 = arith.constant 4 : i32
      %dma_start3A_193 = arith.constant 0 : i32
      %dma_start3A_194 = arith.constant 0 : i32
      %dma_start3A_195 = tpu.memref_slice %arg9[%dma_start3A_191, %dma_start3A_193, %dma_start3A_194] : memref<8x32x128xf32, #tpu.memory_space<vmem>> -> memref<1x32x128xf32, #tpu.memory_space<vmem>>
      %dma_start3A_196 = tpu.memref_squeeze %dma_start3A_195 : memref<1x32x128xf32, #tpu.memory_space<vmem>> -> memref<32x128xf32, #tpu.memory_space<vmem>>
      %dma_start3A_197 = arith.constant 0 : i32
      %dma_start3A_198 = tpu.memref_slice %arg4[%dma_start3A_197, %multiple_of3A_190] : memref<32x1000000xf32, #tpu.memory_space<hbm>> -> memref<32x128xf32, #tpu.memory_space<hbm>>
      %dma_start3A_199 = tpu.memref_slice %arg12[%dma_start3A_192] : memref<8x!tpu.dma_semaphore, #tpu.memory_space<semaphore_mem>> -> memref<1x!tpu.dma_semaphore, #tpu.memory_space<semaphore_mem>>
      %dma_start3A_200 = tpu.memref_squeeze %dma_start3A_199 : memref<1x!tpu.dma_semaphore, #tpu.memory_space<semaphore_mem>> -> memref<!tpu.dma_semaphore, #tpu.memory_space<semaphore_mem>>
      %dma_start3A_201 = arith.constant 0 : i32
      %dma_start3A_202 = arith.constant 0 : i32
      %dma_start3A_203 = tpu.memref_slice %arg9[%dma_start3A_191, %dma_start3A_201, %dma_start3A_202] : memref<8x32x128xf32, #tpu.memory_space<vmem>> -> memref<1x32x128xf32, #tpu.memory_space<vmem>>
      %dma_start3A_204 = tpu.memref_squeeze %dma_start3A_203 : memref<1x32x128xf32, #tpu.memory_space<vmem>> -> memref<32x128xf32, #tpu.memory_space<vmem>>
      %dma_start3A_205 = arith.constant 0 : i32
      %dma_start3A_206 = tpu.memref_slice %arg4[%dma_start3A_205, %multiple_of3A_190] : memref<32x1000000xf32, #tpu.memory_space<hbm>> -> memref<32x128xf32, #tpu.memory_space<hbm>>
      tpu.enqueue_dma source(%dma_start3A_206 : memref<32x128xf32, #tpu.memory_space<hbm>>) target(%dma_start3A_204 : memref<32x128xf32, #tpu.memory_space<vmem>>) target_semaphore(%dma_start3A_200 : memref<!tpu.dma_semaphore, #tpu.memory_space<semaphore_mem>>)
      %slice3A_207 = vector.extract_strided_slice %get3A_19 {offsets = [4], sizes = [1], strides = [1]} : vector<16xi32> to vector<1xi32>
      %squeeze3A_208 = vector.extract %slice3A_207[0] : i32 from vector<1xi32>
      %and3A_209 = arith.constant -128 : i32
      %and3A_210 = arith.andi %squeeze3A_208, %and3A_209 : i32
      %multiple_of3A_211 = tpu.assume_multiple %and3A_210, 128 : i32
      %dma_start3A_212 = arith.constant 4 : i32
      %dma_start3A_213 = arith.constant 4 : i32
      %dma_start3A_214 = arith.constant 0 : i32
      %dma_start3A_215 = arith.constant 0 : i32
      %dma_start3A_216 = tpu.memref_slice %arg10[%dma_start3A_212, %dma_start3A_214, %dma_start3A_215] : memref<8x32x128xf32, #tpu.memory_space<vmem>> -> memref<1x32x128xf32, #tpu.memory_space<vmem>>
      %dma_start3A_217 = tpu.memref_squeeze %dma_start3A_216 : memref<1x32x128xf32, #tpu.memory_space<vmem>> -> memref<32x128xf32, #tpu.memory_space<vmem>>
      %dma_start3A_218 = arith.constant 0 : i32
      %dma_start3A_219 = tpu.memref_slice %arg5[%dma_start3A_218, %multiple_of3A_211] : memref<32x1000000xf32, #tpu.memory_space<hbm>> -> memref<32x128xf32, #tpu.memory_space<hbm>>
      %dma_start3A_220 = tpu.memref_slice %arg13[%dma_start3A_213] : memref<8x!tpu.dma_semaphore, #tpu.memory_space<semaphore_mem>> -> memref<1x!tpu.dma_semaphore, #tpu.memory_space<semaphore_mem>>
      %dma_start3A_221 = tpu.memref_squeeze %dma_start3A_220 : memref<1x!tpu.dma_semaphore, #tpu.memory_space<semaphore_mem>> -> memref<!tpu.dma_semaphore, #tpu.memory_space<semaphore_mem>>
      %dma_start3A_222 = arith.constant 0 : i32
      %dma_start3A_223 = arith.constant 0 : i32
      %dma_start3A_224 = tpu.memref_slice %arg10[%dma_start3A_212, %dma_start3A_222, %dma_start3A_223] : memref<8x32x128xf32, #tpu.memory_space<vmem>> -> memref<1x32x128xf32, #tpu.memory_space<vmem>>
      %dma_start3A_225 = tpu.memref_squeeze %dma_start3A_224 : memref<1x32x128xf32, #tpu.memory_space<vmem>> -> memref<32x128xf32, #tpu.memory_space<vmem>>
      %dma_start3A_226 = arith.constant 0 : i32
      %dma_start3A_227 = tpu.memref_slice %arg5[%dma_start3A_226, %multiple_of3A_211] : memref<32x1000000xf32, #tpu.memory_space<hbm>> -> memref<32x128xf32, #tpu.memory_space<hbm>>
      tpu.enqueue_dma source(%dma_start3A_227 : memref<32x128xf32, #tpu.memory_space<hbm>>) target(%dma_start3A_225 : memref<32x128xf32, #tpu.memory_space<vmem>>) target_semaphore(%dma_start3A_221 : memref<!tpu.dma_semaphore, #tpu.memory_space<semaphore_mem>>)
      %slice3A_228 = vector.extract_strided_slice %get3A_16 {offsets = [5], sizes = [1], strides = [1]} : vector<16xi32> to vector<1xi32>
      %squeeze3A_229 = vector.extract %slice3A_228[0] : i32 from vector<1xi32>
      %and3A_230 = arith.constant -128 : i32
      %and3A_231 = arith.andi %squeeze3A_229, %and3A_230 : i32
      %multiple_of3A_232 = tpu.assume_multiple %and3A_231, 128 : i32
      %dma_start3A_233 = arith.constant 5 : i32
      %dma_start3A_234 = arith.constant 5 : i32
      %dma_start3A_235 = arith.constant 0 : i32
      %dma_start3A_236 = arith.constant 0 : i32
      %dma_start3A_237 = tpu.memref_slice %arg9[%dma_start3A_233, %dma_start3A_235, %dma_start3A_236] : memref<8x32x128xf32, #tpu.memory_space<vmem>> -> memref<1x32x128xf32, #tpu.memory_space<vmem>>
      %dma_start3A_238 = tpu.memref_squeeze %dma_start3A_237 : memref<1x32x128xf32, #tpu.memory_space<vmem>> -> memref<32x128xf32, #tpu.memory_space<vmem>>
      %dma_start3A_239 = arith.constant 0 : i32
      %dma_start3A_240 = tpu.memref_slice %arg4[%dma_start3A_239, %multiple_of3A_232] : memref<32x1000000xf32, #tpu.memory_space<hbm>> -> memref<32x128xf32, #tpu.memory_space<hbm>>
      %dma_start3A_241 = tpu.memref_slice %arg12[%dma_start3A_234] : memref<8x!tpu.dma_semaphore, #tpu.memory_space<semaphore_mem>> -> memref<1x!tpu.dma_semaphore, #tpu.memory_space<semaphore_mem>>
      %dma_start3A_242 = tpu.memref_squeeze %dma_start3A_241 : memref<1x!tpu.dma_semaphore, #tpu.memory_space<semaphore_mem>> -> memref<!tpu.dma_semaphore, #tpu.memory_space<semaphore_mem>>
      %dma_start3A_243 = arith.constant 0 : i32
      %dma_start3A_244 = arith.constant 0 : i32
      %dma_start3A_245 = tpu.memref_slice %arg9[%dma_start3A_233, %dma_start3A_243, %dma_start3A_244] : memref<8x32x128xf32, #tpu.memory_space<vmem>> -> memref<1x32x128xf32, #tpu.memory_space<vmem>>
      %dma_start3A_246 = tpu.memref_squeeze %dma_start3A_245 : memref<1x32x128xf32, #tpu.memory_space<vmem>> -> memref<32x128xf32, #tpu.memory_space<vmem>>
      %dma_start3A_247 = arith.constant 0 : i32
      %dma_start3A_248 = tpu.memref_slice %arg4[%dma_start3A_247, %multiple_of3A_232] : memref<32x1000000xf32, #tpu.memory_space<hbm>> -> memref<32x128xf32, #tpu.memory_space<hbm>>
      tpu.enqueue_dma source(%dma_start3A_248 : memref<32x128xf32, #tpu.memory_space<hbm>>) target(%dma_start3A_246 : memref<32x128xf32, #tpu.memory_space<vmem>>) target_semaphore(%dma_start3A_242 : memref<!tpu.dma_semaphore, #tpu.memory_space<semaphore_mem>>)
      %slice3A_249 = vector.extract_strided_slice %get3A_19 {offsets = [5], sizes = [1], strides = [1]} : vector<16xi32> to vector<1xi32>
      %squeeze3A_250 = vector.extract %slice3A_249[0] : i32 from vector<1xi32>
      %and3A_251 = arith.constant -128 : i32
      %and3A_252 = arith.andi %squeeze3A_250, %and3A_251 : i32
      %multiple_of3A_253 = tpu.assume_multiple %and3A_252, 128 : i32
      %dma_start3A_254 = arith.constant 5 : i32
      %dma_start3A_255 = arith.constant 5 : i32
      %dma_start3A_256 = arith.constant 0 : i32
      %dma_start3A_257 = arith.constant 0 : i32
      %dma_start3A_258 = tpu.memref_slice %arg10[%dma_start3A_254, %dma_start3A_256, %dma_start3A_257] : memref<8x32x128xf32, #tpu.memory_space<vmem>> -> memref<1x32x128xf32, #tpu.memory_space<vmem>>
      %dma_start3A_259 = tpu.memref_squeeze %dma_start3A_258 : memref<1x32x128xf32, #tpu.memory_space<vmem>> -> memref<32x128xf32, #tpu.memory_space<vmem>>
      %dma_start3A_260 = arith.constant 0 : i32
      %dma_start3A_261 = tpu.memref_slice %arg5[%dma_start3A_260, %multiple_of3A_253] : memref<32x1000000xf32, #tpu.memory_space<hbm>> -> memref<32x128xf32, #tpu.memory_space<hbm>>
      %dma_start3A_262 = tpu.memref_slice %arg13[%dma_start3A_255] : memref<8x!tpu.dma_semaphore, #tpu.memory_space<semaphore_mem>> -> memref<1x!tpu.dma_semaphore, #tpu.memory_space<semaphore_mem>>
      %dma_start3A_263 = tpu.memref_squeeze %dma_start3A_262 : memref<1x!tpu.dma_semaphore, #tpu.memory_space<semaphore_mem>> -> memref<!tpu.dma_semaphore, #tpu.memory_space<semaphore_mem>>
      %dma_start3A_264 = arith.constant 0 : i32
      %dma_start3A_265 = arith.constant 0 : i32
      %dma_start3A_266 = tpu.memref_slice %arg10[%dma_start3A_254, %dma_start3A_264, %dma_start3A_265] : memref<8x32x128xf32, #tpu.memory_space<vmem>> -> memref<1x32x128xf32, #tpu.memory_space<vmem>>
      %dma_start3A_267 = tpu.memref_squeeze %dma_start3A_266 : memref<1x32x128xf32, #tpu.memory_space<vmem>> -> memref<32x128xf32, #tpu.memory_space<vmem>>
      %dma_start3A_268 = arith.constant 0 : i32
      %dma_start3A_269 = tpu.memref_slice %arg5[%dma_start3A_268, %multiple_of3A_253] : memref<32x1000000xf32, #tpu.memory_space<hbm>> -> memref<32x128xf32, #tpu.memory_space<hbm>>
      tpu.enqueue_dma source(%dma_start3A_269 : memref<32x128xf32, #tpu.memory_space<hbm>>) target(%dma_start3A_267 : memref<32x128xf32, #tpu.memory_space<vmem>>) target_semaphore(%dma_start3A_263 : memref<!tpu.dma_semaphore, #tpu.memory_space<semaphore_mem>>)
      %slice3A_270 = vector.extract_strided_slice %get3A_16 {offsets = [6], sizes = [1], strides = [1]} : vector<16xi32> to vector<1xi32>
      %squeeze3A_271 = vector.extract %slice3A_270[0] : i32 from vector<1xi32>
      %and3A_272 = arith.constant -128 : i32
      %and3A_273 = arith.andi %squeeze3A_271, %and3A_272 : i32
      %multiple_of3A_274 = tpu.assume_multiple %and3A_273, 128 : i32
      %dma_start3A_275 = arith.constant 6 : i32
      %dma_start3A_276 = arith.constant 6 : i32
      %dma_start3A_277 = arith.constant 0 : i32
      %dma_start3A_278 = arith.constant 0 : i32
      %dma_start3A_279 = tpu.memref_slice %arg9[%dma_start3A_275, %dma_start3A_277, %dma_start3A_278] : memref<8x32x128xf32, #tpu.memory_space<vmem>> -> memref<1x32x128xf32, #tpu.memory_space<vmem>>
      %dma_start3A_280 = tpu.memref_squeeze %dma_start3A_279 : memref<1x32x128xf32, #tpu.memory_space<vmem>> -> memref<32x128xf32, #tpu.memory_space<vmem>>
      %dma_start3A_281 = arith.constant 0 : i32
      %dma_start3A_282 = tpu.memref_slice %arg4[%dma_start3A_281, %multiple_of3A_274] : memref<32x1000000xf32, #tpu.memory_space<hbm>> -> memref<32x128xf32, #tpu.memory_space<hbm>>
      %dma_start3A_283 = tpu.memref_slice %arg12[%dma_start3A_276] : memref<8x!tpu.dma_semaphore, #tpu.memory_space<semaphore_mem>> -> memref<1x!tpu.dma_semaphore, #tpu.memory_space<semaphore_mem>>
      %dma_start3A_284 = tpu.memref_squeeze %dma_start3A_283 : memref<1x!tpu.dma_semaphore, #tpu.memory_space<semaphore_mem>> -> memref<!tpu.dma_semaphore, #tpu.memory_space<semaphore_mem>>
      %dma_start3A_285 = arith.constant 0 : i32
      %dma_start3A_286 = arith.constant 0 : i32
      %dma_start3A_287 = tpu.memref_slice %arg9[%dma_start3A_275, %dma_start3A_285, %dma_start3A_286] : memref<8x32x128xf32, #tpu.memory_space<vmem>> -> memref<1x32x128xf32, #tpu.memory_space<vmem>>
      %dma_start3A_288 = tpu.memref_squeeze %dma_start3A_287 : memref<1x32x128xf32, #tpu.memory_space<vmem>> -> memref<32x128xf32, #tpu.memory_space<vmem>>
      %dma_start3A_289 = arith.constant 0 : i32
      %dma_start3A_290 = tpu.memref_slice %arg4[%dma_start3A_289, %multiple_of3A_274] : memref<32x1000000xf32, #tpu.memory_space<hbm>> -> memref<32x128xf32, #tpu.memory_space<hbm>>
      tpu.enqueue_dma source(%dma_start3A_290 : memref<32x128xf32, #tpu.memory_space<hbm>>) target(%dma_start3A_288 : memref<32x128xf32, #tpu.memory_space<vmem>>) target_semaphore(%dma_start3A_284 : memref<!tpu.dma_semaphore, #tpu.memory_space<semaphore_mem>>)
      %slice3A_291 = vector.extract_strided_slice %get3A_19 {offsets = [6], sizes = [1], strides = [1]} : vector<16xi32> to vector<1xi32>
      %squeeze3A_292 = vector.extract %slice3A_291[0] : i32 from vector<1xi32>
      %and3A_293 = arith.constant -128 : i32
      %and3A_294 = arith.andi %squeeze3A_292, %and3A_293 : i32
      %multiple_of3A_295 = tpu.assume_multiple %and3A_294, 128 : i32
      %dma_start3A_296 = arith.constant 6 : i32
      %dma_start3A_297 = arith.constant 6 : i32
      %dma_start3A_298 = arith.constant 0 : i32
      %dma_start3A_299 = arith.constant 0 : i32
      %dma_start3A_300 = tpu.memref_slice %arg10[%dma_start3A_296, %dma_start3A_298, %dma_start3A_299] : memref<8x32x128xf32, #tpu.memory_space<vmem>> -> memref<1x32x128xf32, #tpu.memory_space<vmem>>
      %dma_start3A_301 = tpu.memref_squeeze %dma_start3A_300 : memref<1x32x128xf32, #tpu.memory_space<vmem>> -> memref<32x128xf32, #tpu.memory_space<vmem>>
      %dma_start3A_302 = arith.constant 0 : i32
      %dma_start3A_303 = tpu.memref_slice %arg5[%dma_start3A_302, %multiple_of3A_295] : memref<32x1000000xf32, #tpu.memory_space<hbm>> -> memref<32x128xf32, #tpu.memory_space<hbm>>
      %dma_start3A_304 = tpu.memref_slice %arg13[%dma_start3A_297] : memref<8x!tpu.dma_semaphore, #tpu.memory_space<semaphore_mem>> -> memref<1x!tpu.dma_semaphore, #tpu.memory_space<semaphore_mem>>
      %dma_start3A_305 = tpu.memref_squeeze %dma_start3A_304 : memref<1x!tpu.dma_semaphore, #tpu.memory_space<semaphore_mem>> -> memref<!tpu.dma_semaphore, #tpu.memory_space<semaphore_mem>>
      %dma_start3A_306 = arith.constant 0 : i32
      %dma_start3A_307 = arith.constant 0 : i32
      %dma_start3A_308 = tpu.memref_slice %arg10[%dma_start3A_296, %dma_start3A_306, %dma_start3A_307] : memref<8x32x128xf32, #tpu.memory_space<vmem>> -> memref<1x32x128xf32, #tpu.memory_space<vmem>>
      %dma_start3A_309 = tpu.memref_squeeze %dma_start3A_308 : memref<1x32x128xf32, #tpu.memory_space<vmem>> -> memref<32x128xf32, #tpu.memory_space<vmem>>
      %dma_start3A_310 = arith.constant 0 : i32
      %dma_start3A_311 = tpu.memref_slice %arg5[%dma_start3A_310, %multiple_of3A_295] : memref<32x1000000xf32, #tpu.memory_space<hbm>> -> memref<32x128xf32, #tpu.memory_space<hbm>>
      tpu.enqueue_dma source(%dma_start3A_311 : memref<32x128xf32, #tpu.memory_space<hbm>>) target(%dma_start3A_309 : memref<32x128xf32, #tpu.memory_space<vmem>>) target_semaphore(%dma_start3A_305 : memref<!tpu.dma_semaphore, #tpu.memory_space<semaphore_mem>>)
      %slice3A_312 = vector.extract_strided_slice %get3A_16 {offsets = [7], sizes = [1], strides = [1]} : vector<16xi32> to vector<1xi32>
      %squeeze3A_313 = vector.extract %slice3A_312[0] : i32 from vector<1xi32>
      %and3A_314 = arith.constant -128 : i32
      %and3A_315 = arith.andi %squeeze3A_313, %and3A_314 : i32
      %multiple_of3A_316 = tpu.assume_multiple %and3A_315, 128 : i32
      %dma_start3A_317 = arith.constant 7 : i32
      %dma_start3A_318 = arith.constant 7 : i32
      %dma_start3A_319 = arith.constant 0 : i32
      %dma_start3A_320 = arith.constant 0 : i32
      %dma_start3A_321 = tpu.memref_slice %arg9[%dma_start3A_317, %dma_start3A_319, %dma_start3A_320] : memref<8x32x128xf32, #tpu.memory_space<vmem>> -> memref<1x32x128xf32, #tpu.memory_space<vmem>>
      %dma_start3A_322 = tpu.memref_squeeze %dma_start3A_321 : memref<1x32x128xf32, #tpu.memory_space<vmem>> -> memref<32x128xf32, #tpu.memory_space<vmem>>
      %dma_start3A_323 = arith.constant 0 : i32
      %dma_start3A_324 = tpu.memref_slice %arg4[%dma_start3A_323, %multiple_of3A_316] : memref<32x1000000xf32, #tpu.memory_space<hbm>> -> memref<32x128xf32, #tpu.memory_space<hbm>>
      %dma_start3A_325 = tpu.memref_slice %arg12[%dma_start3A_318] : memref<8x!tpu.dma_semaphore, #tpu.memory_space<semaphore_mem>> -> memref<1x!tpu.dma_semaphore, #tpu.memory_space<semaphore_mem>>
      %dma_start3A_326 = tpu.memref_squeeze %dma_start3A_325 : memref<1x!tpu.dma_semaphore, #tpu.memory_space<semaphore_mem>> -> memref<!tpu.dma_semaphore, #tpu.memory_space<semaphore_mem>>
      %dma_start3A_327 = arith.constant 0 : i32
      %dma_start3A_328 = arith.constant 0 : i32
      %dma_start3A_329 = tpu.memref_slice %arg9[%dma_start3A_317, %dma_start3A_327, %dma_start3A_328] : memref<8x32x128xf32, #tpu.memory_space<vmem>> -> memref<1x32x128xf32, #tpu.memory_space<vmem>>
      %dma_start3A_330 = tpu.memref_squeeze %dma_start3A_329 : memref<1x32x128xf32, #tpu.memory_space<vmem>> -> memref<32x128xf32, #tpu.memory_space<vmem>>
      %dma_start3A_331 = arith.constant 0 : i32
      %dma_start3A_332 = tpu.memref_slice %arg4[%dma_start3A_331, %multiple_of3A_316] : memref<32x1000000xf32, #tpu.memory_space<hbm>> -> memref<32x128xf32, #tpu.memory_space<hbm>>
      tpu.enqueue_dma source(%dma_start3A_332 : memref<32x128xf32, #tpu.memory_space<hbm>>) target(%dma_start3A_330 : memref<32x128xf32, #tpu.memory_space<vmem>>) target_semaphore(%dma_start3A_326 : memref<!tpu.dma_semaphore, #tpu.memory_space<semaphore_mem>>)
      %slice3A_333 = vector.extract_strided_slice %get3A_19 {offsets = [7], sizes = [1], strides = [1]} : vector<16xi32> to vector<1xi32>
      %squeeze3A_334 = vector.extract %slice3A_333[0] : i32 from vector<1xi32>
      %and3A_335 = arith.constant -128 : i32
      %and3A_336 = arith.andi %squeeze3A_334, %and3A_335 : i32
      %multiple_of3A_337 = tpu.assume_multiple %and3A_336, 128 : i32
      %dma_start3A_338 = arith.constant 7 : i32
      %dma_start3A_339 = arith.constant 7 : i32
      %dma_start3A_340 = arith.constant 0 : i32
      %dma_start3A_341 = arith.constant 0 : i32
      %dma_start3A_342 = tpu.memref_slice %arg10[%dma_start3A_338, %dma_start3A_340, %dma_start3A_341] : memref<8x32x128xf32, #tpu.memory_space<vmem>> -> memref<1x32x128xf32, #tpu.memory_space<vmem>>
      %dma_start3A_343 = tpu.memref_squeeze %dma_start3A_342 : memref<1x32x128xf32, #tpu.memory_space<vmem>> -> memref<32x128xf32, #tpu.memory_space<vmem>>
      %dma_start3A_344 = arith.constant 0 : i32
      %dma_start3A_345 = tpu.memref_slice %arg5[%dma_start3A_344, %multiple_of3A_337] : memref<32x1000000xf32, #tpu.memory_space<hbm>> -> memref<32x128xf32, #tpu.memory_space<hbm>>
      %dma_start3A_346 = tpu.memref_slice %arg13[%dma_start3A_339] : memref<8x!tpu.dma_semaphore, #tpu.memory_space<semaphore_mem>> -> memref<1x!tpu.dma_semaphore, #tpu.memory_space<semaphore_mem>>
      %dma_start3A_347 = tpu.memref_squeeze %dma_start3A_346 : memref<1x!tpu.dma_semaphore, #tpu.memory_space<semaphore_mem>> -> memref<!tpu.dma_semaphore, #tpu.memory_space<semaphore_mem>>
      %dma_start3A_348 = arith.constant 0 : i32
      %dma_start3A_349 = arith.constant 0 : i32
      %dma_start3A_350 = tpu.memref_slice %arg10[%dma_start3A_338, %dma_start3A_348, %dma_start3A_349] : memref<8x32x128xf32, #tpu.memory_space<vmem>> -> memref<1x32x128xf32, #tpu.memory_space<vmem>>
      %dma_start3A_351 = tpu.memref_squeeze %dma_start3A_350 : memref<1x32x128xf32, #tpu.memory_space<vmem>> -> memref<32x128xf32, #tpu.memory_space<vmem>>
      %dma_start3A_352 = arith.constant 0 : i32
      %dma_start3A_353 = tpu.memref_slice %arg5[%dma_start3A_352, %multiple_of3A_337] : memref<32x1000000xf32, #tpu.memory_space<hbm>> -> memref<32x128xf32, #tpu.memory_space<hbm>>
      tpu.enqueue_dma source(%dma_start3A_353 : memref<32x128xf32, #tpu.memory_space<hbm>>) target(%dma_start3A_351 : memref<32x128xf32, #tpu.memory_space<vmem>>) target_semaphore(%dma_start3A_347 : memref<!tpu.dma_semaphore, #tpu.memory_space<semaphore_mem>>)
      %dma_wait3A = arith.constant 0 : i32
      %dma_wait3A_354 = arith.constant 0 : i32
      %dma_wait3A_355 = arith.constant 0 : i32
      %dma_wait3A_356 = arith.constant 0 : i32
      %dma_wait3A_357 = tpu.memref_slice %arg9[%dma_wait3A, %dma_wait3A_355, %dma_wait3A_356] : memref<8x32x128xf32, #tpu.memory_space<vmem>> -> memref<1x32x128xf32, #tpu.memory_space<vmem>>
      %dma_wait3A_358 = tpu.memref_squeeze %dma_wait3A_357 : memref<1x32x128xf32, #tpu.memory_space<vmem>> -> memref<32x128xf32, #tpu.memory_space<vmem>>
      %dma_wait3A_359 = arith.constant 0 : i32
      %dma_wait3A_360 = arith.constant 0 : i32
      %dma_wait3A_361 = tpu.memref_slice %arg4[%dma_wait3A_359, %dma_wait3A_360] : memref<32x1000000xf32, #tpu.memory_space<hbm>> -> memref<32x128xf32, #tpu.memory_space<hbm>>
      %dma_wait3A_362 = tpu.memref_slice %arg12[%dma_wait3A_354] : memref<8x!tpu.dma_semaphore, #tpu.memory_space<semaphore_mem>> -> memref<1x!tpu.dma_semaphore, #tpu.memory_space<semaphore_mem>>
      %dma_wait3A_363 = tpu.memref_squeeze %dma_wait3A_362 : memref<1x!tpu.dma_semaphore, #tpu.memory_space<semaphore_mem>> -> memref<!tpu.dma_semaphore, #tpu.memory_space<semaphore_mem>>
      %dma_wait3A_364 = arith.constant 0 : i32
      %dma_wait3A_365 = arith.constant 0 : i32
      %dma_wait3A_366 = tpu.memref_slice %arg9[%dma_wait3A, %dma_wait3A_364, %dma_wait3A_365] : memref<8x32x128xf32, #tpu.memory_space<vmem>> -> memref<1x32x128xf32, #tpu.memory_space<vmem>>
      %dma_wait3A_367 = tpu.memref_squeeze %dma_wait3A_366 : memref<1x32x128xf32, #tpu.memory_space<vmem>> -> memref<32x128xf32, #tpu.memory_space<vmem>>
      %dma_wait3A_368 = arith.constant 0 : i32
      %dma_wait3A_369 = arith.constant 0 : i32
      %dma_wait3A_370 = tpu.memref_slice %arg4[%dma_wait3A_368, %dma_wait3A_369] : memref<32x1000000xf32, #tpu.memory_space<hbm>> -> memref<32x128xf32, #tpu.memory_space<hbm>>
      tpu.wait_dma2 semaphore(%dma_wait3A_363 : memref<!tpu.dma_semaphore, #tpu.memory_space<semaphore_mem>>) src(%dma_wait3A_370 : memref<32x128xf32, #tpu.memory_space<hbm>>) dst(%dma_wait3A_367 : memref<32x128xf32, #tpu.memory_space<vmem>>)
      %dma_wait3A_371 = arith.constant 0 : i32
      %dma_wait3A_372 = arith.constant 0 : i32
      %dma_wait3A_373 = arith.constant 0 : i32
      %dma_wait3A_374 = arith.constant 0 : i32
      %dma_wait3A_375 = tpu.memref_slice %arg10[%dma_wait3A_371, %dma_wait3A_373, %dma_wait3A_374] : memref<8x32x128xf32, #tpu.memory_space<vmem>> -> memref<1x32x128xf32, #tpu.memory_space<vmem>>
      %dma_wait3A_376 = tpu.memref_squeeze %dma_wait3A_375 : memref<1x32x128xf32, #tpu.memory_space<vmem>> -> memref<32x128xf32, #tpu.memory_space<vmem>>
      %dma_wait3A_377 = arith.constant 0 : i32
      %dma_wait3A_378 = arith.constant 0 : i32
      %dma_wait3A_379 = tpu.memref_slice %arg5[%dma_wait3A_377, %dma_wait3A_378] : memref<32x1000000xf32, #tpu.memory_space<hbm>> -> memref<32x128xf32, #tpu.memory_space<hbm>>
      %dma_wait3A_380 = tpu.memref_slice %arg13[%dma_wait3A_372] : memref<8x!tpu.dma_semaphore, #tpu.memory_space<semaphore_mem>> -> memref<1x!tpu.dma_semaphore, #tpu.memory_space<semaphore_mem>>
      %dma_wait3A_381 = tpu.memref_squeeze %dma_wait3A_380 : memref<1x!tpu.dma_semaphore, #tpu.memory_space<semaphore_mem>> -> memref<!tpu.dma_semaphore, #tpu.memory_space<semaphore_mem>>
      %dma_wait3A_382 = arith.constant 0 : i32
      %dma_wait3A_383 = arith.constant 0 : i32
      %dma_wait3A_384 = tpu.memref_slice %arg10[%dma_wait3A_371, %dma_wait3A_382, %dma_wait3A_383] : memref<8x32x128xf32, #tpu.memory_space<vmem>> -> memref<1x32x128xf32, #tpu.memory_space<vmem>>
      %dma_wait3A_385 = tpu.memref_squeeze %dma_wait3A_384 : memref<1x32x128xf32, #tpu.memory_space<vmem>> -> memref<32x128xf32, #tpu.memory_space<vmem>>
      %dma_wait3A_386 = arith.constant 0 : i32
      %dma_wait3A_387 = arith.constant 0 : i32
      %dma_wait3A_388 = tpu.memref_slice %arg5[%dma_wait3A_386, %dma_wait3A_387] : memref<32x1000000xf32, #tpu.memory_space<hbm>> -> memref<32x128xf32, #tpu.memory_space<hbm>>
      tpu.wait_dma2 semaphore(%dma_wait3A_381 : memref<!tpu.dma_semaphore, #tpu.memory_space<semaphore_mem>>) src(%dma_wait3A_388 : memref<32x128xf32, #tpu.memory_space<hbm>>) dst(%dma_wait3A_385 : memref<32x128xf32, #tpu.memory_space<vmem>>)
      %slice3A_389 = vector.extract_strided_slice %get3A_16 {offsets = [0], sizes = [1], strides = [1]} : vector<16xi32> to vector<1xi32>
      %squeeze3A_390 = vector.extract %slice3A_389[0] : i32 from vector<1xi32>
      %and3A_391 = arith.constant 127 : i32
      %and3A_392 = arith.andi %squeeze3A_390, %and3A_391 : i32
      %slice3A_393 = vector.extract_strided_slice %get3A_19 {offsets = [0], sizes = [1], strides = [1]} : vector<16xi32> to vector<1xi32>
      %squeeze3A_394 = vector.extract %slice3A_393[0] : i32 from vector<1xi32>
      %and3A_395 = arith.constant 127 : i32
      %and3A_396 = arith.andi %squeeze3A_394, %and3A_395 : i32
      %broadcast_in_dim3A = vector.broadcast %and3A_392 : i32 to vector<16xi32>
      %gather3A = arith.constant 0 : i32
      %gather3A_397 = arith.constant 0 : i32
      %gather3A_398 = arith.constant 0 : i32
      %gather3A_399 = tpu.memref_slice %arg9[%gather3A, %gather3A_397, %gather3A_398] : memref<8x32x128xf32, #tpu.memory_space<vmem>> -> memref<1x32x128xf32, #tpu.memory_space<vmem>>
      %gather3A_400 = tpu.memref_squeeze %gather3A_399 : memref<1x32x128xf32, #tpu.memory_space<vmem>> -> memref<32x128xf32, #tpu.memory_space<vmem>>
      %gather3A_401 = tpu.vector_load_idx %gather3A_400[%iota3A, %broadcast_in_dim3A] : memref<32x128xf32, #tpu.memory_space<vmem>>[vector<16xi32>, vector<16xi32>], vector<16xf32>,
      %add3A_402 = arith.constant 16 : i32
      %add3A_403 = vector.broadcast %add3A_402 : i32 to vector<16xi32>
      %add3A_404 = arith.addi %iota3A, %add3A_403 : vector<16xi32>
      %gather3A_405 = arith.constant 0 : i32
      %gather3A_406 = arith.constant 0 : i32
      %gather3A_407 = arith.constant 0 : i32
      %gather3A_408 = tpu.memref_slice %arg9[%gather3A_405, %gather3A_406, %gather3A_407] : memref<8x32x128xf32, #tpu.memory_space<vmem>> -> memref<1x32x128xf32, #tpu.memory_space<vmem>>
      %gather3A_409 = tpu.memref_squeeze %gather3A_408 : memref<1x32x128xf32, #tpu.memory_space<vmem>> -> memref<32x128xf32, #tpu.memory_space<vmem>>
      %gather3A_410 = tpu.vector_load_idx %gather3A_409[%add3A_404, %broadcast_in_dim3A] : memref<32x128xf32, #tpu.memory_space<vmem>>[vector<16xi32>, vector<16xi32>], vector<16xf32>,
      %broadcast_in_dim3A_411 = vector.broadcast %and3A_396 : i32 to vector<16xi32>
      %gather3A_412 = arith.constant 0 : i32
      %gather3A_413 = arith.constant 0 : i32
      %gather3A_414 = arith.constant 0 : i32
      %gather3A_415 = tpu.memref_slice %arg10[%gather3A_412, %gather3A_413, %gather3A_414] : memref<8x32x128xf32, #tpu.memory_space<vmem>> -> memref<1x32x128xf32, #tpu.memory_space<vmem>>
      %gather3A_416 = tpu.memref_squeeze %gather3A_415 : memref<1x32x128xf32, #tpu.memory_space<vmem>> -> memref<32x128xf32, #tpu.memory_space<vmem>>
      %gather3A_417 = tpu.vector_load_idx %gather3A_416[%iota3A, %broadcast_in_dim3A_411] : memref<32x128xf32, #tpu.memory_space<vmem>>[vector<16xi32>, vector<16xi32>], vector<16xf32>,
      %add3A_418 = arith.constant 16 : i32
      %add3A_419 = vector.broadcast %add3A_418 : i32 to vector<16xi32>
      %add3A_420 = arith.addi %iota3A, %add3A_419 : vector<16xi32>
      %gather3A_421 = arith.constant 0 : i32
      %gather3A_422 = arith.constant 0 : i32
      %gather3A_423 = arith.constant 0 : i32
      %gather3A_424 = tpu.memref_slice %arg10[%gather3A_421, %gather3A_422, %gather3A_423] : memref<8x32x128xf32, #tpu.memory_space<vmem>> -> memref<1x32x128xf32, #tpu.memory_space<vmem>>
      %gather3A_425 = tpu.memref_squeeze %gather3A_424 : memref<1x32x128xf32, #tpu.memory_space<vmem>> -> memref<32x128xf32, #tpu.memory_space<vmem>>
      %gather3A_426 = tpu.vector_load_idx %gather3A_425[%add3A_420, %broadcast_in_dim3A_411] : memref<32x128xf32, #tpu.memory_space<vmem>>[vector<16xi32>, vector<16xi32>], vector<16xf32>,
      %add3A_427 = arith.constant 0 : i32
      %add3A_428 = arith.addi %shift_left3A_21, %add3A_427 : i32
      %broadcast_in_dim3A_429 = vector.broadcast %add3A_428 : i32 to vector<16xi32>
      %mul3A_430 = arith.mulf %gather3A_401, %gather3A_417 : vector<16xf32>
      tpu.vector_store_idx %arg11[%iota3A, %broadcast_in_dim3A_429], %mul3A_430 : memref<32x512xf32, #tpu.memory_space<vmem>>[vector<16xi32>, vector<16xi32>], vector<16xf32>,
      %add3A_431 = arith.constant 16 : i32
      %add3A_432 = vector.broadcast %add3A_431 : i32 to vector<16xi32>
      %add3A_433 = arith.addi %iota3A, %add3A_432 : vector<16xi32>
      %mul3A_434 = arith.mulf %gather3A_410, %gather3A_426 : vector<16xf32>
      tpu.vector_store_idx %arg11[%add3A_433, %broadcast_in_dim3A_429], %mul3A_434 : memref<32x512xf32, #tpu.memory_space<vmem>>[vector<16xi32>, vector<16xi32>], vector<16xf32>,
      %slice3A_435 = vector.extract_strided_slice %get3A_16 {offsets = [8], sizes = [1], strides = [1]} : vector<16xi32> to vector<1xi32>
      %squeeze3A_436 = vector.extract %slice3A_435[0] : i32 from vector<1xi32>
      %and3A_437 = arith.constant -128 : i32
      %and3A_438 = arith.andi %squeeze3A_436, %and3A_437 : i32
      %multiple_of3A_439 = tpu.assume_multiple %and3A_438, 128 : i32
      %dma_start3A_440 = arith.constant 0 : i32
      %dma_start3A_441 = arith.constant 0 : i32
      %dma_start3A_442 = arith.constant 0 : i32
      %dma_start3A_443 = arith.constant 0 : i32
      %dma_start3A_444 = tpu.memref_slice %arg9[%dma_start3A_440, %dma_start3A_442, %dma_start3A_443] : memref<8x32x128xf32, #tpu.memory_space<vmem>> -> memref<1x32x128xf32, #tpu.memory_space<vmem>>
      %dma_start3A_445 = tpu.memref_squeeze %dma_start3A_444 : memref<1x32x128xf32, #tpu.memory_space<vmem>> -> memref<32x128xf32, #tpu.memory_space<vmem>>
      %dma_start3A_446 = arith.constant 0 : i32
      %dma_start3A_447 = tpu.memref_slice %arg4[%dma_start3A_446, %multiple_of3A_439] : memref<32x1000000xf32, #tpu.memory_space<hbm>> -> memref<32x128xf32, #tpu.memory_space<hbm>>
      %dma_start3A_448 = tpu.memref_slice %arg12[%dma_start3A_441] : memref<8x!tpu.dma_semaphore, #tpu.memory_space<semaphore_mem>> -> memref<1x!tpu.dma_semaphore, #tpu.memory_space<semaphore_mem>>
      %dma_start3A_449 = tpu.memref_squeeze %dma_start3A_448 : memref<1x!tpu.dma_semaphore, #tpu.memory_space<semaphore_mem>> -> memref<!tpu.dma_semaphore, #tpu.memory_space<semaphore_mem>>
      %dma_start3A_450 = arith.constant 0 : i32
      %dma_start3A_451 = arith.constant 0 : i32
      %dma_start3A_452 = tpu.memref_slice %arg9[%dma_start3A_440, %dma_start3A_450, %dma_start3A_451] : memref<8x32x128xf32, #tpu.memory_space<vmem>> -> memref<1x32x128xf32, #tpu.memory_space<vmem>>
      %dma_start3A_453 = tpu.memref_squeeze %dma_start3A_452 : memref<1x32x128xf32, #tpu.memory_space<vmem>> -> memref<32x128xf32, #tpu.memory_space<vmem>>
      %dma_start3A_454 = arith.constant 0 : i32
      %dma_start3A_455 = tpu.memref_slice %arg4[%dma_start3A_454, %multiple_of3A_439] : memref<32x1000000xf32, #tpu.memory_space<hbm>> -> memref<32x128xf32, #tpu.memory_space<hbm>>
      tpu.enqueue_dma source(%dma_start3A_455 : memref<32x128xf32, #tpu.memory_space<hbm>>) target(%dma_start3A_453 : memref<32x128xf32, #tpu.memory_space<vmem>>) target_semaphore(%dma_start3A_449 : memref<!tpu.dma_semaphore, #tpu.memory_space<semaphore_mem>>)
      %slice3A_456 = vector.extract_strided_slice %get3A_19 {offsets = [8], sizes = [1], strides = [1]} : vector<16xi32> to vector<1xi32>
      %squeeze3A_457 = vector.extract %slice3A_456[0] : i32 from vector<1xi32>
      %and3A_458 = arith.constant -128 : i32
      %and3A_459 = arith.andi %squeeze3A_457, %and3A_458 : i32
      %multiple_of3A_460 = tpu.assume_multiple %and3A_459, 128 : i32
      %dma_start3A_461 = arith.constant 0 : i32
      %dma_start3A_462 = arith.constant 0 : i32
      %dma_start3A_463 = arith.constant 0 : i32
      %dma_start3A_464 = arith.constant 0 : i32
      %dma_start3A_465 = tpu.memref_slice %arg10[%dma_start3A_461, %dma_start3A_463, %dma_start3A_464] : memref<8x32x128xf32, #tpu.memory_space<vmem>> -> memref<1x32x128xf32, #tpu.memory_space<vmem>>
      %dma_start3A_466 = tpu.memref_squeeze %dma_start3A_465 : memref<1x32x128xf32, #tpu.memory_space<vmem>> -> memref<32x128xf32, #tpu.memory_space<vmem>>
      %dma_start3A_467 = arith.constant 0 : i32
      %dma_start3A_468 = tpu.memref_slice %arg5[%dma_start3A_467, %multiple_of3A_460] : memref<32x1000000xf32, #tpu.memory_space<hbm>> -> memref<32x128xf32, #tpu.memory_space<hbm>>
      %dma_start3A_469 = tpu.memref_slice %arg13[%dma_start3A_462] : memref<8x!tpu.dma_semaphore, #tpu.memory_space<semaphore_mem>> -> memref<1x!tpu.dma_semaphore, #tpu.memory_space<semaphore_mem>>
      %dma_start3A_470 = tpu.memref_squeeze %dma_start3A_469 : memref<1x!tpu.dma_semaphore, #tpu.memory_space<semaphore_mem>> -> memref<!tpu.dma_semaphore, #tpu.memory_space<semaphore_mem>>
      %dma_start3A_471 = arith.constant 0 : i32
      %dma_start3A_472 = arith.constant 0 : i32
      %dma_start3A_473 = tpu.memref_slice %arg10[%dma_start3A_461, %dma_start3A_471, %dma_start3A_472] : memref<8x32x128xf32, #tpu.memory_space<vmem>> -> memref<1x32x128xf32, #tpu.memory_space<vmem>>
      %dma_start3A_474 = tpu.memref_squeeze %dma_start3A_473 : memref<1x32x128xf32, #tpu.memory_space<vmem>> -> memref<32x128xf32, #tpu.memory_space<vmem>>
      %dma_start3A_475 = arith.constant 0 : i32
      %dma_start3A_476 = tpu.memref_slice %arg5[%dma_start3A_475, %multiple_of3A_460] : memref<32x1000000xf32, #tpu.memory_space<hbm>> -> memref<32x128xf32, #tpu.memory_space<hbm>>
      tpu.enqueue_dma source(%dma_start3A_476 : memref<32x128xf32, #tpu.memory_space<hbm>>) target(%dma_start3A_474 : memref<32x128xf32, #tpu.memory_space<vmem>>) target_semaphore(%dma_start3A_470 : memref<!tpu.dma_semaphore, #tpu.memory_space<semaphore_mem>>)
      %dma_wait3A_477 = arith.constant 1 : i32
      %dma_wait3A_478 = arith.constant 1 : i32
      %dma_wait3A_479 = arith.constant 0 : i32
      %dma_wait3A_480 = arith.constant 0 : i32
      %dma_wait3A_481 = tpu.memref_slice %arg9[%dma_wait3A_477, %dma_wait3A_479, %dma_wait3A_480] : memref<8x32x128xf32, #tpu.memory_space<vmem>> -> memref<1x32x128xf32, #tpu.memory_space<vmem>>
      %dma_wait3A_482 = tpu.memref_squeeze %dma_wait3A_481 : memref<1x32x128xf32, #tpu.memory_space<vmem>> -> memref<32x128xf32, #tpu.memory_space<vmem>>
      %dma_wait3A_483 = arith.constant 0 : i32
      %dma_wait3A_484 = arith.constant 0 : i32
      %dma_wait3A_485 = tpu.memref_slice %arg4[%dma_wait3A_483, %dma_wait3A_484] : memref<32x1000000xf32, #tpu.memory_space<hbm>> -> memref<32x128xf32, #tpu.memory_space<hbm>>
      %dma_wait3A_486 = tpu.memref_slice %arg12[%dma_wait3A_478] : memref<8x!tpu.dma_semaphore, #tpu.memory_space<semaphore_mem>> -> memref<1x!tpu.dma_semaphore, #tpu.memory_space<semaphore_mem>>
      %dma_wait3A_487 = tpu.memref_squeeze %dma_wait3A_486 : memref<1x!tpu.dma_semaphore, #tpu.memory_space<semaphore_mem>> -> memref<!tpu.dma_semaphore, #tpu.memory_space<semaphore_mem>>
      %dma_wait3A_488 = arith.constant 0 : i32
      %dma_wait3A_489 = arith.constant 0 : i32
      %dma_wait3A_490 = tpu.memref_slice %arg9[%dma_wait3A_477, %dma_wait3A_488, %dma_wait3A_489] : memref<8x32x128xf32, #tpu.memory_space<vmem>> -> memref<1x32x128xf32, #tpu.memory_space<vmem>>
      %dma_wait3A_491 = tpu.memref_squeeze %dma_wait3A_490 : memref<1x32x128xf32, #tpu.memory_space<vmem>> -> memref<32x128xf32, #tpu.memory_space<vmem>>
      %dma_wait3A_492 = arith.constant 0 : i32
      %dma_wait3A_493 = arith.constant 0 : i32
      %dma_wait3A_494 = tpu.memref_slice %arg4[%dma_wait3A_492, %dma_wait3A_493] : memref<32x1000000xf32, #tpu.memory_space<hbm>> -> memref<32x128xf32, #tpu.memory_space<hbm>>
      tpu.wait_dma2 semaphore(%dma_wait3A_487 : memref<!tpu.dma_semaphore, #tpu.memory_space<semaphore_mem>>) src(%dma_wait3A_494 : memref<32x128xf32, #tpu.memory_space<hbm>>) dst(%dma_wait3A_491 : memref<32x128xf32, #tpu.memory_space<vmem>>)
      %dma_wait3A_495 = arith.constant 1 : i32
      %dma_wait3A_496 = arith.constant 1 : i32
      %dma_wait3A_497 = arith.constant 0 : i32
      %dma_wait3A_498 = arith.constant 0 : i32
      %dma_wait3A_499 = tpu.memref_slice %arg10[%dma_wait3A_495, %dma_wait3A_497, %dma_wait3A_498] : memref<8x32x128xf32, #tpu.memory_space<vmem>> -> memref<1x32x128xf32, #tpu.memory_space<vmem>>
      %dma_wait3A_500 = tpu.memref_squeeze %dma_wait3A_499 : memref<1x32x128xf32, #tpu.memory_space<vmem>> -> memref<32x128xf32, #tpu.memory_space<vmem>>
      %dma_wait3A_501 = arith.constant 0 : i32
      %dma_wait3A_502 = arith.constant 0 : i32
      %dma_wait3A_503 = tpu.memref_slice %arg5[%dma_wait3A_501, %dma_wait3A_502] : memref<32x1000000xf32, #tpu.memory_space<hbm>> -> memref<32x128xf32, #tpu.memory_space<hbm>>
      %dma_wait3A_504 = tpu.memref_slice %arg13[%dma_wait3A_496] : memref<8x!tpu.dma_semaphore, #tpu.memory_space<semaphore_mem>> -> memref<1x!tpu.dma_semaphore, #tpu.memory_space<semaphore_mem>>
      %dma_wait3A_505 = tpu.memref_squeeze %dma_wait3A_504 : memref<1x!tpu.dma_semaphore, #tpu.memory_space<semaphore_mem>> -> memref<!tpu.dma_semaphore, #tpu.memory_space<semaphore_mem>>
      %dma_wait3A_506 = arith.constant 0 : i32
      %dma_wait3A_507 = arith.constant 0 : i32
      %dma_wait3A_508 = tpu.memref_slice %arg10[%dma_wait3A_495, %dma_wait3A_506, %dma_wait3A_507] : memref<8x32x128xf32, #tpu.memory_space<vmem>> -> memref<1x32x128xf32, #tpu.memory_space<vmem>>
      %dma_wait3A_509 = tpu.memref_squeeze %dma_wait3A_508 : memref<1x32x128xf32, #tpu.memory_space<vmem>> -> memref<32x128xf32, #tpu.memory_space<vmem>>
      %dma_wait3A_510 = arith.constant 0 : i32
      %dma_wait3A_511 = arith.constant 0 : i32
      %dma_wait3A_512 = tpu.memref_slice %arg5[%dma_wait3A_510, %dma_wait3A_511] : memref<32x1000000xf32, #tpu.memory_space<hbm>> -> memref<32x128xf32, #tpu.memory_space<hbm>>
      tpu.wait_dma2 semaphore(%dma_wait3A_505 : memref<!tpu.dma_semaphore, #tpu.memory_space<semaphore_mem>>) src(%dma_wait3A_512 : memref<32x128xf32, #tpu.memory_space<hbm>>) dst(%dma_wait3A_509 : memref<32x128xf32, #tpu.memory_space<vmem>>)
      %slice3A_513 = vector.extract_strided_slice %get3A_16 {offsets = [1], sizes = [1], strides = [1]} : vector<16xi32> to vector<1xi32>
      %squeeze3A_514 = vector.extract %slice3A_513[0] : i32 from vector<1xi32>
      %and3A_515 = arith.constant 127 : i32
      %and3A_516 = arith.andi %squeeze3A_514, %and3A_515 : i32
      %slice3A_517 = vector.extract_strided_slice %get3A_19 {offsets = [1], sizes = [1], strides = [1]} : vector<16xi32> to vector<1xi32>
      %squeeze3A_518 = vector.extract %slice3A_517[0] : i32 from vector<1xi32>
      %and3A_519 = arith.constant 127 : i32
      %and3A_520 = arith.andi %squeeze3A_518, %and3A_519 : i32
      %broadcast_in_dim3A_521 = vector.broadcast %and3A_516 : i32 to vector<16xi32>
      %gather3A_522 = arith.constant 1 : i32
      %gather3A_523 = arith.constant 0 : i32
      %gather3A_524 = arith.constant 0 : i32
      %gather3A_525 = tpu.memref_slice %arg9[%gather3A_522, %gather3A_523, %gather3A_524] : memref<8x32x128xf32, #tpu.memory_space<vmem>> -> memref<1x32x128xf32, #tpu.memory_space<vmem>>
      %gather3A_526 = tpu.memref_squeeze %gather3A_525 : memref<1x32x128xf32, #tpu.memory_space<vmem>> -> memref<32x128xf32, #tpu.memory_space<vmem>>
      %gather3A_527 = tpu.vector_load_idx %gather3A_526[%iota3A, %broadcast_in_dim3A_521] : memref<32x128xf32, #tpu.memory_space<vmem>>[vector<16xi32>, vector<16xi32>], vector<16xf32>,
      %add3A_528 = arith.constant 16 : i32
      %add3A_529 = vector.broadcast %add3A_528 : i32 to vector<16xi32>
      %add3A_530 = arith.addi %iota3A, %add3A_529 : vector<16xi32>
      %gather3A_531 = arith.constant 1 : i32
      %gather3A_532 = arith.constant 0 : i32
      %gather3A_533 = arith.constant 0 : i32
      %gather3A_534 = tpu.memref_slice %arg9[%gather3A_531, %gather3A_532, %gather3A_533] : memref<8x32x128xf32, #tpu.memory_space<vmem>> -> memref<1x32x128xf32, #tpu.memory_space<vmem>>
      %gather3A_535 = tpu.memref_squeeze %gather3A_534 : memref<1x32x128xf32, #tpu.memory_space<vmem>> -> memref<32x128xf32, #tpu.memory_space<vmem>>
      %gather3A_536 = tpu.vector_load_idx %gather3A_535[%add3A_530, %broadcast_in_dim3A_521] : memref<32x128xf32, #tpu.memory_space<vmem>>[vector<16xi32>, vector<16xi32>], vector<16xf32>,
      %broadcast_in_dim3A_537 = vector.broadcast %and3A_520 : i32 to vector<16xi32>
      %gather3A_538 = arith.constant 1 : i32
      %gather3A_539 = arith.constant 0 : i32
      %gather3A_540 = arith.constant 0 : i32
      %gather3A_541 = tpu.memref_slice %arg10[%gather3A_538, %gather3A_539, %gather3A_540] : memref<8x32x128xf32, #tpu.memory_space<vmem>> -> memref<1x32x128xf32, #tpu.memory_space<vmem>>
      %gather3A_542 = tpu.memref_squeeze %gather3A_541 : memref<1x32x128xf32, #tpu.memory_space<vmem>> -> memref<32x128xf32, #tpu.memory_space<vmem>>
      %gather3A_543 = tpu.vector_load_idx %gather3A_542[%iota3A, %broadcast_in_dim3A_537] : memref<32x128xf32, #tpu.memory_space<vmem>>[vector<16xi32>, vector<16xi32>], vector<16xf32>,
      %add3A_544 = arith.constant 16 : i32
      %add3A_545 = vector.broadcast %add3A_544 : i32 to vector<16xi32>
      %add3A_546 = arith.addi %iota3A, %add3A_545 : vector<16xi32>
      %gather3A_547 = arith.constant 1 : i32
      %gather3A_548 = arith.constant 0 : i32
      %gather3A_549 = arith.constant 0 : i32
      %gather3A_550 = tpu.memref_slice %arg10[%gather3A_547, %gather3A_548, %gather3A_549] : memref<8x32x128xf32, #tpu.memory_space<vmem>> -> memref<1x32x128xf32, #tpu.memory_space<vmem>>
      %gather3A_551 = tpu.memref_squeeze %gather3A_550 : memref<1x32x128xf32, #tpu.memory_space<vmem>> -> memref<32x128xf32, #tpu.memory_space<vmem>>
      %gather3A_552 = tpu.vector_load_idx %gather3A_551[%add3A_546, %broadcast_in_dim3A_537] : memref<32x128xf32, #tpu.memory_space<vmem>>[vector<16xi32>, vector<16xi32>], vector<16xf32>,
      %add3A_553 = arith.constant 1 : i32
      %add3A_554 = arith.addi %shift_left3A_21, %add3A_553 : i32
      %broadcast_in_dim3A_555 = vector.broadcast %add3A_554 : i32 to vector<16xi32>
      %mul3A_556 = arith.mulf %gather3A_527, %gather3A_543 : vector<16xf32>
      tpu.vector_store_idx %arg11[%iota3A, %broadcast_in_dim3A_555], %mul3A_556 : memref<32x512xf32, #tpu.memory_space<vmem>>[vector<16xi32>, vector<16xi32>], vector<16xf32>,
      %add3A_557 = arith.constant 16 : i32
      %add3A_558 = vector.broadcast %add3A_557 : i32 to vector<16xi32>
      %add3A_559 = arith.addi %iota3A, %add3A_558 : vector<16xi32>
      %mul3A_560 = arith.mulf %gather3A_536, %gather3A_552 : vector<16xf32>
      tpu.vector_store_idx %arg11[%add3A_559, %broadcast_in_dim3A_555], %mul3A_560 : memref<32x512xf32, #tpu.memory_space<vmem>>[vector<16xi32>, vector<16xi32>], vector<16xf32>,
      %slice3A_561 = vector.extract_strided_slice %get3A_16 {offsets = [9], sizes = [1], strides = [1]} : vector<16xi32> to vector<1xi32>
      %squeeze3A_562 = vector.extract %slice3A_561[0] : i32 from vector<1xi32>
      %and3A_563 = arith.constant -128 : i32
      %and3A_564 = arith.andi %squeeze3A_562, %and3A_563 : i32
      %multiple_of3A_565 = tpu.assume_multiple %and3A_564, 128 : i32
      %dma_start3A_566 = arith.constant 1 : i32
      %dma_start3A_567 = arith.constant 1 : i32
      %dma_start3A_568 = arith.constant 0 : i32
      %dma_start3A_569 = arith.constant 0 : i32
      %dma_start3A_570 = tpu.memref_slice %arg9[%dma_start3A_566, %dma_start3A_568, %dma_start3A_569] : memref<8x32x128xf32, #tpu.memory_space<vmem>> -> memref<1x32x128xf32, #tpu.memory_space<vmem>>
      %dma_start3A_571 = tpu.memref_squeeze %dma_start3A_570 : memref<1x32x128xf32, #tpu.memory_space<vmem>> -> memref<32x128xf32, #tpu.memory_space<vmem>>
      %dma_start3A_572 = arith.constant 0 : i32
      %dma_start3A_573 = tpu.memref_slice %arg4[%dma_start3A_572, %multiple_of3A_565] : memref<32x1000000xf32, #tpu.memory_space<hbm>> -> memref<32x128xf32, #tpu.memory_space<hbm>>
      %dma_start3A_574 = tpu.memref_slice %arg12[%dma_start3A_567] : memref<8x!tpu.dma_semaphore, #tpu.memory_space<semaphore_mem>> -> memref<1x!tpu.dma_semaphore, #tpu.memory_space<semaphore_mem>>
      %dma_start3A_575 = tpu.memref_squeeze %dma_start3A_574 : memref<1x!tpu.dma_semaphore, #tpu.memory_space<semaphore_mem>> -> memref<!tpu.dma_semaphore, #tpu.memory_space<semaphore_mem>>
      %dma_start3A_576 = arith.constant 0 : i32
      %dma_start3A_577 = arith.constant 0 : i32
      %dma_start3A_578 = tpu.memref_slice %arg9[%dma_start3A_566, %dma_start3A_576, %dma_start3A_577] : memref<8x32x128xf32, #tpu.memory_space<vmem>> -> memref<1x32x128xf32, #tpu.memory_space<vmem>>
      %dma_start3A_579 = tpu.memref_squeeze %dma_start3A_578 : memref<1x32x128xf32, #tpu.memory_space<vmem>> -> memref<32x128xf32, #tpu.memory_space<vmem>>
      %dma_start3A_580 = arith.constant 0 : i32
      %dma_start3A_581 = tpu.memref_slice %arg4[%dma_start3A_580, %multiple_of3A_565] : memref<32x1000000xf32, #tpu.memory_space<hbm>> -> memref<32x128xf32, #tpu.memory_space<hbm>>
      tpu.enqueue_dma source(%dma_start3A_581 : memref<32x128xf32, #tpu.memory_space<hbm>>) target(%dma_start3A_579 : memref<32x128xf32, #tpu.memory_space<vmem>>) target_semaphore(%dma_start3A_575 : memref<!tpu.dma_semaphore, #tpu.memory_space<semaphore_mem>>)
      %slice3A_582 = vector.extract_strided_slice %get3A_19 {offsets = [9], sizes = [1], strides = [1]} : vector<16xi32> to vector<1xi32>
      %squeeze3A_583 = vector.extract %slice3A_582[0] : i32 from vector<1xi32>
      %and3A_584 = arith.constant -128 : i32
      %and3A_585 = arith.andi %squeeze3A_583, %and3A_584 : i32
      %multiple_of3A_586 = tpu.assume_multiple %and3A_585, 128 : i32
      %dma_start3A_587 = arith.constant 1 : i32
      %dma_start3A_588 = arith.constant 1 : i32
      %dma_start3A_589 = arith.constant 0 : i32
      %dma_start3A_590 = arith.constant 0 : i32
      %dma_start3A_591 = tpu.memref_slice %arg10[%dma_start3A_587, %dma_start3A_589, %dma_start3A_590] : memref<8x32x128xf32, #tpu.memory_space<vmem>> -> memref<1x32x128xf32, #tpu.memory_space<vmem>>
      %dma_start3A_592 = tpu.memref_squeeze %dma_start3A_591 : memref<1x32x128xf32, #tpu.memory_space<vmem>> -> memref<32x128xf32, #tpu.memory_space<vmem>>
      %dma_start3A_593 = arith.constant 0 : i32
      %dma_start3A_594 = tpu.memref_slice %arg5[%dma_start3A_593, %multiple_of3A_586] : memref<32x1000000xf32, #tpu.memory_space<hbm>> -> memref<32x128xf32, #tpu.memory_space<hbm>>
      %dma_start3A_595 = tpu.memref_slice %arg13[%dma_start3A_588] : memref<8x!tpu.dma_semaphore, #tpu.memory_space<semaphore_mem>> -> memref<1x!tpu.dma_semaphore, #tpu.memory_space<semaphore_mem>>
      %dma_start3A_596 = tpu.memref_squeeze %dma_start3A_595 : memref<1x!tpu.dma_semaphore, #tpu.memory_space<semaphore_mem>> -> memref<!tpu.dma_semaphore, #tpu.memory_space<semaphore_mem>>
      %dma_start3A_597 = arith.constant 0 : i32
      %dma_start3A_598 = arith.constant 0 : i32
      %dma_start3A_599 = tpu.memref_slice %arg10[%dma_start3A_587, %dma_start3A_597, %dma_start3A_598] : memref<8x32x128xf32, #tpu.memory_space<vmem>> -> memref<1x32x128xf32, #tpu.memory_space<vmem>>
      %dma_start3A_600 = tpu.memref_squeeze %dma_start3A_599 : memref<1x32x128xf32, #tpu.memory_space<vmem>> -> memref<32x128xf32, #tpu.memory_space<vmem>>
      %dma_start3A_601 = arith.constant 0 : i32
      %dma_start3A_602 = tpu.memref_slice %arg5[%dma_start3A_601, %multiple_of3A_586] : memref<32x1000000xf32, #tpu.memory_space<hbm>> -> memref<32x128xf32, #tpu.memory_space<hbm>>
      tpu.enqueue_dma source(%dma_start3A_602 : memref<32x128xf32, #tpu.memory_space<hbm>>) target(%dma_start3A_600 : memref<32x128xf32, #tpu.memory_space<vmem>>) target_semaphore(%dma_start3A_596 : memref<!tpu.dma_semaphore, #tpu.memory_space<semaphore_mem>>)
      %dma_wait3A_603 = arith.constant 2 : i32
      %dma_wait3A_604 = arith.constant 2 : i32
      %dma_wait3A_605 = arith.constant 0 : i32
      %dma_wait3A_606 = arith.constant 0 : i32
      %dma_wait3A_607 = tpu.memref_slice %arg9[%dma_wait3A_603, %dma_wait3A_605, %dma_wait3A_606] : memref<8x32x128xf32, #tpu.memory_space<vmem>> -> memref<1x32x128xf32, #tpu.memory_space<vmem>>
      %dma_wait3A_608 = tpu.memref_squeeze %dma_wait3A_607 : memref<1x32x128xf32, #tpu.memory_space<vmem>> -> memref<32x128xf32, #tpu.memory_space<vmem>>
      %dma_wait3A_609 = arith.constant 0 : i32
      %dma_wait3A_610 = arith.constant 0 : i32
      %dma_wait3A_611 = tpu.memref_slice %arg4[%dma_wait3A_609, %dma_wait3A_610] : memref<32x1000000xf32, #tpu.memory_space<hbm>> -> memref<32x128xf32, #tpu.memory_space<hbm>>
      %dma_wait3A_612 = tpu.memref_slice %arg12[%dma_wait3A_604] : memref<8x!tpu.dma_semaphore, #tpu.memory_space<semaphore_mem>> -> memref<1x!tpu.dma_semaphore, #tpu.memory_space<semaphore_mem>>
      %dma_wait3A_613 = tpu.memref_squeeze %dma_wait3A_612 : memref<1x!tpu.dma_semaphore, #tpu.memory_space<semaphore_mem>> -> memref<!tpu.dma_semaphore, #tpu.memory_space<semaphore_mem>>
      %dma_wait3A_614 = arith.constant 0 : i32
      %dma_wait3A_615 = arith.constant 0 : i32
      %dma_wait3A_616 = tpu.memref_slice %arg9[%dma_wait3A_603, %dma_wait3A_614, %dma_wait3A_615] : memref<8x32x128xf32, #tpu.memory_space<vmem>> -> memref<1x32x128xf32, #tpu.memory_space<vmem>>
      %dma_wait3A_617 = tpu.memref_squeeze %dma_wait3A_616 : memref<1x32x128xf32, #tpu.memory_space<vmem>> -> memref<32x128xf32, #tpu.memory_space<vmem>>
      %dma_wait3A_618 = arith.constant 0 : i32
      %dma_wait3A_619 = arith.constant 0 : i32
      %dma_wait3A_620 = tpu.memref_slice %arg4[%dma_wait3A_618, %dma_wait3A_619] : memref<32x1000000xf32, #tpu.memory_space<hbm>> -> memref<32x128xf32, #tpu.memory_space<hbm>>
      tpu.wait_dma2 semaphore(%dma_wait3A_613 : memref<!tpu.dma_semaphore, #tpu.memory_space<semaphore_mem>>) src(%dma_wait3A_620 : memref<32x128xf32, #tpu.memory_space<hbm>>) dst(%dma_wait3A_617 : memref<32x128xf32, #tpu.memory_space<vmem>>)
      %dma_wait3A_621 = arith.constant 2 : i32
      %dma_wait3A_622 = arith.constant 2 : i32
      %dma_wait3A_623 = arith.constant 0 : i32
      %dma_wait3A_624 = arith.constant 0 : i32
      %dma_wait3A_625 = tpu.memref_slice %arg10[%dma_wait3A_621, %dma_wait3A_623, %dma_wait3A_624] : memref<8x32x128xf32, #tpu.memory_space<vmem>> -> memref<1x32x128xf32, #tpu.memory_space<vmem>>
      %dma_wait3A_626 = tpu.memref_squeeze %dma_wait3A_625 : memref<1x32x128xf32, #tpu.memory_space<vmem>> -> memref<32x128xf32, #tpu.memory_space<vmem>>
      %dma_wait3A_627 = arith.constant 0 : i32
      %dma_wait3A_628 = arith.constant 0 : i32
      %dma_wait3A_629 = tpu.memref_slice %arg5[%dma_wait3A_627, %dma_wait3A_628] : memref<32x1000000xf32, #tpu.memory_space<hbm>> -> memref<32x128xf32, #tpu.memory_space<hbm>>
      %dma_wait3A_630 = tpu.memref_slice %arg13[%dma_wait3A_622] : memref<8x!tpu.dma_semaphore, #tpu.memory_space<semaphore_mem>> -> memref<1x!tpu.dma_semaphore, #tpu.memory_space<semaphore_mem>>
      %dma_wait3A_631 = tpu.memref_squeeze %dma_wait3A_630 : memref<1x!tpu.dma_semaphore, #tpu.memory_space<semaphore_mem>> -> memref<!tpu.dma_semaphore, #tpu.memory_space<semaphore_mem>>
      %dma_wait3A_632 = arith.constant 0 : i32
      %dma_wait3A_633 = arith.constant 0 : i32
      %dma_wait3A_634 = tpu.memref_slice %arg10[%dma_wait3A_621, %dma_wait3A_632, %dma_wait3A_633] : memref<8x32x128xf32, #tpu.memory_space<vmem>> -> memref<1x32x128xf32, #tpu.memory_space<vmem>>
      %dma_wait3A_635 = tpu.memref_squeeze %dma_wait3A_634 : memref<1x32x128xf32, #tpu.memory_space<vmem>> -> memref<32x128xf32, #tpu.memory_space<vmem>>
      %dma_wait3A_636 = arith.constant 0 : i32
      %dma_wait3A_637 = arith.constant 0 : i32
      %dma_wait3A_638 = tpu.memref_slice %arg5[%dma_wait3A_636, %dma_wait3A_637] : memref<32x1000000xf32, #tpu.memory_space<hbm>> -> memref<32x128xf32, #tpu.memory_space<hbm>>
      tpu.wait_dma2 semaphore(%dma_wait3A_631 : memref<!tpu.dma_semaphore, #tpu.memory_space<semaphore_mem>>) src(%dma_wait3A_638 : memref<32x128xf32, #tpu.memory_space<hbm>>) dst(%dma_wait3A_635 : memref<32x128xf32, #tpu.memory_space<vmem>>)
      %slice3A_639 = vector.extract_strided_slice %get3A_16 {offsets = [2], sizes = [1], strides = [1]} : vector<16xi32> to vector<1xi32>
      %squeeze3A_640 = vector.extract %slice3A_639[0] : i32 from vector<1xi32>
      %and3A_641 = arith.constant 127 : i32
      %and3A_642 = arith.andi %squeeze3A_640, %and3A_641 : i32
      %slice3A_643 = vector.extract_strided_slice %get3A_19 {offsets = [2], sizes = [1], strides = [1]} : vector<16xi32> to vector<1xi32>
      %squeeze3A_644 = vector.extract %slice3A_643[0] : i32 from vector<1xi32>
      %and3A_645 = arith.constant 127 : i32
      %and3A_646 = arith.andi %squeeze3A_644, %and3A_645 : i32
      %broadcast_in_dim3A_647 = vector.broadcast %and3A_642 : i32 to vector<16xi32>
      %gather3A_648 = arith.constant 2 : i32
      %gather3A_649 = arith.constant 0 : i32
      %gather3A_650 = arith.constant 0 : i32
      %gather3A_651 = tpu.memref_slice %arg9[%gather3A_648, %gather3A_649, %gather3A_650] : memref<8x32x128xf32, #tpu.memory_space<vmem>> -> memref<1x32x128xf32, #tpu.memory_space<vmem>>
      %gather3A_652 = tpu.memref_squeeze %gather3A_651 : memref<1x32x128xf32, #tpu.memory_space<vmem>> -> memref<32x128xf32, #tpu.memory_space<vmem>>
      %gather3A_653 = tpu.vector_load_idx %gather3A_652[%iota3A, %broadcast_in_dim3A_647] : memref<32x128xf32, #tpu.memory_space<vmem>>[vector<16xi32>, vector<16xi32>], vector<16xf32>,
      %add3A_654 = arith.constant 16 : i32
      %add3A_655 = vector.broadcast %add3A_654 : i32 to vector<16xi32>
      %add3A_656 = arith.addi %iota3A, %add3A_655 : vector<16xi32>
      %gather3A_657 = arith.constant 2 : i32
      %gather3A_658 = arith.constant 0 : i32
      %gather3A_659 = arith.constant 0 : i32
      %gather3A_660 = tpu.memref_slice %arg9[%gather3A_657, %gather3A_658, %gather3A_659] : memref<8x32x128xf32, #tpu.memory_space<vmem>> -> memref<1x32x128xf32, #tpu.memory_space<vmem>>
      %gather3A_661 = tpu.memref_squeeze %gather3A_660 : memref<1x32x128xf32, #tpu.memory_space<vmem>> -> memref<32x128xf32, #tpu.memory_space<vmem>>
      %gather3A_662 = tpu.vector_load_idx %gather3A_661[%add3A_656, %broadcast_in_dim3A_647] : memref<32x128xf32, #tpu.memory_space<vmem>>[vector<16xi32>, vector<16xi32>], vector<16xf32>,
      %broadcast_in_dim3A_663 = vector.broadcast %and3A_646 : i32 to vector<16xi32>
      %gather3A_664 = arith.constant 2 : i32
      %gather3A_665 = arith.constant 0 : i32
      %gather3A_666 = arith.constant 0 : i32
      %gather3A_667 = tpu.memref_slice %arg10[%gather3A_664, %gather3A_665, %gather3A_666] : memref<8x32x128xf32, #tpu.memory_space<vmem>> -> memref<1x32x128xf32, #tpu.memory_space<vmem>>
      %gather3A_668 = tpu.memref_squeeze %gather3A_667 : memref<1x32x128xf32, #tpu.memory_space<vmem>> -> memref<32x128xf32, #tpu.memory_space<vmem>>
      %gather3A_669 = tpu.vector_load_idx %gather3A_668[%iota3A, %broadcast_in_dim3A_663] : memref<32x128xf32, #tpu.memory_space<vmem>>[vector<16xi32>, vector<16xi32>], vector<16xf32>,
      %add3A_670 = arith.constant 16 : i32
      %add3A_671 = vector.broadcast %add3A_670 : i32 to vector<16xi32>
      %add3A_672 = arith.addi %iota3A, %add3A_671 : vector<16xi32>
      %gather3A_673 = arith.constant 2 : i32
      %gather3A_674 = arith.constant 0 : i32
      %gather3A_675 = arith.constant 0 : i32
      %gather3A_676 = tpu.memref_slice %arg10[%gather3A_673, %gather3A_674, %gather3A_675] : memref<8x32x128xf32, #tpu.memory_space<vmem>> -> memref<1x32x128xf32, #tpu.memory_space<vmem>>
      %gather3A_677 = tpu.memref_squeeze %gather3A_676 : memref<1x32x128xf32, #tpu.memory_space<vmem>> -> memref<32x128xf32, #tpu.memory_space<vmem>>
      %gather3A_678 = tpu.vector_load_idx %gather3A_677[%add3A_672, %broadcast_in_dim3A_663] : memref<32x128xf32, #tpu.memory_space<vmem>>[vector<16xi32>, vector<16xi32>], vector<16xf32>,
      %add3A_679 = arith.constant 2 : i32
      %add3A_680 = arith.addi %shift_left3A_21, %add3A_679 : i32
      %broadcast_in_dim3A_681 = vector.broadcast %add3A_680 : i32 to vector<16xi32>
      %mul3A_682 = arith.mulf %gather3A_653, %gather3A_669 : vector<16xf32>
      tpu.vector_store_idx %arg11[%iota3A, %broadcast_in_dim3A_681], %mul3A_682 : memref<32x512xf32, #tpu.memory_space<vmem>>[vector<16xi32>, vector<16xi32>], vector<16xf32>,
      %add3A_683 = arith.constant 16 : i32
      %add3A_684 = vector.broadcast %add3A_683 : i32 to vector<16xi32>
      %add3A_685 = arith.addi %iota3A, %add3A_684 : vector<16xi32>
      %mul3A_686 = arith.mulf %gather3A_662, %gather3A_678 : vector<16xf32>
      tpu.vector_store_idx %arg11[%add3A_685, %broadcast_in_dim3A_681], %mul3A_686 : memref<32x512xf32, #tpu.memory_space<vmem>>[vector<16xi32>, vector<16xi32>], vector<16xf32>,
      %slice3A_687 = vector.extract_strided_slice %get3A_16 {offsets = [10], sizes = [1], strides = [1]} : vector<16xi32> to vector<1xi32>
      %squeeze3A_688 = vector.extract %slice3A_687[0] : i32 from vector<1xi32>
      %and3A_689 = arith.constant -128 : i32
      %and3A_690 = arith.andi %squeeze3A_688, %and3A_689 : i32
      %multiple_of3A_691 = tpu.assume_multiple %and3A_690, 128 : i32
      %dma_start3A_692 = arith.constant 2 : i32
      %dma_start3A_693 = arith.constant 2 : i32
      %dma_start3A_694 = arith.constant 0 : i32
      %dma_start3A_695 = arith.constant 0 : i32
      %dma_start3A_696 = tpu.memref_slice %arg9[%dma_start3A_692, %dma_start3A_694, %dma_start3A_695] : memref<8x32x128xf32, #tpu.memory_space<vmem>> -> memref<1x32x128xf32, #tpu.memory_space<vmem>>
      %dma_start3A_697 = tpu.memref_squeeze %dma_start3A_696 : memref<1x32x128xf32, #tpu.memory_space<vmem>> -> memref<32x128xf32, #tpu.memory_space<vmem>>
      %dma_start3A_698 = arith.constant 0 : i32
      %dma_start3A_699 = tpu.memref_slice %arg4[%dma_start3A_698, %multiple_of3A_691] : memref<32x1000000xf32, #tpu.memory_space<hbm>> -> memref<32x128xf32, #tpu.memory_space<hbm>>
      %dma_start3A_700 = tpu.memref_slice %arg12[%dma_start3A_693] : memref<8x!tpu.dma_semaphore, #tpu.memory_space<semaphore_mem>> -> memref<1x!tpu.dma_semaphore, #tpu.memory_space<semaphore_mem>>
      %dma_start3A_701 = tpu.memref_squeeze %dma_start3A_700 : memref<1x!tpu.dma_semaphore, #tpu.memory_space<semaphore_mem>> -> memref<!tpu.dma_semaphore, #tpu.memory_space<semaphore_mem>>
      %dma_start3A_702 = arith.constant 0 : i32
      %dma_start3A_703 = arith.constant 0 : i32
      %dma_start3A_704 = tpu.memref_slice %arg9[%dma_start3A_692, %dma_start3A_702, %dma_start3A_703] : memref<8x32x128xf32, #tpu.memory_space<vmem>> -> memref<1x32x128xf32, #tpu.memory_space<vmem>>
      %dma_start3A_705 = tpu.memref_squeeze %dma_start3A_704 : memref<1x32x128xf32, #tpu.memory_space<vmem>> -> memref<32x128xf32, #tpu.memory_space<vmem>>
      %dma_start3A_706 = arith.constant 0 : i32
      %dma_start3A_707 = tpu.memref_slice %arg4[%dma_start3A_706, %multiple_of3A_691] : memref<32x1000000xf32, #tpu.memory_space<hbm>> -> memref<32x128xf32, #tpu.memory_space<hbm>>
      tpu.enqueue_dma source(%dma_start3A_707 : memref<32x128xf32, #tpu.memory_space<hbm>>) target(%dma_start3A_705 : memref<32x128xf32, #tpu.memory_space<vmem>>) target_semaphore(%dma_start3A_701 : memref<!tpu.dma_semaphore, #tpu.memory_space<semaphore_mem>>)
      %slice3A_708 = vector.extract_strided_slice %get3A_19 {offsets = [10], sizes = [1], strides = [1]} : vector<16xi32> to vector<1xi32>
      %squeeze3A_709 = vector.extract %slice3A_708[0] : i32 from vector<1xi32>
      %and3A_710 = arith.constant -128 : i32
      %and3A_711 = arith.andi %squeeze3A_709, %and3A_710 : i32
      %multiple_of3A_712 = tpu.assume_multiple %and3A_711, 128 : i32
      %dma_start3A_713 = arith.constant 2 : i32
      %dma_start3A_714 = arith.constant 2 : i32
      %dma_start3A_715 = arith.constant 0 : i32
      %dma_start3A_716 = arith.constant 0 : i32
      %dma_start3A_717 = tpu.memref_slice %arg10[%dma_start3A_713, %dma_start3A_715, %dma_start3A_716] : memref<8x32x128xf32, #tpu.memory_space<vmem>> -> memref<1x32x128xf32, #tpu.memory_space<vmem>>
      %dma_start3A_718 = tpu.memref_squeeze %dma_start3A_717 : memref<1x32x128xf32, #tpu.memory_space<vmem>> -> memref<32x128xf32, #tpu.memory_space<vmem>>
      %dma_start3A_719 = arith.constant 0 : i32
      %dma_start3A_720 = tpu.memref_slice %arg5[%dma_start3A_719, %multiple_of3A_712] : memref<32x1000000xf32, #tpu.memory_space<hbm>> -> memref<32x128xf32, #tpu.memory_space<hbm>>
      %dma_start3A_721 = tpu.memref_slice %arg13[%dma_start3A_714] : memref<8x!tpu.dma_semaphore, #tpu.memory_space<semaphore_mem>> -> memref<1x!tpu.dma_semaphore, #tpu.memory_space<semaphore_mem>>
      %dma_start3A_722 = tpu.memref_squeeze %dma_start3A_721 : memref<1x!tpu.dma_semaphore, #tpu.memory_space<semaphore_mem>> -> memref<!tpu.dma_semaphore, #tpu.memory_space<semaphore_mem>>
      %dma_start3A_723 = arith.constant 0 : i32
      %dma_start3A_724 = arith.constant 0 : i32
      %dma_start3A_725 = tpu.memref_slice %arg10[%dma_start3A_713, %dma_start3A_723, %dma_start3A_724] : memref<8x32x128xf32, #tpu.memory_space<vmem>> -> memref<1x32x128xf32, #tpu.memory_space<vmem>>
      %dma_start3A_726 = tpu.memref_squeeze %dma_start3A_725 : memref<1x32x128xf32, #tpu.memory_space<vmem>> -> memref<32x128xf32, #tpu.memory_space<vmem>>
      %dma_start3A_727 = arith.constant 0 : i32
      %dma_start3A_728 = tpu.memref_slice %arg5[%dma_start3A_727, %multiple_of3A_712] : memref<32x1000000xf32, #tpu.memory_space<hbm>> -> memref<32x128xf32, #tpu.memory_space<hbm>>
      tpu.enqueue_dma source(%dma_start3A_728 : memref<32x128xf32, #tpu.memory_space<hbm>>) target(%dma_start3A_726 : memref<32x128xf32, #tpu.memory_space<vmem>>) target_semaphore(%dma_start3A_722 : memref<!tpu.dma_semaphore, #tpu.memory_space<semaphore_mem>>)
      %dma_wait3A_729 = arith.constant 3 : i32
      %dma_wait3A_730 = arith.constant 3 : i32
      %dma_wait3A_731 = arith.constant 0 : i32
      %dma_wait3A_732 = arith.constant 0 : i32
      %dma_wait3A_733 = tpu.memref_slice %arg9[%dma_wait3A_729, %dma_wait3A_731, %dma_wait3A_732] : memref<8x32x128xf32, #tpu.memory_space<vmem>> -> memref<1x32x128xf32, #tpu.memory_space<vmem>>
      %dma_wait3A_734 = tpu.memref_squeeze %dma_wait3A_733 : memref<1x32x128xf32, #tpu.memory_space<vmem>> -> memref<32x128xf32, #tpu.memory_space<vmem>>
      %dma_wait3A_735 = arith.constant 0 : i32
      %dma_wait3A_736 = arith.constant 0 : i32
      %dma_wait3A_737 = tpu.memref_slice %arg4[%dma_wait3A_735, %dma_wait3A_736] : memref<32x1000000xf32, #tpu.memory_space<hbm>> -> memref<32x128xf32, #tpu.memory_space<hbm>>
      %dma_wait3A_738 = tpu.memref_slice %arg12[%dma_wait3A_730] : memref<8x!tpu.dma_semaphore, #tpu.memory_space<semaphore_mem>> -> memref<1x!tpu.dma_semaphore, #tpu.memory_space<semaphore_mem>>
      %dma_wait3A_739 = tpu.memref_squeeze %dma_wait3A_738 : memref<1x!tpu.dma_semaphore, #tpu.memory_space<semaphore_mem>> -> memref<!tpu.dma_semaphore, #tpu.memory_space<semaphore_mem>>
      %dma_wait3A_740 = arith.constant 0 : i32
      %dma_wait3A_741 = arith.constant 0 : i32
      %dma_wait3A_742 = tpu.memref_slice %arg9[%dma_wait3A_729, %dma_wait3A_740, %dma_wait3A_741] : memref<8x32x128xf32, #tpu.memory_space<vmem>> -> memref<1x32x128xf32, #tpu.memory_space<vmem>>
      %dma_wait3A_743 = tpu.memref_squeeze %dma_wait3A_742 : memref<1x32x128xf32, #tpu.memory_space<vmem>> -> memref<32x128xf32, #tpu.memory_space<vmem>>
      %dma_wait3A_744 = arith.constant 0 : i32
      %dma_wait3A_745 = arith.constant 0 : i32
      %dma_wait3A_746 = tpu.memref_slice %arg4[%dma_wait3A_744, %dma_wait3A_745] : memref<32x1000000xf32, #tpu.memory_space<hbm>> -> memref<32x128xf32, #tpu.memory_space<hbm>>
      tpu.wait_dma2 semaphore(%dma_wait3A_739 : memref<!tpu.dma_semaphore, #tpu.memory_space<semaphore_mem>>) src(%dma_wait3A_746 : memref<32x128xf32, #tpu.memory_space<hbm>>) dst(%dma_wait3A_743 : memref<32x128xf32, #tpu.memory_space<vmem>>)
      %dma_wait3A_747 = arith.constant 3 : i32
      %dma_wait3A_748 = arith.constant 3 : i32
      %dma_wait3A_749 = arith.constant 0 : i32
      %dma_wait3A_750 = arith.constant 0 : i32
      %dma_wait3A_751 = tpu.memref_slice %arg10[%dma_wait3A_747, %dma_wait3A_749, %dma_wait3A_750] : memref<8x32x128xf32, #tpu.memory_space<vmem>> -> memref<1x32x128xf32, #tpu.memory_space<vmem>>
      %dma_wait3A_752 = tpu.memref_squeeze %dma_wait3A_751 : memref<1x32x128xf32, #tpu.memory_space<vmem>> -> memref<32x128xf32, #tpu.memory_space<vmem>>
      %dma_wait3A_753 = arith.constant 0 : i32
      %dma_wait3A_754 = arith.constant 0 : i32
      %dma_wait3A_755 = tpu.memref_slice %arg5[%dma_wait3A_753, %dma_wait3A_754] : memref<32x1000000xf32, #tpu.memory_space<hbm>> -> memref<32x128xf32, #tpu.memory_space<hbm>>
      %dma_wait3A_756 = tpu.memref_slice %arg13[%dma_wait3A_748] : memref<8x!tpu.dma_semaphore, #tpu.memory_space<semaphore_mem>> -> memref<1x!tpu.dma_semaphore, #tpu.memory_space<semaphore_mem>>
      %dma_wait3A_757 = tpu.memref_squeeze %dma_wait3A_756 : memref<1x!tpu.dma_semaphore, #tpu.memory_space<semaphore_mem>> -> memref<!tpu.dma_semaphore, #tpu.memory_space<semaphore_mem>>
      %dma_wait3A_758 = arith.constant 0 : i32
      %dma_wait3A_759 = arith.constant 0 : i32
      %dma_wait3A_760 = tpu.memref_slice %arg10[%dma_wait3A_747, %dma_wait3A_758, %dma_wait3A_759] : memref<8x32x128xf32, #tpu.memory_space<vmem>> -> memref<1x32x128xf32, #tpu.memory_space<vmem>>
      %dma_wait3A_761 = tpu.memref_squeeze %dma_wait3A_760 : memref<1x32x128xf32, #tpu.memory_space<vmem>> -> memref<32x128xf32, #tpu.memory_space<vmem>>
      %dma_wait3A_762 = arith.constant 0 : i32
      %dma_wait3A_763 = arith.constant 0 : i32
      %dma_wait3A_764 = tpu.memref_slice %arg5[%dma_wait3A_762, %dma_wait3A_763] : memref<32x1000000xf32, #tpu.memory_space<hbm>> -> memref<32x128xf32, #tpu.memory_space<hbm>>
      tpu.wait_dma2 semaphore(%dma_wait3A_757 : memref<!tpu.dma_semaphore, #tpu.memory_space<semaphore_mem>>) src(%dma_wait3A_764 : memref<32x128xf32, #tpu.memory_space<hbm>>) dst(%dma_wait3A_761 : memref<32x128xf32, #tpu.memory_space<vmem>>)
      %slice3A_765 = vector.extract_strided_slice %get3A_16 {offsets = [3], sizes = [1], strides = [1]} : vector<16xi32> to vector<1xi32>
      %squeeze3A_766 = vector.extract %slice3A_765[0] : i32 from vector<1xi32>
      %and3A_767 = arith.constant 127 : i32
      %and3A_768 = arith.andi %squeeze3A_766, %and3A_767 : i32
      %slice3A_769 = vector.extract_strided_slice %get3A_19 {offsets = [3], sizes = [1], strides = [1]} : vector<16xi32> to vector<1xi32>
      %squeeze3A_770 = vector.extract %slice3A_769[0] : i32 from vector<1xi32>
      %and3A_771 = arith.constant 127 : i32
      %and3A_772 = arith.andi %squeeze3A_770, %and3A_771 : i32
      %broadcast_in_dim3A_773 = vector.broadcast %and3A_768 : i32 to vector<16xi32>
      %gather3A_774 = arith.constant 3 : i32
      %gather3A_775 = arith.constant 0 : i32
      %gather3A_776 = arith.constant 0 : i32
      %gather3A_777 = tpu.memref_slice %arg9[%gather3A_774, %gather3A_775, %gather3A_776] : memref<8x32x128xf32, #tpu.memory_space<vmem>> -> memref<1x32x128xf32, #tpu.memory_space<vmem>>
      %gather3A_778 = tpu.memref_squeeze %gather3A_777 : memref<1x32x128xf32, #tpu.memory_space<vmem>> -> memref<32x128xf32, #tpu.memory_space<vmem>>
      %gather3A_779 = tpu.vector_load_idx %gather3A_778[%iota3A, %broadcast_in_dim3A_773] : memref<32x128xf32, #tpu.memory_space<vmem>>[vector<16xi32>, vector<16xi32>], vector<16xf32>,
      %add3A_780 = arith.constant 16 : i32
      %add3A_781 = vector.broadcast %add3A_780 : i32 to vector<16xi32>
      %add3A_782 = arith.addi %iota3A, %add3A_781 : vector<16xi32>
      %gather3A_783 = arith.constant 3 : i32
      %gather3A_784 = arith.constant 0 : i32
      %gather3A_785 = arith.constant 0 : i32
      %gather3A_786 = tpu.memref_slice %arg9[%gather3A_783, %gather3A_784, %gather3A_785] : memref<8x32x128xf32, #tpu.memory_space<vmem>> -> memref<1x32x128xf32, #tpu.memory_space<vmem>>
      %gather3A_787 = tpu.memref_squeeze %gather3A_786 : memref<1x32x128xf32, #tpu.memory_space<vmem>> -> memref<32x128xf32, #tpu.memory_space<vmem>>
      %gather3A_788 = tpu.vector_load_idx %gather3A_787[%add3A_782, %broadcast_in_dim3A_773] : memref<32x128xf32, #tpu.memory_space<vmem>>[vector<16xi32>, vector<16xi32>], vector<16xf32>,
      %broadcast_in_dim3A_789 = vector.broadcast %and3A_772 : i32 to vector<16xi32>
      %gather3A_790 = arith.constant 3 : i32
      %gather3A_791 = arith.constant 0 : i32
      %gather3A_792 = arith.constant 0 : i32
      %gather3A_793 = tpu.memref_slice %arg10[%gather3A_790, %gather3A_791, %gather3A_792] : memref<8x32x128xf32, #tpu.memory_space<vmem>> -> memref<1x32x128xf32, #tpu.memory_space<vmem>>
      %gather3A_794 = tpu.memref_squeeze %gather3A_793 : memref<1x32x128xf32, #tpu.memory_space<vmem>> -> memref<32x128xf32, #tpu.memory_space<vmem>>
      %gather3A_795 = tpu.vector_load_idx %gather3A_794[%iota3A, %broadcast_in_dim3A_789] : memref<32x128xf32, #tpu.memory_space<vmem>>[vector<16xi32>, vector<16xi32>], vector<16xf32>,
      %add3A_796 = arith.constant 16 : i32
      %add3A_797 = vector.broadcast %add3A_796 : i32 to vector<16xi32>
      %add3A_798 = arith.addi %iota3A, %add3A_797 : vector<16xi32>
      %gather3A_799 = arith.constant 3 : i32
      %gather3A_800 = arith.constant 0 : i32
      %gather3A_801 = arith.constant 0 : i32
      %gather3A_802 = tpu.memref_slice %arg10[%gather3A_799, %gather3A_800, %gather3A_801] : memref<8x32x128xf32, #tpu.memory_space<vmem>> -> memref<1x32x128xf32, #tpu.memory_space<vmem>>
      %gather3A_803 = tpu.memref_squeeze %gather3A_802 : memref<1x32x128xf32, #tpu.memory_space<vmem>> -> memref<32x128xf32, #tpu.memory_space<vmem>>
      %gather3A_804 = tpu.vector_load_idx %gather3A_803[%add3A_798, %broadcast_in_dim3A_789] : memref<32x128xf32, #tpu.memory_space<vmem>>[vector<16xi32>, vector<16xi32>], vector<16xf32>,
      %add3A_805 = arith.constant 3 : i32
      %add3A_806 = arith.addi %shift_left3A_21, %add3A_805 : i32
      %broadcast_in_dim3A_807 = vector.broadcast %add3A_806 : i32 to vector<16xi32>
      %mul3A_808 = arith.mulf %gather3A_779, %gather3A_795 : vector<16xf32>
      tpu.vector_store_idx %arg11[%iota3A, %broadcast_in_dim3A_807], %mul3A_808 : memref<32x512xf32, #tpu.memory_space<vmem>>[vector<16xi32>, vector<16xi32>], vector<16xf32>,
      %add3A_809 = arith.constant 16 : i32
      %add3A_810 = vector.broadcast %add3A_809 : i32 to vector<16xi32>
      %add3A_811 = arith.addi %iota3A, %add3A_810 : vector<16xi32>
      %mul3A_812 = arith.mulf %gather3A_788, %gather3A_804 : vector<16xf32>
      tpu.vector_store_idx %arg11[%add3A_811, %broadcast_in_dim3A_807], %mul3A_812 : memref<32x512xf32, #tpu.memory_space<vmem>>[vector<16xi32>, vector<16xi32>], vector<16xf32>,
      %slice3A_813 = vector.extract_strided_slice %get3A_16 {offsets = [11], sizes = [1], strides = [1]} : vector<16xi32> to vector<1xi32>
      %squeeze3A_814 = vector.extract %slice3A_813[0] : i32 from vector<1xi32>
      %and3A_815 = arith.constant -128 : i32
      %and3A_816 = arith.andi %squeeze3A_814, %and3A_815 : i32
      %multiple_of3A_817 = tpu.assume_multiple %and3A_816, 128 : i32
      %dma_start3A_818 = arith.constant 3 : i32
      %dma_start3A_819 = arith.constant 3 : i32
      %dma_start3A_820 = arith.constant 0 : i32
      %dma_start3A_821 = arith.constant 0 : i32
      %dma_start3A_822 = tpu.memref_slice %arg9[%dma_start3A_818, %dma_start3A_820, %dma_start3A_821] : memref<8x32x128xf32, #tpu.memory_space<vmem>> -> memref<1x32x128xf32, #tpu.memory_space<vmem>>
      %dma_start3A_823 = tpu.memref_squeeze %dma_start3A_822 : memref<1x32x128xf32, #tpu.memory_space<vmem>> -> memref<32x128xf32, #tpu.memory_space<vmem>>
      %dma_start3A_824 = arith.constant 0 : i32
      %dma_start3A_825 = tpu.memref_slice %arg4[%dma_start3A_824, %multiple_of3A_817] : memref<32x1000000xf32, #tpu.memory_space<hbm>> -> memref<32x128xf32, #tpu.memory_space<hbm>>
      %dma_start3A_826 = tpu.memref_slice %arg12[%dma_start3A_819] : memref<8x!tpu.dma_semaphore, #tpu.memory_space<semaphore_mem>> -> memref<1x!tpu.dma_semaphore, #tpu.memory_space<semaphore_mem>>
      %dma_start3A_827 = tpu.memref_squeeze %dma_start3A_826 : memref<1x!tpu.dma_semaphore, #tpu.memory_space<semaphore_mem>> -> memref<!tpu.dma_semaphore, #tpu.memory_space<semaphore_mem>>
      %dma_start3A_828 = arith.constant 0 : i32
      %dma_start3A_829 = arith.constant 0 : i32
      %dma_start3A_830 = tpu.memref_slice %arg9[%dma_start3A_818, %dma_start3A_828, %dma_start3A_829] : memref<8x32x128xf32, #tpu.memory_space<vmem>> -> memref<1x32x128xf32, #tpu.memory_space<vmem>>
      %dma_start3A_831 = tpu.memref_squeeze %dma_start3A_830 : memref<1x32x128xf32, #tpu.memory_space<vmem>> -> memref<32x128xf32, #tpu.memory_space<vmem>>
      %dma_start3A_832 = arith.constant 0 : i32
      %dma_start3A_833 = tpu.memref_slice %arg4[%dma_start3A_832, %multiple_of3A_817] : memref<32x1000000xf32, #tpu.memory_space<hbm>> -> memref<32x128xf32, #tpu.memory_space<hbm>>
      tpu.enqueue_dma source(%dma_start3A_833 : memref<32x128xf32, #tpu.memory_space<hbm>>) target(%dma_start3A_831 : memref<32x128xf32, #tpu.memory_space<vmem>>) target_semaphore(%dma_start3A_827 : memref<!tpu.dma_semaphore, #tpu.memory_space<semaphore_mem>>)
      %slice3A_834 = vector.extract_strided_slice %get3A_19 {offsets = [11], sizes = [1], strides = [1]} : vector<16xi32> to vector<1xi32>
      %squeeze3A_835 = vector.extract %slice3A_834[0] : i32 from vector<1xi32>
      %and3A_836 = arith.constant -128 : i32
      %and3A_837 = arith.andi %squeeze3A_835, %and3A_836 : i32
      %multiple_of3A_838 = tpu.assume_multiple %and3A_837, 128 : i32
      %dma_start3A_839 = arith.constant 3 : i32
      %dma_start3A_840 = arith.constant 3 : i32
      %dma_start3A_841 = arith.constant 0 : i32
      %dma_start3A_842 = arith.constant 0 : i32
      %dma_start3A_843 = tpu.memref_slice %arg10[%dma_start3A_839, %dma_start3A_841, %dma_start3A_842] : memref<8x32x128xf32, #tpu.memory_space<vmem>> -> memref<1x32x128xf32, #tpu.memory_space<vmem>>
      %dma_start3A_844 = tpu.memref_squeeze %dma_start3A_843 : memref<1x32x128xf32, #tpu.memory_space<vmem>> -> memref<32x128xf32, #tpu.memory_space<vmem>>
      %dma_start3A_845 = arith.constant 0 : i32
      %dma_start3A_846 = tpu.memref_slice %arg5[%dma_start3A_845, %multiple_of3A_838] : memref<32x1000000xf32, #tpu.memory_space<hbm>> -> memref<32x128xf32, #tpu.memory_space<hbm>>
      %dma_start3A_847 = tpu.memref_slice %arg13[%dma_start3A_840] : memref<8x!tpu.dma_semaphore, #tpu.memory_space<semaphore_mem>> -> memref<1x!tpu.dma_semaphore, #tpu.memory_space<semaphore_mem>>
      %dma_start3A_848 = tpu.memref_squeeze %dma_start3A_847 : memref<1x!tpu.dma_semaphore, #tpu.memory_space<semaphore_mem>> -> memref<!tpu.dma_semaphore, #tpu.memory_space<semaphore_mem>>
      %dma_start3A_849 = arith.constant 0 : i32
      %dma_start3A_850 = arith.constant 0 : i32
      %dma_start3A_851 = tpu.memref_slice %arg10[%dma_start3A_839, %dma_start3A_849, %dma_start3A_850] : memref<8x32x128xf32, #tpu.memory_space<vmem>> -> memref<1x32x128xf32, #tpu.memory_space<vmem>>
      %dma_start3A_852 = tpu.memref_squeeze %dma_start3A_851 : memref<1x32x128xf32, #tpu.memory_space<vmem>> -> memref<32x128xf32, #tpu.memory_space<vmem>>
      %dma_start3A_853 = arith.constant 0 : i32
      %dma_start3A_854 = tpu.memref_slice %arg5[%dma_start3A_853, %multiple_of3A_838] : memref<32x1000000xf32, #tpu.memory_space<hbm>> -> memref<32x128xf32, #tpu.memory_space<hbm>>
      tpu.enqueue_dma source(%dma_start3A_854 : memref<32x128xf32, #tpu.memory_space<hbm>>) target(%dma_start3A_852 : memref<32x128xf32, #tpu.memory_space<vmem>>) target_semaphore(%dma_start3A_848 : memref<!tpu.dma_semaphore, #tpu.memory_space<semaphore_mem>>)
      %dma_wait3A_855 = arith.constant 4 : i32
      %dma_wait3A_856 = arith.constant 4 : i32
      %dma_wait3A_857 = arith.constant 0 : i32
      %dma_wait3A_858 = arith.constant 0 : i32
      %dma_wait3A_859 = tpu.memref_slice %arg9[%dma_wait3A_855, %dma_wait3A_857, %dma_wait3A_858] : memref<8x32x128xf32, #tpu.memory_space<vmem>> -> memref<1x32x128xf32, #tpu.memory_space<vmem>>
      %dma_wait3A_860 = tpu.memref_squeeze %dma_wait3A_859 : memref<1x32x128xf32, #tpu.memory_space<vmem>> -> memref<32x128xf32, #tpu.memory_space<vmem>>
      %dma_wait3A_861 = arith.constant 0 : i32
      %dma_wait3A_862 = arith.constant 0 : i32
      %dma_wait3A_863 = tpu.memref_slice %arg4[%dma_wait3A_861, %dma_wait3A_862] : memref<32x1000000xf32, #tpu.memory_space<hbm>> -> memref<32x128xf32, #tpu.memory_space<hbm>>
      %dma_wait3A_864 = tpu.memref_slice %arg12[%dma_wait3A_856] : memref<8x!tpu.dma_semaphore, #tpu.memory_space<semaphore_mem>> -> memref<1x!tpu.dma_semaphore, #tpu.memory_space<semaphore_mem>>
      %dma_wait3A_865 = tpu.memref_squeeze %dma_wait3A_864 : memref<1x!tpu.dma_semaphore, #tpu.memory_space<semaphore_mem>> -> memref<!tpu.dma_semaphore, #tpu.memory_space<semaphore_mem>>
      %dma_wait3A_866 = arith.constant 0 : i32
      %dma_wait3A_867 = arith.constant 0 : i32
      %dma_wait3A_868 = tpu.memref_slice %arg9[%dma_wait3A_855, %dma_wait3A_866, %dma_wait3A_867] : memref<8x32x128xf32, #tpu.memory_space<vmem>> -> memref<1x32x128xf32, #tpu.memory_space<vmem>>
      %dma_wait3A_869 = tpu.memref_squeeze %dma_wait3A_868 : memref<1x32x128xf32, #tpu.memory_space<vmem>> -> memref<32x128xf32, #tpu.memory_space<vmem>>
      %dma_wait3A_870 = arith.constant 0 : i32
      %dma_wait3A_871 = arith.constant 0 : i32
      %dma_wait3A_872 = tpu.memref_slice %arg4[%dma_wait3A_870, %dma_wait3A_871] : memref<32x1000000xf32, #tpu.memory_space<hbm>> -> memref<32x128xf32, #tpu.memory_space<hbm>>
      tpu.wait_dma2 semaphore(%dma_wait3A_865 : memref<!tpu.dma_semaphore, #tpu.memory_space<semaphore_mem>>) src(%dma_wait3A_872 : memref<32x128xf32, #tpu.memory_space<hbm>>) dst(%dma_wait3A_869 : memref<32x128xf32, #tpu.memory_space<vmem>>)
      %dma_wait3A_873 = arith.constant 4 : i32
      %dma_wait3A_874 = arith.constant 4 : i32
      %dma_wait3A_875 = arith.constant 0 : i32
      %dma_wait3A_876 = arith.constant 0 : i32
      %dma_wait3A_877 = tpu.memref_slice %arg10[%dma_wait3A_873, %dma_wait3A_875, %dma_wait3A_876] : memref<8x32x128xf32, #tpu.memory_space<vmem>> -> memref<1x32x128xf32, #tpu.memory_space<vmem>>
      %dma_wait3A_878 = tpu.memref_squeeze %dma_wait3A_877 : memref<1x32x128xf32, #tpu.memory_space<vmem>> -> memref<32x128xf32, #tpu.memory_space<vmem>>
      %dma_wait3A_879 = arith.constant 0 : i32
      %dma_wait3A_880 = arith.constant 0 : i32
      %dma_wait3A_881 = tpu.memref_slice %arg5[%dma_wait3A_879, %dma_wait3A_880] : memref<32x1000000xf32, #tpu.memory_space<hbm>> -> memref<32x128xf32, #tpu.memory_space<hbm>>
      %dma_wait3A_882 = tpu.memref_slice %arg13[%dma_wait3A_874] : memref<8x!tpu.dma_semaphore, #tpu.memory_space<semaphore_mem>> -> memref<1x!tpu.dma_semaphore, #tpu.memory_space<semaphore_mem>>
      %dma_wait3A_883 = tpu.memref_squeeze %dma_wait3A_882 : memref<1x!tpu.dma_semaphore, #tpu.memory_space<semaphore_mem>> -> memref<!tpu.dma_semaphore, #tpu.memory_space<semaphore_mem>>
      %dma_wait3A_884 = arith.constant 0 : i32
      %dma_wait3A_885 = arith.constant 0 : i32
      %dma_wait3A_886 = tpu.memref_slice %arg10[%dma_wait3A_873, %dma_wait3A_884, %dma_wait3A_885] : memref<8x32x128xf32, #tpu.memory_space<vmem>> -> memref<1x32x128xf32, #tpu.memory_space<vmem>>
      %dma_wait3A_887 = tpu.memref_squeeze %dma_wait3A_886 : memref<1x32x128xf32, #tpu.memory_space<vmem>> -> memref<32x128xf32, #tpu.memory_space<vmem>>
      %dma_wait3A_888 = arith.constant 0 : i32
      %dma_wait3A_889 = arith.constant 0 : i32
      %dma_wait3A_890 = tpu.memref_slice %arg5[%dma_wait3A_888, %dma_wait3A_889] : memref<32x1000000xf32, #tpu.memory_space<hbm>> -> memref<32x128xf32, #tpu.memory_space<hbm>>
      tpu.wait_dma2 semaphore(%dma_wait3A_883 : memref<!tpu.dma_semaphore, #tpu.memory_space<semaphore_mem>>) src(%dma_wait3A_890 : memref<32x128xf32, #tpu.memory_space<hbm>>) dst(%dma_wait3A_887 : memref<32x128xf32, #tpu.memory_space<vmem>>)
      %slice3A_891 = vector.extract_strided_slice %get3A_16 {offsets = [4], sizes = [1], strides = [1]} : vector<16xi32> to vector<1xi32>
      %squeeze3A_892 = vector.extract %slice3A_891[0] : i32 from vector<1xi32>
      %and3A_893 = arith.constant 127 : i32
      %and3A_894 = arith.andi %squeeze3A_892, %and3A_893 : i32
      %slice3A_895 = vector.extract_strided_slice %get3A_19 {offsets = [4], sizes = [1], strides = [1]} : vector<16xi32> to vector<1xi32>
      %squeeze3A_896 = vector.extract %slice3A_895[0] : i32 from vector<1xi32>
      %and3A_897 = arith.constant 127 : i32
      %and3A_898 = arith.andi %squeeze3A_896, %and3A_897 : i32
      %broadcast_in_dim3A_899 = vector.broadcast %and3A_894 : i32 to vector<16xi32>
      %gather3A_900 = arith.constant 4 : i32
      %gather3A_901 = arith.constant 0 : i32
      %gather3A_902 = arith.constant 0 : i32
      %gather3A_903 = tpu.memref_slice %arg9[%gather3A_900, %gather3A_901, %gather3A_902] : memref<8x32x128xf32, #tpu.memory_space<vmem>> -> memref<1x32x128xf32, #tpu.memory_space<vmem>>
      %gather3A_904 = tpu.memref_squeeze %gather3A_903 : memref<1x32x128xf32, #tpu.memory_space<vmem>> -> memref<32x128xf32, #tpu.memory_space<vmem>>
      %gather3A_905 = tpu.vector_load_idx %gather3A_904[%iota3A, %broadcast_in_dim3A_899] : memref<32x128xf32, #tpu.memory_space<vmem>>[vector<16xi32>, vector<16xi32>], vector<16xf32>,
      %add3A_906 = arith.constant 16 : i32
      %add3A_907 = vector.broadcast %add3A_906 : i32 to vector<16xi32>
      %add3A_908 = arith.addi %iota3A, %add3A_907 : vector<16xi32>
      %gather3A_909 = arith.constant 4 : i32
      %gather3A_910 = arith.constant 0 : i32
      %gather3A_911 = arith.constant 0 : i32
      %gather3A_912 = tpu.memref_slice %arg9[%gather3A_909, %gather3A_910, %gather3A_911] : memref<8x32x128xf32, #tpu.memory_space<vmem>> -> memref<1x32x128xf32, #tpu.memory_space<vmem>>
      %gather3A_913 = tpu.memref_squeeze %gather3A_912 : memref<1x32x128xf32, #tpu.memory_space<vmem>> -> memref<32x128xf32, #tpu.memory_space<vmem>>
      %gather3A_914 = tpu.vector_load_idx %gather3A_913[%add3A_908, %broadcast_in_dim3A_899] : memref<32x128xf32, #tpu.memory_space<vmem>>[vector<16xi32>, vector<16xi32>], vector<16xf32>,
      %broadcast_in_dim3A_915 = vector.broadcast %and3A_898 : i32 to vector<16xi32>
      %gather3A_916 = arith.constant 4 : i32
      %gather3A_917 = arith.constant 0 : i32
      %gather3A_918 = arith.constant 0 : i32
      %gather3A_919 = tpu.memref_slice %arg10[%gather3A_916, %gather3A_917, %gather3A_918] : memref<8x32x128xf32, #tpu.memory_space<vmem>> -> memref<1x32x128xf32, #tpu.memory_space<vmem>>
      %gather3A_920 = tpu.memref_squeeze %gather3A_919 : memref<1x32x128xf32, #tpu.memory_space<vmem>> -> memref<32x128xf32, #tpu.memory_space<vmem>>
      %gather3A_921 = tpu.vector_load_idx %gather3A_920[%iota3A, %broadcast_in_dim3A_915] : memref<32x128xf32, #tpu.memory_space<vmem>>[vector<16xi32>, vector<16xi32>], vector<16xf32>,
      %add3A_922 = arith.constant 16 : i32
      %add3A_923 = vector.broadcast %add3A_922 : i32 to vector<16xi32>
      %add3A_924 = arith.addi %iota3A, %add3A_923 : vector<16xi32>
      %gather3A_925 = arith.constant 4 : i32
      %gather3A_926 = arith.constant 0 : i32
      %gather3A_927 = arith.constant 0 : i32
      %gather3A_928 = tpu.memref_slice %arg10[%gather3A_925, %gather3A_926, %gather3A_927] : memref<8x32x128xf32, #tpu.memory_space<vmem>> -> memref<1x32x128xf32, #tpu.memory_space<vmem>>
      %gather3A_929 = tpu.memref_squeeze %gather3A_928 : memref<1x32x128xf32, #tpu.memory_space<vmem>> -> memref<32x128xf32, #tpu.memory_space<vmem>>
      %gather3A_930 = tpu.vector_load_idx %gather3A_929[%add3A_924, %broadcast_in_dim3A_915] : memref<32x128xf32, #tpu.memory_space<vmem>>[vector<16xi32>, vector<16xi32>], vector<16xf32>,
      %add3A_931 = arith.constant 4 : i32
      %add3A_932 = arith.addi %shift_left3A_21, %add3A_931 : i32
      %broadcast_in_dim3A_933 = vector.broadcast %add3A_932 : i32 to vector<16xi32>
      %mul3A_934 = arith.mulf %gather3A_905, %gather3A_921 : vector<16xf32>
      tpu.vector_store_idx %arg11[%iota3A, %broadcast_in_dim3A_933], %mul3A_934 : memref<32x512xf32, #tpu.memory_space<vmem>>[vector<16xi32>, vector<16xi32>], vector<16xf32>,
      %add3A_935 = arith.constant 16 : i32
      %add3A_936 = vector.broadcast %add3A_935 : i32 to vector<16xi32>
      %add3A_937 = arith.addi %iota3A, %add3A_936 : vector<16xi32>
      %mul3A_938 = arith.mulf %gather3A_914, %gather3A_930 : vector<16xf32>
      tpu.vector_store_idx %arg11[%add3A_937, %broadcast_in_dim3A_933], %mul3A_938 : memref<32x512xf32, #tpu.memory_space<vmem>>[vector<16xi32>, vector<16xi32>], vector<16xf32>,
      %slice3A_939 = vector.extract_strided_slice %get3A_16 {offsets = [12], sizes = [1], strides = [1]} : vector<16xi32> to vector<1xi32>
      %squeeze3A_940 = vector.extract %slice3A_939[0] : i32 from vector<1xi32>
      %and3A_941 = arith.constant -128 : i32
      %and3A_942 = arith.andi %squeeze3A_940, %and3A_941 : i32
      %multiple_of3A_943 = tpu.assume_multiple %and3A_942, 128 : i32
      %dma_start3A_944 = arith.constant 4 : i32
      %dma_start3A_945 = arith.constant 4 : i32
      %dma_start3A_946 = arith.constant 0 : i32
      %dma_start3A_947 = arith.constant 0 : i32
      %dma_start3A_948 = tpu.memref_slice %arg9[%dma_start3A_944, %dma_start3A_946, %dma_start3A_947] : memref<8x32x128xf32, #tpu.memory_space<vmem>> -> memref<1x32x128xf32, #tpu.memory_space<vmem>>
      %dma_start3A_949 = tpu.memref_squeeze %dma_start3A_948 : memref<1x32x128xf32, #tpu.memory_space<vmem>> -> memref<32x128xf32, #tpu.memory_space<vmem>>
      %dma_start3A_950 = arith.constant 0 : i32
      %dma_start3A_951 = tpu.memref_slice %arg4[%dma_start3A_950, %multiple_of3A_943] : memref<32x1000000xf32, #tpu.memory_space<hbm>> -> memref<32x128xf32, #tpu.memory_space<hbm>>
      %dma_start3A_952 = tpu.memref_slice %arg12[%dma_start3A_945] : memref<8x!tpu.dma_semaphore, #tpu.memory_space<semaphore_mem>> -> memref<1x!tpu.dma_semaphore, #tpu.memory_space<semaphore_mem>>
      %dma_start3A_953 = tpu.memref_squeeze %dma_start3A_952 : memref<1x!tpu.dma_semaphore, #tpu.memory_space<semaphore_mem>> -> memref<!tpu.dma_semaphore, #tpu.memory_space<semaphore_mem>>
      %dma_start3A_954 = arith.constant 0 : i32
      %dma_start3A_955 = arith.constant 0 : i32
      %dma_start3A_956 = tpu.memref_slice %arg9[%dma_start3A_944, %dma_start3A_954, %dma_start3A_955] : memref<8x32x128xf32, #tpu.memory_space<vmem>> -> memref<1x32x128xf32, #tpu.memory_space<vmem>>
      %dma_start3A_957 = tpu.memref_squeeze %dma_start3A_956 : memref<1x32x128xf32, #tpu.memory_space<vmem>> -> memref<32x128xf32, #tpu.memory_space<vmem>>
      %dma_start3A_958 = arith.constant 0 : i32
      %dma_start3A_959 = tpu.memref_slice %arg4[%dma_start3A_958, %multiple_of3A_943] : memref<32x1000000xf32, #tpu.memory_space<hbm>> -> memref<32x128xf32, #tpu.memory_space<hbm>>
      tpu.enqueue_dma source(%dma_start3A_959 : memref<32x128xf32, #tpu.memory_space<hbm>>) target(%dma_start3A_957 : memref<32x128xf32, #tpu.memory_space<vmem>>) target_semaphore(%dma_start3A_953 : memref<!tpu.dma_semaphore, #tpu.memory_space<semaphore_mem>>)
      %slice3A_960 = vector.extract_strided_slice %get3A_19 {offsets = [12], sizes = [1], strides = [1]} : vector<16xi32> to vector<1xi32>
      %squeeze3A_961 = vector.extract %slice3A_960[0] : i32 from vector<1xi32>
      %and3A_962 = arith.constant -128 : i32
      %and3A_963 = arith.andi %squeeze3A_961, %and3A_962 : i32
      %multiple_of3A_964 = tpu.assume_multiple %and3A_963, 128 : i32
      %dma_start3A_965 = arith.constant 4 : i32
      %dma_start3A_966 = arith.constant 4 : i32
      %dma_start3A_967 = arith.constant 0 : i32
      %dma_start3A_968 = arith.constant 0 : i32
      %dma_start3A_969 = tpu.memref_slice %arg10[%dma_start3A_965, %dma_start3A_967, %dma_start3A_968] : memref<8x32x128xf32, #tpu.memory_space<vmem>> -> memref<1x32x128xf32, #tpu.memory_space<vmem>>
      %dma_start3A_970 = tpu.memref_squeeze %dma_start3A_969 : memref<1x32x128xf32, #tpu.memory_space<vmem>> -> memref<32x128xf32, #tpu.memory_space<vmem>>
      %dma_start3A_971 = arith.constant 0 : i32
      %dma_start3A_972 = tpu.memref_slice %arg5[%dma_start3A_971, %multiple_of3A_964] : memref<32x1000000xf32, #tpu.memory_space<hbm>> -> memref<32x128xf32, #tpu.memory_space<hbm>>
      %dma_start3A_973 = tpu.memref_slice %arg13[%dma_start3A_966] : memref<8x!tpu.dma_semaphore, #tpu.memory_space<semaphore_mem>> -> memref<1x!tpu.dma_semaphore, #tpu.memory_space<semaphore_mem>>
      %dma_start3A_974 = tpu.memref_squeeze %dma_start3A_973 : memref<1x!tpu.dma_semaphore, #tpu.memory_space<semaphore_mem>> -> memref<!tpu.dma_semaphore, #tpu.memory_space<semaphore_mem>>
      %dma_start3A_975 = arith.constant 0 : i32
      %dma_start3A_976 = arith.constant 0 : i32
      %dma_start3A_977 = tpu.memref_slice %arg10[%dma_start3A_965, %dma_start3A_975, %dma_start3A_976] : memref<8x32x128xf32, #tpu.memory_space<vmem>> -> memref<1x32x128xf32, #tpu.memory_space<vmem>>
      %dma_start3A_978 = tpu.memref_squeeze %dma_start3A_977 : memref<1x32x128xf32, #tpu.memory_space<vmem>> -> memref<32x128xf32, #tpu.memory_space<vmem>>
      %dma_start3A_979 = arith.constant 0 : i32
      %dma_start3A_980 = tpu.memref_slice %arg5[%dma_start3A_979, %multiple_of3A_964] : memref<32x1000000xf32, #tpu.memory_space<hbm>> -> memref<32x128xf32, #tpu.memory_space<hbm>>
      tpu.enqueue_dma source(%dma_start3A_980 : memref<32x128xf32, #tpu.memory_space<hbm>>) target(%dma_start3A_978 : memref<32x128xf32, #tpu.memory_space<vmem>>) target_semaphore(%dma_start3A_974 : memref<!tpu.dma_semaphore, #tpu.memory_space<semaphore_mem>>)
      %dma_wait3A_981 = arith.constant 5 : i32
      %dma_wait3A_982 = arith.constant 5 : i32
      %dma_wait3A_983 = arith.constant 0 : i32
      %dma_wait3A_984 = arith.constant 0 : i32
      %dma_wait3A_985 = tpu.memref_slice %arg9[%dma_wait3A_981, %dma_wait3A_983, %dma_wait3A_984] : memref<8x32x128xf32, #tpu.memory_space<vmem>> -> memref<1x32x128xf32, #tpu.memory_space<vmem>>
      %dma_wait3A_986 = tpu.memref_squeeze %dma_wait3A_985 : memref<1x32x128xf32, #tpu.memory_space<vmem>> -> memref<32x128xf32, #tpu.memory_space<vmem>>
      %dma_wait3A_987 = arith.constant 0 : i32
      %dma_wait3A_988 = arith.constant 0 : i32
      %dma_wait3A_989 = tpu.memref_slice %arg4[%dma_wait3A_987, %dma_wait3A_988] : memref<32x1000000xf32, #tpu.memory_space<hbm>> -> memref<32x128xf32, #tpu.memory_space<hbm>>
      %dma_wait3A_990 = tpu.memref_slice %arg12[%dma_wait3A_982] : memref<8x!tpu.dma_semaphore, #tpu.memory_space<semaphore_mem>> -> memref<1x!tpu.dma_semaphore, #tpu.memory_space<semaphore_mem>>
      %dma_wait3A_991 = tpu.memref_squeeze %dma_wait3A_990 : memref<1x!tpu.dma_semaphore, #tpu.memory_space<semaphore_mem>> -> memref<!tpu.dma_semaphore, #tpu.memory_space<semaphore_mem>>
      %dma_wait3A_992 = arith.constant 0 : i32
      %dma_wait3A_993 = arith.constant 0 : i32
      %dma_wait3A_994 = tpu.memref_slice %arg9[%dma_wait3A_981, %dma_wait3A_992, %dma_wait3A_993] : memref<8x32x128xf32, #tpu.memory_space<vmem>> -> memref<1x32x128xf32, #tpu.memory_space<vmem>>
      %dma_wait3A_995 = tpu.memref_squeeze %dma_wait3A_994 : memref<1x32x128xf32, #tpu.memory_space<vmem>> -> memref<32x128xf32, #tpu.memory_space<vmem>>
      %dma_wait3A_996 = arith.constant 0 : i32
      %dma_wait3A_997 = arith.constant 0 : i32
      %dma_wait3A_998 = tpu.memref_slice %arg4[%dma_wait3A_996, %dma_wait3A_997] : memref<32x1000000xf32, #tpu.memory_space<hbm>> -> memref<32x128xf32, #tpu.memory_space<hbm>>
      tpu.wait_dma2 semaphore(%dma_wait3A_991 : memref<!tpu.dma_semaphore, #tpu.memory_space<semaphore_mem>>) src(%dma_wait3A_998 : memref<32x128xf32, #tpu.memory_space<hbm>>) dst(%dma_wait3A_995 : memref<32x128xf32, #tpu.memory_space<vmem>>)
      %dma_wait3A_999 = arith.constant 5 : i32
      %dma_wait3A_1000 = arith.constant 5 : i32
      %dma_wait3A_1001 = arith.constant 0 : i32
      %dma_wait3A_1002 = arith.constant 0 : i32
      %dma_wait3A_1003 = tpu.memref_slice %arg10[%dma_wait3A_999, %dma_wait3A_1001, %dma_wait3A_1002] : memref<8x32x128xf32, #tpu.memory_space<vmem>> -> memref<1x32x128xf32, #tpu.memory_space<vmem>>
      %dma_wait3A_1004 = tpu.memref_squeeze %dma_wait3A_1003 : memref<1x32x128xf32, #tpu.memory_space<vmem>> -> memref<32x128xf32, #tpu.memory_space<vmem>>
      %dma_wait3A_1005 = arith.constant 0 : i32
      %dma_wait3A_1006 = arith.constant 0 : i32
      %dma_wait3A_1007 = tpu.memref_slice %arg5[%dma_wait3A_1005, %dma_wait3A_1006] : memref<32x1000000xf32, #tpu.memory_space<hbm>> -> memref<32x128xf32, #tpu.memory_space<hbm>>
      %dma_wait3A_1008 = tpu.memref_slice %arg13[%dma_wait3A_1000] : memref<8x!tpu.dma_semaphore, #tpu.memory_space<semaphore_mem>> -> memref<1x!tpu.dma_semaphore, #tpu.memory_space<semaphore_mem>>
      %dma_wait3A_1009 = tpu.memref_squeeze %dma_wait3A_1008 : memref<1x!tpu.dma_semaphore, #tpu.memory_space<semaphore_mem>> -> memref<!tpu.dma_semaphore, #tpu.memory_space<semaphore_mem>>
      %dma_wait3A_1010 = arith.constant 0 : i32
      %dma_wait3A_1011 = arith.constant 0 : i32
      %dma_wait3A_1012 = tpu.memref_slice %arg10[%dma_wait3A_999, %dma_wait3A_1010, %dma_wait3A_1011] : memref<8x32x128xf32, #tpu.memory_space<vmem>> -> memref<1x32x128xf32, #tpu.memory_space<vmem>>
      %dma_wait3A_1013 = tpu.memref_squeeze %dma_wait3A_1012 : memref<1x32x128xf32, #tpu.memory_space<vmem>> -> memref<32x128xf32, #tpu.memory_space<vmem>>
      %dma_wait3A_1014 = arith.constant 0 : i32
      %dma_wait3A_1015 = arith.constant 0 : i32
      %dma_wait3A_1016 = tpu.memref_slice %arg5[%dma_wait3A_1014, %dma_wait3A_1015] : memref<32x1000000xf32, #tpu.memory_space<hbm>> -> memref<32x128xf32, #tpu.memory_space<hbm>>
      tpu.wait_dma2 semaphore(%dma_wait3A_1009 : memref<!tpu.dma_semaphore, #tpu.memory_space<semaphore_mem>>) src(%dma_wait3A_1016 : memref<32x128xf32, #tpu.memory_space<hbm>>) dst(%dma_wait3A_1013 : memref<32x128xf32, #tpu.memory_space<vmem>>)
      %slice3A_1017 = vector.extract_strided_slice %get3A_16 {offsets = [5], sizes = [1], strides = [1]} : vector<16xi32> to vector<1xi32>
      %squeeze3A_1018 = vector.extract %slice3A_1017[0] : i32 from vector<1xi32>
      %and3A_1019 = arith.constant 127 : i32
      %and3A_1020 = arith.andi %squeeze3A_1018, %and3A_1019 : i32
      %slice3A_1021 = vector.extract_strided_slice %get3A_19 {offsets = [5], sizes = [1], strides = [1]} : vector<16xi32> to vector<1xi32>
      %squeeze3A_1022 = vector.extract %slice3A_1021[0] : i32 from vector<1xi32>
      %and3A_1023 = arith.constant 127 : i32
      %and3A_1024 = arith.andi %squeeze3A_1022, %and3A_1023 : i32
      %broadcast_in_dim3A_1025 = vector.broadcast %and3A_1020 : i32 to vector<16xi32>
      %gather3A_1026 = arith.constant 5 : i32
      %gather3A_1027 = arith.constant 0 : i32
      %gather3A_1028 = arith.constant 0 : i32
      %gather3A_1029 = tpu.memref_slice %arg9[%gather3A_1026, %gather3A_1027, %gather3A_1028] : memref<8x32x128xf32, #tpu.memory_space<vmem>> -> memref<1x32x128xf32, #tpu.memory_space<vmem>>
      %gather3A_1030 = tpu.memref_squeeze %gather3A_1029 : memref<1x32x128xf32, #tpu.memory_space<vmem>> -> memref<32x128xf32, #tpu.memory_space<vmem>>
      %gather3A_1031 = tpu.vector_load_idx %gather3A_1030[%iota3A, %broadcast_in_dim3A_1025] : memref<32x128xf32, #tpu.memory_space<vmem>>[vector<16xi32>, vector<16xi32>], vector<16xf32>,
      %add3A_1032 = arith.constant 16 : i32
      %add3A_1033 = vector.broadcast %add3A_1032 : i32 to vector<16xi32>
      %add3A_1034 = arith.addi %iota3A, %add3A_1033 : vector<16xi32>
      %gather3A_1035 = arith.constant 5 : i32
      %gather3A_1036 = arith.constant 0 : i32
      %gather3A_1037 = arith.constant 0 : i32
      %gather3A_1038 = tpu.memref_slice %arg9[%gather3A_1035, %gather3A_1036, %gather3A_1037] : memref<8x32x128xf32, #tpu.memory_space<vmem>> -> memref<1x32x128xf32, #tpu.memory_space<vmem>>
      %gather3A_1039 = tpu.memref_squeeze %gather3A_1038 : memref<1x32x128xf32, #tpu.memory_space<vmem>> -> memref<32x128xf32, #tpu.memory_space<vmem>>
      %gather3A_1040 = tpu.vector_load_idx %gather3A_1039[%add3A_1034, %broadcast_in_dim3A_1025] : memref<32x128xf32, #tpu.memory_space<vmem>>[vector<16xi32>, vector<16xi32>], vector<16xf32>,
      %broadcast_in_dim3A_1041 = vector.broadcast %and3A_1024 : i32 to vector<16xi32>
      %gather3A_1042 = arith.constant 5 : i32
      %gather3A_1043 = arith.constant 0 : i32
      %gather3A_1044 = arith.constant 0 : i32
      %gather3A_1045 = tpu.memref_slice %arg10[%gather3A_1042, %gather3A_1043, %gather3A_1044] : memref<8x32x128xf32, #tpu.memory_space<vmem>> -> memref<1x32x128xf32, #tpu.memory_space<vmem>>
      %gather3A_1046 = tpu.memref_squeeze %gather3A_1045 : memref<1x32x128xf32, #tpu.memory_space<vmem>> -> memref<32x128xf32, #tpu.memory_space<vmem>>
      %gather3A_1047 = tpu.vector_load_idx %gather3A_1046[%iota3A, %broadcast_in_dim3A_1041] : memref<32x128xf32, #tpu.memory_space<vmem>>[vector<16xi32>, vector<16xi32>], vector<16xf32>,
      %add3A_1048 = arith.constant 16 : i32
      %add3A_1049 = vector.broadcast %add3A_1048 : i32 to vector<16xi32>
      %add3A_1050 = arith.addi %iota3A, %add3A_1049 : vector<16xi32>
      %gather3A_1051 = arith.constant 5 : i32
      %gather3A_1052 = arith.constant 0 : i32
      %gather3A_1053 = arith.constant 0 : i32
      %gather3A_1054 = tpu.memref_slice %arg10[%gather3A_1051, %gather3A_1052, %gather3A_1053] : memref<8x32x128xf32, #tpu.memory_space<vmem>> -> memref<1x32x128xf32, #tpu.memory_space<vmem>>
      %gather3A_1055 = tpu.memref_squeeze %gather3A_1054 : memref<1x32x128xf32, #tpu.memory_space<vmem>> -> memref<32x128xf32, #tpu.memory_space<vmem>>
      %gather3A_1056 = tpu.vector_load_idx %gather3A_1055[%add3A_1050, %broadcast_in_dim3A_1041] : memref<32x128xf32, #tpu.memory_space<vmem>>[vector<16xi32>, vector<16xi32>], vector<16xf32>,
      %add3A_1057 = arith.constant 5 : i32
      %add3A_1058 = arith.addi %shift_left3A_21, %add3A_1057 : i32
      %broadcast_in_dim3A_1059 = vector.broadcast %add3A_1058 : i32 to vector<16xi32>
      %mul3A_1060 = arith.mulf %gather3A_1031, %gather3A_1047 : vector<16xf32>
      tpu.vector_store_idx %arg11[%iota3A, %broadcast_in_dim3A_1059], %mul3A_1060 : memref<32x512xf32, #tpu.memory_space<vmem>>[vector<16xi32>, vector<16xi32>], vector<16xf32>,
      %add3A_1061 = arith.constant 16 : i32
      %add3A_1062 = vector.broadcast %add3A_1061 : i32 to vector<16xi32>
      %add3A_1063 = arith.addi %iota3A, %add3A_1062 : vector<16xi32>
      %mul3A_1064 = arith.mulf %gather3A_1040, %gather3A_1056 : vector<16xf32>
      tpu.vector_store_idx %arg11[%add3A_1063, %broadcast_in_dim3A_1059], %mul3A_1064 : memref<32x512xf32, #tpu.memory_space<vmem>>[vector<16xi32>, vector<16xi32>], vector<16xf32>,
      %slice3A_1065 = vector.extract_strided_slice %get3A_16 {offsets = [13], sizes = [1], strides = [1]} : vector<16xi32> to vector<1xi32>
      %squeeze3A_1066 = vector.extract %slice3A_1065[0] : i32 from vector<1xi32>
      %and3A_1067 = arith.constant -128 : i32
      %and3A_1068 = arith.andi %squeeze3A_1066, %and3A_1067 : i32
      %multiple_of3A_1069 = tpu.assume_multiple %and3A_1068, 128 : i32
      %dma_start3A_1070 = arith.constant 5 : i32
      %dma_start3A_1071 = arith.constant 5 : i32
      %dma_start3A_1072 = arith.constant 0 : i32
      %dma_start3A_1073 = arith.constant 0 : i32
      %dma_start3A_1074 = tpu.memref_slice %arg9[%dma_start3A_1070, %dma_start3A_1072, %dma_start3A_1073] : memref<8x32x128xf32, #tpu.memory_space<vmem>> -> memref<1x32x128xf32, #tpu.memory_space<vmem>>
      %dma_start3A_1075 = tpu.memref_squeeze %dma_start3A_1074 : memref<1x32x128xf32, #tpu.memory_space<vmem>> -> memref<32x128xf32, #tpu.memory_space<vmem>>
      %dma_start3A_1076 = arith.constant 0 : i32
      %dma_start3A_1077 = tpu.memref_slice %arg4[%dma_start3A_1076, %multiple_of3A_1069] : memref<32x1000000xf32, #tpu.memory_space<hbm>> -> memref<32x128xf32, #tpu.memory_space<hbm>>
      %dma_start3A_1078 = tpu.memref_slice %arg12[%dma_start3A_1071] : memref<8x!tpu.dma_semaphore, #tpu.memory_space<semaphore_mem>> -> memref<1x!tpu.dma_semaphore, #tpu.memory_space<semaphore_mem>>
      %dma_start3A_1079 = tpu.memref_squeeze %dma_start3A_1078 : memref<1x!tpu.dma_semaphore, #tpu.memory_space<semaphore_mem>> -> memref<!tpu.dma_semaphore, #tpu.memory_space<semaphore_mem>>
      %dma_start3A_1080 = arith.constant 0 : i32
      %dma_start3A_1081 = arith.constant 0 : i32
      %dma_start3A_1082 = tpu.memref_slice %arg9[%dma_start3A_1070, %dma_start3A_1080, %dma_start3A_1081] : memref<8x32x128xf32, #tpu.memory_space<vmem>> -> memref<1x32x128xf32, #tpu.memory_space<vmem>>
      %dma_start3A_1083 = tpu.memref_squeeze %dma_start3A_1082 : memref<1x32x128xf32, #tpu.memory_space<vmem>> -> memref<32x128xf32, #tpu.memory_space<vmem>>
      %dma_start3A_1084 = arith.constant 0 : i32
      %dma_start3A_1085 = tpu.memref_slice %arg4[%dma_start3A_1084, %multiple_of3A_1069] : memref<32x1000000xf32, #tpu.memory_space<hbm>> -> memref<32x128xf32, #tpu.memory_space<hbm>>
      tpu.enqueue_dma source(%dma_start3A_1085 : memref<32x128xf32, #tpu.memory_space<hbm>>) target(%dma_start3A_1083 : memref<32x128xf32, #tpu.memory_space<vmem>>) target_semaphore(%dma_start3A_1079 : memref<!tpu.dma_semaphore, #tpu.memory_space<semaphore_mem>>)
      %slice3A_1086 = vector.extract_strided_slice %get3A_19 {offsets = [13], sizes = [1], strides = [1]} : vector<16xi32> to vector<1xi32>
      %squeeze3A_1087 = vector.extract %slice3A_1086[0] : i32 from vector<1xi32>
      %and3A_1088 = arith.constant -128 : i32
      %and3A_1089 = arith.andi %squeeze3A_1087, %and3A_1088 : i32
      %multiple_of3A_1090 = tpu.assume_multiple %and3A_1089, 128 : i32
      %dma_start3A_1091 = arith.constant 5 : i32
      %dma_start3A_1092 = arith.constant 5 : i32
      %dma_start3A_1093 = arith.constant 0 : i32
      %dma_start3A_1094 = arith.constant 0 : i32
      %dma_start3A_1095 = tpu.memref_slice %arg10[%dma_start3A_1091, %dma_start3A_1093, %dma_start3A_1094] : memref<8x32x128xf32, #tpu.memory_space<vmem>> -> memref<1x32x128xf32, #tpu.memory_space<vmem>>
      %dma_start3A_1096 = tpu.memref_squeeze %dma_start3A_1095 : memref<1x32x128xf32, #tpu.memory_space<vmem>> -> memref<32x128xf32, #tpu.memory_space<vmem>>
      %dma_start3A_1097 = arith.constant 0 : i32
      %dma_start3A_1098 = tpu.memref_slice %arg5[%dma_start3A_1097, %multiple_of3A_1090] : memref<32x1000000xf32, #tpu.memory_space<hbm>> -> memref<32x128xf32, #tpu.memory_space<hbm>>
      %dma_start3A_1099 = tpu.memref_slice %arg13[%dma_start3A_1092] : memref<8x!tpu.dma_semaphore, #tpu.memory_space<semaphore_mem>> -> memref<1x!tpu.dma_semaphore, #tpu.memory_space<semaphore_mem>>
      %dma_start3A_1100 = tpu.memref_squeeze %dma_start3A_1099 : memref<1x!tpu.dma_semaphore, #tpu.memory_space<semaphore_mem>> -> memref<!tpu.dma_semaphore, #tpu.memory_space<semaphore_mem>>
      %dma_start3A_1101 = arith.constant 0 : i32
      %dma_start3A_1102 = arith.constant 0 : i32
      %dma_start3A_1103 = tpu.memref_slice %arg10[%dma_start3A_1091, %dma_start3A_1101, %dma_start3A_1102] : memref<8x32x128xf32, #tpu.memory_space<vmem>> -> memref<1x32x128xf32, #tpu.memory_space<vmem>>
      %dma_start3A_1104 = tpu.memref_squeeze %dma_start3A_1103 : memref<1x32x128xf32, #tpu.memory_space<vmem>> -> memref<32x128xf32, #tpu.memory_space<vmem>>
      %dma_start3A_1105 = arith.constant 0 : i32
      %dma_start3A_1106 = tpu.memref_slice %arg5[%dma_start3A_1105, %multiple_of3A_1090] : memref<32x1000000xf32, #tpu.memory_space<hbm>> -> memref<32x128xf32, #tpu.memory_space<hbm>>
      tpu.enqueue_dma source(%dma_start3A_1106 : memref<32x128xf32, #tpu.memory_space<hbm>>) target(%dma_start3A_1104 : memref<32x128xf32, #tpu.memory_space<vmem>>) target_semaphore(%dma_start3A_1100 : memref<!tpu.dma_semaphore, #tpu.memory_space<semaphore_mem>>)
      %dma_wait3A_1107 = arith.constant 6 : i32
      %dma_wait3A_1108 = arith.constant 6 : i32
      %dma_wait3A_1109 = arith.constant 0 : i32
      %dma_wait3A_1110 = arith.constant 0 : i32
      %dma_wait3A_1111 = tpu.memref_slice %arg9[%dma_wait3A_1107, %dma_wait3A_1109, %dma_wait3A_1110] : memref<8x32x128xf32, #tpu.memory_space<vmem>> -> memref<1x32x128xf32, #tpu.memory_space<vmem>>
      %dma_wait3A_1112 = tpu.memref_squeeze %dma_wait3A_1111 : memref<1x32x128xf32, #tpu.memory_space<vmem>> -> memref<32x128xf32, #tpu.memory_space<vmem>>
      %dma_wait3A_1113 = arith.constant 0 : i32
      %dma_wait3A_1114 = arith.constant 0 : i32
      %dma_wait3A_1115 = tpu.memref_slice %arg4[%dma_wait3A_1113, %dma_wait3A_1114] : memref<32x1000000xf32, #tpu.memory_space<hbm>> -> memref<32x128xf32, #tpu.memory_space<hbm>>
      %dma_wait3A_1116 = tpu.memref_slice %arg12[%dma_wait3A_1108] : memref<8x!tpu.dma_semaphore, #tpu.memory_space<semaphore_mem>> -> memref<1x!tpu.dma_semaphore, #tpu.memory_space<semaphore_mem>>
      %dma_wait3A_1117 = tpu.memref_squeeze %dma_wait3A_1116 : memref<1x!tpu.dma_semaphore, #tpu.memory_space<semaphore_mem>> -> memref<!tpu.dma_semaphore, #tpu.memory_space<semaphore_mem>>
      %dma_wait3A_1118 = arith.constant 0 : i32
      %dma_wait3A_1119 = arith.constant 0 : i32
      %dma_wait3A_1120 = tpu.memref_slice %arg9[%dma_wait3A_1107, %dma_wait3A_1118, %dma_wait3A_1119] : memref<8x32x128xf32, #tpu.memory_space<vmem>> -> memref<1x32x128xf32, #tpu.memory_space<vmem>>
      %dma_wait3A_1121 = tpu.memref_squeeze %dma_wait3A_1120 : memref<1x32x128xf32, #tpu.memory_space<vmem>> -> memref<32x128xf32, #tpu.memory_space<vmem>>
      %dma_wait3A_1122 = arith.constant 0 : i32
      %dma_wait3A_1123 = arith.constant 0 : i32
      %dma_wait3A_1124 = tpu.memref_slice %arg4[%dma_wait3A_1122, %dma_wait3A_1123] : memref<32x1000000xf32, #tpu.memory_space<hbm>> -> memref<32x128xf32, #tpu.memory_space<hbm>>
      tpu.wait_dma2 semaphore(%dma_wait3A_1117 : memref<!tpu.dma_semaphore, #tpu.memory_space<semaphore_mem>>) src(%dma_wait3A_1124 : memref<32x128xf32, #tpu.memory_space<hbm>>) dst(%dma_wait3A_1121 : memref<32x128xf32, #tpu.memory_space<vmem>>)
      %dma_wait3A_1125 = arith.constant 6 : i32
      %dma_wait3A_1126 = arith.constant 6 : i32
      %dma_wait3A_1127 = arith.constant 0 : i32
      %dma_wait3A_1128 = arith.constant 0 : i32
      %dma_wait3A_1129 = tpu.memref_slice %arg10[%dma_wait3A_1125, %dma_wait3A_1127, %dma_wait3A_1128] : memref<8x32x128xf32, #tpu.memory_space<vmem>> -> memref<1x32x128xf32, #tpu.memory_space<vmem>>
      %dma_wait3A_1130 = tpu.memref_squeeze %dma_wait3A_1129 : memref<1x32x128xf32, #tpu.memory_space<vmem>> -> memref<32x128xf32, #tpu.memory_space<vmem>>
      %dma_wait3A_1131 = arith.constant 0 : i32
      %dma_wait3A_1132 = arith.constant 0 : i32
      %dma_wait3A_1133 = tpu.memref_slice %arg5[%dma_wait3A_1131, %dma_wait3A_1132] : memref<32x1000000xf32, #tpu.memory_space<hbm>> -> memref<32x128xf32, #tpu.memory_space<hbm>>
      %dma_wait3A_1134 = tpu.memref_slice %arg13[%dma_wait3A_1126] : memref<8x!tpu.dma_semaphore, #tpu.memory_space<semaphore_mem>> -> memref<1x!tpu.dma_semaphore, #tpu.memory_space<semaphore_mem>>
      %dma_wait3A_1135 = tpu.memref_squeeze %dma_wait3A_1134 : memref<1x!tpu.dma_semaphore, #tpu.memory_space<semaphore_mem>> -> memref<!tpu.dma_semaphore, #tpu.memory_space<semaphore_mem>>
      %dma_wait3A_1136 = arith.constant 0 : i32
      %dma_wait3A_1137 = arith.constant 0 : i32
      %dma_wait3A_1138 = tpu.memref_slice %arg10[%dma_wait3A_1125, %dma_wait3A_1136, %dma_wait3A_1137] : memref<8x32x128xf32, #tpu.memory_space<vmem>> -> memref<1x32x128xf32, #tpu.memory_space<vmem>>
      %dma_wait3A_1139 = tpu.memref_squeeze %dma_wait3A_1138 : memref<1x32x128xf32, #tpu.memory_space<vmem>> -> memref<32x128xf32, #tpu.memory_space<vmem>>
      %dma_wait3A_1140 = arith.constant 0 : i32
      %dma_wait3A_1141 = arith.constant 0 : i32
      %dma_wait3A_1142 = tpu.memref_slice %arg5[%dma_wait3A_1140, %dma_wait3A_1141] : memref<32x1000000xf32, #tpu.memory_space<hbm>> -> memref<32x128xf32, #tpu.memory_space<hbm>>
      tpu.wait_dma2 semaphore(%dma_wait3A_1135 : memref<!tpu.dma_semaphore, #tpu.memory_space<semaphore_mem>>) src(%dma_wait3A_1142 : memref<32x128xf32, #tpu.memory_space<hbm>>) dst(%dma_wait3A_1139 : memref<32x128xf32, #tpu.memory_space<vmem>>)
      %slice3A_1143 = vector.extract_strided_slice %get3A_16 {offsets = [6], sizes = [1], strides = [1]} : vector<16xi32> to vector<1xi32>
      %squeeze3A_1144 = vector.extract %slice3A_1143[0] : i32 from vector<1xi32>
      %and3A_1145 = arith.constant 127 : i32
      %and3A_1146 = arith.andi %squeeze3A_1144, %and3A_1145 : i32
      %slice3A_1147 = vector.extract_strided_slice %get3A_19 {offsets = [6], sizes = [1], strides = [1]} : vector<16xi32> to vector<1xi32>
      %squeeze3A_1148 = vector.extract %slice3A_1147[0] : i32 from vector<1xi32>
      %and3A_1149 = arith.constant 127 : i32
      %and3A_1150 = arith.andi %squeeze3A_1148, %and3A_1149 : i32
      %broadcast_in_dim3A_1151 = vector.broadcast %and3A_1146 : i32 to vector<16xi32>
      %gather3A_1152 = arith.constant 6 : i32
      %gather3A_1153 = arith.constant 0 : i32
      %gather3A_1154 = arith.constant 0 : i32
      %gather3A_1155 = tpu.memref_slice %arg9[%gather3A_1152, %gather3A_1153, %gather3A_1154] : memref<8x32x128xf32, #tpu.memory_space<vmem>> -> memref<1x32x128xf32, #tpu.memory_space<vmem>>
      %gather3A_1156 = tpu.memref_squeeze %gather3A_1155 : memref<1x32x128xf32, #tpu.memory_space<vmem>> -> memref<32x128xf32, #tpu.memory_space<vmem>>
      %gather3A_1157 = tpu.vector_load_idx %gather3A_1156[%iota3A, %broadcast_in_dim3A_1151] : memref<32x128xf32, #tpu.memory_space<vmem>>[vector<16xi32>, vector<16xi32>], vector<16xf32>,
      %add3A_1158 = arith.constant 16 : i32
      %add3A_1159 = vector.broadcast %add3A_1158 : i32 to vector<16xi32>
      %add3A_1160 = arith.addi %iota3A, %add3A_1159 : vector<16xi32>
      %gather3A_1161 = arith.constant 6 : i32
      %gather3A_1162 = arith.constant 0 : i32
      %gather3A_1163 = arith.constant 0 : i32
      %gather3A_1164 = tpu.memref_slice %arg9[%gather3A_1161, %gather3A_1162, %gather3A_1163] : memref<8x32x128xf32, #tpu.memory_space<vmem>> -> memref<1x32x128xf32, #tpu.memory_space<vmem>>
      %gather3A_1165 = tpu.memref_squeeze %gather3A_1164 : memref<1x32x128xf32, #tpu.memory_space<vmem>> -> memref<32x128xf32, #tpu.memory_space<vmem>>
      %gather3A_1166 = tpu.vector_load_idx %gather3A_1165[%add3A_1160, %broadcast_in_dim3A_1151] : memref<32x128xf32, #tpu.memory_space<vmem>>[vector<16xi32>, vector<16xi32>], vector<16xf32>,
      %broadcast_in_dim3A_1167 = vector.broadcast %and3A_1150 : i32 to vector<16xi32>
      %gather3A_1168 = arith.constant 6 : i32
      %gather3A_1169 = arith.constant 0 : i32
      %gather3A_1170 = arith.constant 0 : i32
      %gather3A_1171 = tpu.memref_slice %arg10[%gather3A_1168, %gather3A_1169, %gather3A_1170] : memref<8x32x128xf32, #tpu.memory_space<vmem>> -> memref<1x32x128xf32, #tpu.memory_space<vmem>>
      %gather3A_1172 = tpu.memref_squeeze %gather3A_1171 : memref<1x32x128xf32, #tpu.memory_space<vmem>> -> memref<32x128xf32, #tpu.memory_space<vmem>>
      %gather3A_1173 = tpu.vector_load_idx %gather3A_1172[%iota3A, %broadcast_in_dim3A_1167] : memref<32x128xf32, #tpu.memory_space<vmem>>[vector<16xi32>, vector<16xi32>], vector<16xf32>,
      %add3A_1174 = arith.constant 16 : i32
      %add3A_1175 = vector.broadcast %add3A_1174 : i32 to vector<16xi32>
      %add3A_1176 = arith.addi %iota3A, %add3A_1175 : vector<16xi32>
      %gather3A_1177 = arith.constant 6 : i32
      %gather3A_1178 = arith.constant 0 : i32
      %gather3A_1179 = arith.constant 0 : i32
      %gather3A_1180 = tpu.memref_slice %arg10[%gather3A_1177, %gather3A_1178, %gather3A_1179] : memref<8x32x128xf32, #tpu.memory_space<vmem>> -> memref<1x32x128xf32, #tpu.memory_space<vmem>>
      %gather3A_1181 = tpu.memref_squeeze %gather3A_1180 : memref<1x32x128xf32, #tpu.memory_space<vmem>> -> memref<32x128xf32, #tpu.memory_space<vmem>>
      %gather3A_1182 = tpu.vector_load_idx %gather3A_1181[%add3A_1176, %broadcast_in_dim3A_1167] : memref<32x128xf32, #tpu.memory_space<vmem>>[vector<16xi32>, vector<16xi32>], vector<16xf32>,
      %add3A_1183 = arith.constant 6 : i32
      %add3A_1184 = arith.addi %shift_left3A_21, %add3A_1183 : i32
      %broadcast_in_dim3A_1185 = vector.broadcast %add3A_1184 : i32 to vector<16xi32>
      %mul3A_1186 = arith.mulf %gather3A_1157, %gather3A_1173 : vector<16xf32>
      tpu.vector_store_idx %arg11[%iota3A, %broadcast_in_dim3A_1185], %mul3A_1186 : memref<32x512xf32, #tpu.memory_space<vmem>>[vector<16xi32>, vector<16xi32>], vector<16xf32>,
      %add3A_1187 = arith.constant 16 : i32
      %add3A_1188 = vector.broadcast %add3A_1187 : i32 to vector<16xi32>
      %add3A_1189 = arith.addi %iota3A, %add3A_1188 : vector<16xi32>
      %mul3A_1190 = arith.mulf %gather3A_1166, %gather3A_1182 : vector<16xf32>
      tpu.vector_store_idx %arg11[%add3A_1189, %broadcast_in_dim3A_1185], %mul3A_1190 : memref<32x512xf32, #tpu.memory_space<vmem>>[vector<16xi32>, vector<16xi32>], vector<16xf32>,
      %slice3A_1191 = vector.extract_strided_slice %get3A_16 {offsets = [14], sizes = [1], strides = [1]} : vector<16xi32> to vector<1xi32>
      %squeeze3A_1192 = vector.extract %slice3A_1191[0] : i32 from vector<1xi32>
      %and3A_1193 = arith.constant -128 : i32
      %and3A_1194 = arith.andi %squeeze3A_1192, %and3A_1193 : i32
      %multiple_of3A_1195 = tpu.assume_multiple %and3A_1194, 128 : i32
      %dma_start3A_1196 = arith.constant 6 : i32
      %dma_start3A_1197 = arith.constant 6 : i32
      %dma_start3A_1198 = arith.constant 0 : i32
      %dma_start3A_1199 = arith.constant 0 : i32
      %dma_start3A_1200 = tpu.memref_slice %arg9[%dma_start3A_1196, %dma_start3A_1198, %dma_start3A_1199] : memref<8x32x128xf32, #tpu.memory_space<vmem>> -> memref<1x32x128xf32, #tpu.memory_space<vmem>>
      %dma_start3A_1201 = tpu.memref_squeeze %dma_start3A_1200 : memref<1x32x128xf32, #tpu.memory_space<vmem>> -> memref<32x128xf32, #tpu.memory_space<vmem>>
      %dma_start3A_1202 = arith.constant 0 : i32
      %dma_start3A_1203 = tpu.memref_slice %arg4[%dma_start3A_1202, %multiple_of3A_1195] : memref<32x1000000xf32, #tpu.memory_space<hbm>> -> memref<32x128xf32, #tpu.memory_space<hbm>>
      %dma_start3A_1204 = tpu.memref_slice %arg12[%dma_start3A_1197] : memref<8x!tpu.dma_semaphore, #tpu.memory_space<semaphore_mem>> -> memref<1x!tpu.dma_semaphore, #tpu.memory_space<semaphore_mem>>
      %dma_start3A_1205 = tpu.memref_squeeze %dma_start3A_1204 : memref<1x!tpu.dma_semaphore, #tpu.memory_space<semaphore_mem>> -> memref<!tpu.dma_semaphore, #tpu.memory_space<semaphore_mem>>
      %dma_start3A_1206 = arith.constant 0 : i32
      %dma_start3A_1207 = arith.constant 0 : i32
      %dma_start3A_1208 = tpu.memref_slice %arg9[%dma_start3A_1196, %dma_start3A_1206, %dma_start3A_1207] : memref<8x32x128xf32, #tpu.memory_space<vmem>> -> memref<1x32x128xf32, #tpu.memory_space<vmem>>
      %dma_start3A_1209 = tpu.memref_squeeze %dma_start3A_1208 : memref<1x32x128xf32, #tpu.memory_space<vmem>> -> memref<32x128xf32, #tpu.memory_space<vmem>>
      %dma_start3A_1210 = arith.constant 0 : i32
      %dma_start3A_1211 = tpu.memref_slice %arg4[%dma_start3A_1210, %multiple_of3A_1195] : memref<32x1000000xf32, #tpu.memory_space<hbm>> -> memref<32x128xf32, #tpu.memory_space<hbm>>
      tpu.enqueue_dma source(%dma_start3A_1211 : memref<32x128xf32, #tpu.memory_space<hbm>>) target(%dma_start3A_1209 : memref<32x128xf32, #tpu.memory_space<vmem>>) target_semaphore(%dma_start3A_1205 : memref<!tpu.dma_semaphore, #tpu.memory_space<semaphore_mem>>)
      %slice3A_1212 = vector.extract_strided_slice %get3A_19 {offsets = [14], sizes = [1], strides = [1]} : vector<16xi32> to vector<1xi32>
      %squeeze3A_1213 = vector.extract %slice3A_1212[0] : i32 from vector<1xi32>
      %and3A_1214 = arith.constant -128 : i32
      %and3A_1215 = arith.andi %squeeze3A_1213, %and3A_1214 : i32
      %multiple_of3A_1216 = tpu.assume_multiple %and3A_1215, 128 : i32
      %dma_start3A_1217 = arith.constant 6 : i32
      %dma_start3A_1218 = arith.constant 6 : i32
      %dma_start3A_1219 = arith.constant 0 : i32
      %dma_start3A_1220 = arith.constant 0 : i32
      %dma_start3A_1221 = tpu.memref_slice %arg10[%dma_start3A_1217, %dma_start3A_1219, %dma_start3A_1220] : memref<8x32x128xf32, #tpu.memory_space<vmem>> -> memref<1x32x128xf32, #tpu.memory_space<vmem>>
      %dma_start3A_1222 = tpu.memref_squeeze %dma_start3A_1221 : memref<1x32x128xf32, #tpu.memory_space<vmem>> -> memref<32x128xf32, #tpu.memory_space<vmem>>
      %dma_start3A_1223 = arith.constant 0 : i32
      %dma_start3A_1224 = tpu.memref_slice %arg5[%dma_start3A_1223, %multiple_of3A_1216] : memref<32x1000000xf32, #tpu.memory_space<hbm>> -> memref<32x128xf32, #tpu.memory_space<hbm>>
      %dma_start3A_1225 = tpu.memref_slice %arg13[%dma_start3A_1218] : memref<8x!tpu.dma_semaphore, #tpu.memory_space<semaphore_mem>> -> memref<1x!tpu.dma_semaphore, #tpu.memory_space<semaphore_mem>>
      %dma_start3A_1226 = tpu.memref_squeeze %dma_start3A_1225 : memref<1x!tpu.dma_semaphore, #tpu.memory_space<semaphore_mem>> -> memref<!tpu.dma_semaphore, #tpu.memory_space<semaphore_mem>>
      %dma_start3A_1227 = arith.constant 0 : i32
      %dma_start3A_1228 = arith.constant 0 : i32
      %dma_start3A_1229 = tpu.memref_slice %arg10[%dma_start3A_1217, %dma_start3A_1227, %dma_start3A_1228] : memref<8x32x128xf32, #tpu.memory_space<vmem>> -> memref<1x32x128xf32, #tpu.memory_space<vmem>>
      %dma_start3A_1230 = tpu.memref_squeeze %dma_start3A_1229 : memref<1x32x128xf32, #tpu.memory_space<vmem>> -> memref<32x128xf32, #tpu.memory_space<vmem>>
      %dma_start3A_1231 = arith.constant 0 : i32
      %dma_start3A_1232 = tpu.memref_slice %arg5[%dma_start3A_1231, %multiple_of3A_1216] : memref<32x1000000xf32, #tpu.memory_space<hbm>> -> memref<32x128xf32, #tpu.memory_space<hbm>>
      tpu.enqueue_dma source(%dma_start3A_1232 : memref<32x128xf32, #tpu.memory_space<hbm>>) target(%dma_start3A_1230 : memref<32x128xf32, #tpu.memory_space<vmem>>) target_semaphore(%dma_start3A_1226 : memref<!tpu.dma_semaphore, #tpu.memory_space<semaphore_mem>>)
      %dma_wait3A_1233 = arith.constant 7 : i32
      %dma_wait3A_1234 = arith.constant 7 : i32
      %dma_wait3A_1235 = arith.constant 0 : i32
      %dma_wait3A_1236 = arith.constant 0 : i32
      %dma_wait3A_1237 = tpu.memref_slice %arg9[%dma_wait3A_1233, %dma_wait3A_1235, %dma_wait3A_1236] : memref<8x32x128xf32, #tpu.memory_space<vmem>> -> memref<1x32x128xf32, #tpu.memory_space<vmem>>
      %dma_wait3A_1238 = tpu.memref_squeeze %dma_wait3A_1237 : memref<1x32x128xf32, #tpu.memory_space<vmem>> -> memref<32x128xf32, #tpu.memory_space<vmem>>
      %dma_wait3A_1239 = arith.constant 0 : i32
      %dma_wait3A_1240 = arith.constant 0 : i32
      %dma_wait3A_1241 = tpu.memref_slice %arg4[%dma_wait3A_1239, %dma_wait3A_1240] : memref<32x1000000xf32, #tpu.memory_space<hbm>> -> memref<32x128xf32, #tpu.memory_space<hbm>>
      %dma_wait3A_1242 = tpu.memref_slice %arg12[%dma_wait3A_1234] : memref<8x!tpu.dma_semaphore, #tpu.memory_space<semaphore_mem>> -> memref<1x!tpu.dma_semaphore, #tpu.memory_space<semaphore_mem>>
      %dma_wait3A_1243 = tpu.memref_squeeze %dma_wait3A_1242 : memref<1x!tpu.dma_semaphore, #tpu.memory_space<semaphore_mem>> -> memref<!tpu.dma_semaphore, #tpu.memory_space<semaphore_mem>>
      %dma_wait3A_1244 = arith.constant 0 : i32
      %dma_wait3A_1245 = arith.constant 0 : i32
      %dma_wait3A_1246 = tpu.memref_slice %arg9[%dma_wait3A_1233, %dma_wait3A_1244, %dma_wait3A_1245] : memref<8x32x128xf32, #tpu.memory_space<vmem>> -> memref<1x32x128xf32, #tpu.memory_space<vmem>>
      %dma_wait3A_1247 = tpu.memref_squeeze %dma_wait3A_1246 : memref<1x32x128xf32, #tpu.memory_space<vmem>> -> memref<32x128xf32, #tpu.memory_space<vmem>>
      %dma_wait3A_1248 = arith.constant 0 : i32
      %dma_wait3A_1249 = arith.constant 0 : i32
      %dma_wait3A_1250 = tpu.memref_slice %arg4[%dma_wait3A_1248, %dma_wait3A_1249] : memref<32x1000000xf32, #tpu.memory_space<hbm>> -> memref<32x128xf32, #tpu.memory_space<hbm>>
      tpu.wait_dma2 semaphore(%dma_wait3A_1243 : memref<!tpu.dma_semaphore, #tpu.memory_space<semaphore_mem>>) src(%dma_wait3A_1250 : memref<32x128xf32, #tpu.memory_space<hbm>>) dst(%dma_wait3A_1247 : memref<32x128xf32, #tpu.memory_space<vmem>>)
      %dma_wait3A_1251 = arith.constant 7 : i32
      %dma_wait3A_1252 = arith.constant 7 : i32
      %dma_wait3A_1253 = arith.constant 0 : i32
      %dma_wait3A_1254 = arith.constant 0 : i32
      %dma_wait3A_1255 = tpu.memref_slice %arg10[%dma_wait3A_1251, %dma_wait3A_1253, %dma_wait3A_1254] : memref<8x32x128xf32, #tpu.memory_space<vmem>> -> memref<1x32x128xf32, #tpu.memory_space<vmem>>
      %dma_wait3A_1256 = tpu.memref_squeeze %dma_wait3A_1255 : memref<1x32x128xf32, #tpu.memory_space<vmem>> -> memref<32x128xf32, #tpu.memory_space<vmem>>
      %dma_wait3A_1257 = arith.constant 0 : i32
      %dma_wait3A_1258 = arith.constant 0 : i32
      %dma_wait3A_1259 = tpu.memref_slice %arg5[%dma_wait3A_1257, %dma_wait3A_1258] : memref<32x1000000xf32, #tpu.memory_space<hbm>> -> memref<32x128xf32, #tpu.memory_space<hbm>>
      %dma_wait3A_1260 = tpu.memref_slice %arg13[%dma_wait3A_1252] : memref<8x!tpu.dma_semaphore, #tpu.memory_space<semaphore_mem>> -> memref<1x!tpu.dma_semaphore, #tpu.memory_space<semaphore_mem>>
      %dma_wait3A_1261 = tpu.memref_squeeze %dma_wait3A_1260 : memref<1x!tpu.dma_semaphore, #tpu.memory_space<semaphore_mem>> -> memref<!tpu.dma_semaphore, #tpu.memory_space<semaphore_mem>>
      %dma_wait3A_1262 = arith.constant 0 : i32
      %dma_wait3A_1263 = arith.constant 0 : i32
      %dma_wait3A_1264 = tpu.memref_slice %arg10[%dma_wait3A_1251, %dma_wait3A_1262, %dma_wait3A_1263] : memref<8x32x128xf32, #tpu.memory_space<vmem>> -> memref<1x32x128xf32, #tpu.memory_space<vmem>>
      %dma_wait3A_1265 = tpu.memref_squeeze %dma_wait3A_1264 : memref<1x32x128xf32, #tpu.memory_space<vmem>> -> memref<32x128xf32, #tpu.memory_space<vmem>>
      %dma_wait3A_1266 = arith.constant 0 : i32
      %dma_wait3A_1267 = arith.constant 0 : i32
      %dma_wait3A_1268 = tpu.memref_slice %arg5[%dma_wait3A_1266, %dma_wait3A_1267] : memref<32x1000000xf32, #tpu.memory_space<hbm>> -> memref<32x128xf32, #tpu.memory_space<hbm>>
      tpu.wait_dma2 semaphore(%dma_wait3A_1261 : memref<!tpu.dma_semaphore, #tpu.memory_space<semaphore_mem>>) src(%dma_wait3A_1268 : memref<32x128xf32, #tpu.memory_space<hbm>>) dst(%dma_wait3A_1265 : memref<32x128xf32, #tpu.memory_space<vmem>>)
      %slice3A_1269 = vector.extract_strided_slice %get3A_16 {offsets = [7], sizes = [1], strides = [1]} : vector<16xi32> to vector<1xi32>
      %squeeze3A_1270 = vector.extract %slice3A_1269[0] : i32 from vector<1xi32>
      %and3A_1271 = arith.constant 127 : i32
      %and3A_1272 = arith.andi %squeeze3A_1270, %and3A_1271 : i32
      %slice3A_1273 = vector.extract_strided_slice %get3A_19 {offsets = [7], sizes = [1], strides = [1]} : vector<16xi32> to vector<1xi32>
      %squeeze3A_1274 = vector.extract %slice3A_1273[0] : i32 from vector<1xi32>
      %and3A_1275 = arith.constant 127 : i32
      %and3A_1276 = arith.andi %squeeze3A_1274, %and3A_1275 : i32
      %broadcast_in_dim3A_1277 = vector.broadcast %and3A_1272 : i32 to vector<16xi32>
      %gather3A_1278 = arith.constant 7 : i32
      %gather3A_1279 = arith.constant 0 : i32
      %gather3A_1280 = arith.constant 0 : i32
      %gather3A_1281 = tpu.memref_slice %arg9[%gather3A_1278, %gather3A_1279, %gather3A_1280] : memref<8x32x128xf32, #tpu.memory_space<vmem>> -> memref<1x32x128xf32, #tpu.memory_space<vmem>>
      %gather3A_1282 = tpu.memref_squeeze %gather3A_1281 : memref<1x32x128xf32, #tpu.memory_space<vmem>> -> memref<32x128xf32, #tpu.memory_space<vmem>>
      %gather3A_1283 = tpu.vector_load_idx %gather3A_1282[%iota3A, %broadcast_in_dim3A_1277] : memref<32x128xf32, #tpu.memory_space<vmem>>[vector<16xi32>, vector<16xi32>], vector<16xf32>,
      %add3A_1284 = arith.constant 16 : i32
      %add3A_1285 = vector.broadcast %add3A_1284 : i32 to vector<16xi32>
      %add3A_1286 = arith.addi %iota3A, %add3A_1285 : vector<16xi32>
      %gather3A_1287 = arith.constant 7 : i32
      %gather3A_1288 = arith.constant 0 : i32
      %gather3A_1289 = arith.constant 0 : i32
      %gather3A_1290 = tpu.memref_slice %arg9[%gather3A_1287, %gather3A_1288, %gather3A_1289] : memref<8x32x128xf32, #tpu.memory_space<vmem>> -> memref<1x32x128xf32, #tpu.memory_space<vmem>>
      %gather3A_1291 = tpu.memref_squeeze %gather3A_1290 : memref<1x32x128xf32, #tpu.memory_space<vmem>> -> memref<32x128xf32, #tpu.memory_space<vmem>>
      %gather3A_1292 = tpu.vector_load_idx %gather3A_1291[%add3A_1286, %broadcast_in_dim3A_1277] : memref<32x128xf32, #tpu.memory_space<vmem>>[vector<16xi32>, vector<16xi32>], vector<16xf32>,
      %broadcast_in_dim3A_1293 = vector.broadcast %and3A_1276 : i32 to vector<16xi32>
      %gather3A_1294 = arith.constant 7 : i32
      %gather3A_1295 = arith.constant 0 : i32
      %gather3A_1296 = arith.constant 0 : i32
      %gather3A_1297 = tpu.memref_slice %arg10[%gather3A_1294, %gather3A_1295, %gather3A_1296] : memref<8x32x128xf32, #tpu.memory_space<vmem>> -> memref<1x32x128xf32, #tpu.memory_space<vmem>>
      %gather3A_1298 = tpu.memref_squeeze %gather3A_1297 : memref<1x32x128xf32, #tpu.memory_space<vmem>> -> memref<32x128xf32, #tpu.memory_space<vmem>>
      %gather3A_1299 = tpu.vector_load_idx %gather3A_1298[%iota3A, %broadcast_in_dim3A_1293] : memref<32x128xf32, #tpu.memory_space<vmem>>[vector<16xi32>, vector<16xi32>], vector<16xf32>,
      %add3A_1300 = arith.constant 16 : i32
      %add3A_1301 = vector.broadcast %add3A_1300 : i32 to vector<16xi32>
      %add3A_1302 = arith.addi %iota3A, %add3A_1301 : vector<16xi32>
      %gather3A_1303 = arith.constant 7 : i32
      %gather3A_1304 = arith.constant 0 : i32
      %gather3A_1305 = arith.constant 0 : i32
      %gather3A_1306 = tpu.memref_slice %arg10[%gather3A_1303, %gather3A_1304, %gather3A_1305] : memref<8x32x128xf32, #tpu.memory_space<vmem>> -> memref<1x32x128xf32, #tpu.memory_space<vmem>>
      %gather3A_1307 = tpu.memref_squeeze %gather3A_1306 : memref<1x32x128xf32, #tpu.memory_space<vmem>> -> memref<32x128xf32, #tpu.memory_space<vmem>>
      %gather3A_1308 = tpu.vector_load_idx %gather3A_1307[%add3A_1302, %broadcast_in_dim3A_1293] : memref<32x128xf32, #tpu.memory_space<vmem>>[vector<16xi32>, vector<16xi32>], vector<16xf32>,
      %add3A_1309 = arith.constant 7 : i32
      %add3A_1310 = arith.addi %shift_left3A_21, %add3A_1309 : i32
      %broadcast_in_dim3A_1311 = vector.broadcast %add3A_1310 : i32 to vector<16xi32>
      %mul3A_1312 = arith.mulf %gather3A_1283, %gather3A_1299 : vector<16xf32>
      tpu.vector_store_idx %arg11[%iota3A, %broadcast_in_dim3A_1311], %mul3A_1312 : memref<32x512xf32, #tpu.memory_space<vmem>>[vector<16xi32>, vector<16xi32>], vector<16xf32>,
      %add3A_1313 = arith.constant 16 : i32
      %add3A_1314 = vector.broadcast %add3A_1313 : i32 to vector<16xi32>
      %add3A_1315 = arith.addi %iota3A, %add3A_1314 : vector<16xi32>
      %mul3A_1316 = arith.mulf %gather3A_1292, %gather3A_1308 : vector<16xf32>
      tpu.vector_store_idx %arg11[%add3A_1315, %broadcast_in_dim3A_1311], %mul3A_1316 : memref<32x512xf32, #tpu.memory_space<vmem>>[vector<16xi32>, vector<16xi32>], vector<16xf32>,
      %slice3A_1317 = vector.extract_strided_slice %get3A_16 {offsets = [15], sizes = [1], strides = [1]} : vector<16xi32> to vector<1xi32>
      %squeeze3A_1318 = vector.extract %slice3A_1317[0] : i32 from vector<1xi32>
      %and3A_1319 = arith.constant -128 : i32
      %and3A_1320 = arith.andi %squeeze3A_1318, %and3A_1319 : i32
      %multiple_of3A_1321 = tpu.assume_multiple %and3A_1320, 128 : i32
      %dma_start3A_1322 = arith.constant 7 : i32
      %dma_start3A_1323 = arith.constant 7 : i32
      %dma_start3A_1324 = arith.constant 0 : i32
      %dma_start3A_1325 = arith.constant 0 : i32
      %dma_start3A_1326 = tpu.memref_slice %arg9[%dma_start3A_1322, %dma_start3A_1324, %dma_start3A_1325] : memref<8x32x128xf32, #tpu.memory_space<vmem>> -> memref<1x32x128xf32, #tpu.memory_space<vmem>>
      %dma_start3A_1327 = tpu.memref_squeeze %dma_start3A_1326 : memref<1x32x128xf32, #tpu.memory_space<vmem>> -> memref<32x128xf32, #tpu.memory_space<vmem>>
      %dma_start3A_1328 = arith.constant 0 : i32
      %dma_start3A_1329 = tpu.memref_slice %arg4[%dma_start3A_1328, %multiple_of3A_1321] : memref<32x1000000xf32, #tpu.memory_space<hbm>> -> memref<32x128xf32, #tpu.memory_space<hbm>>
      %dma_start3A_1330 = tpu.memref_slice %arg12[%dma_start3A_1323] : memref<8x!tpu.dma_semaphore, #tpu.memory_space<semaphore_mem>> -> memref<1x!tpu.dma_semaphore, #tpu.memory_space<semaphore_mem>>
      %dma_start3A_1331 = tpu.memref_squeeze %dma_start3A_1330 : memref<1x!tpu.dma_semaphore, #tpu.memory_space<semaphore_mem>> -> memref<!tpu.dma_semaphore, #tpu.memory_space<semaphore_mem>>
      %dma_start3A_1332 = arith.constant 0 : i32
      %dma_start3A_1333 = arith.constant 0 : i32
      %dma_start3A_1334 = tpu.memref_slice %arg9[%dma_start3A_1322, %dma_start3A_1332, %dma_start3A_1333] : memref<8x32x128xf32, #tpu.memory_space<vmem>> -> memref<1x32x128xf32, #tpu.memory_space<vmem>>
      %dma_start3A_1335 = tpu.memref_squeeze %dma_start3A_1334 : memref<1x32x128xf32, #tpu.memory_space<vmem>> -> memref<32x128xf32, #tpu.memory_space<vmem>>
      %dma_start3A_1336 = arith.constant 0 : i32
      %dma_start3A_1337 = tpu.memref_slice %arg4[%dma_start3A_1336, %multiple_of3A_1321] : memref<32x1000000xf32, #tpu.memory_space<hbm>> -> memref<32x128xf32, #tpu.memory_space<hbm>>
      tpu.enqueue_dma source(%dma_start3A_1337 : memref<32x128xf32, #tpu.memory_space<hbm>>) target(%dma_start3A_1335 : memref<32x128xf32, #tpu.memory_space<vmem>>) target_semaphore(%dma_start3A_1331 : memref<!tpu.dma_semaphore, #tpu.memory_space<semaphore_mem>>)
      %slice3A_1338 = vector.extract_strided_slice %get3A_19 {offsets = [15], sizes = [1], strides = [1]} : vector<16xi32> to vector<1xi32>
      %squeeze3A_1339 = vector.extract %slice3A_1338[0] : i32 from vector<1xi32>
      %and3A_1340 = arith.constant -128 : i32
      %and3A_1341 = arith.andi %squeeze3A_1339, %and3A_1340 : i32
      %multiple_of3A_1342 = tpu.assume_multiple %and3A_1341, 128 : i32
      %dma_start3A_1343 = arith.constant 7 : i32
      %dma_start3A_1344 = arith.constant 7 : i32
      %dma_start3A_1345 = arith.constant 0 : i32
      %dma_start3A_1346 = arith.constant 0 : i32
      %dma_start3A_1347 = tpu.memref_slice %arg10[%dma_start3A_1343, %dma_start3A_1345, %dma_start3A_1346] : memref<8x32x128xf32, #tpu.memory_space<vmem>> -> memref<1x32x128xf32, #tpu.memory_space<vmem>>
      %dma_start3A_1348 = tpu.memref_squeeze %dma_start3A_1347 : memref<1x32x128xf32, #tpu.memory_space<vmem>> -> memref<32x128xf32, #tpu.memory_space<vmem>>
      %dma_start3A_1349 = arith.constant 0 : i32
      %dma_start3A_1350 = tpu.memref_slice %arg5[%dma_start3A_1349, %multiple_of3A_1342] : memref<32x1000000xf32, #tpu.memory_space<hbm>> -> memref<32x128xf32, #tpu.memory_space<hbm>>
      %dma_start3A_1351 = tpu.memref_slice %arg13[%dma_start3A_1344] : memref<8x!tpu.dma_semaphore, #tpu.memory_space<semaphore_mem>> -> memref<1x!tpu.dma_semaphore, #tpu.memory_space<semaphore_mem>>
      %dma_start3A_1352 = tpu.memref_squeeze %dma_start3A_1351 : memref<1x!tpu.dma_semaphore, #tpu.memory_space<semaphore_mem>> -> memref<!tpu.dma_semaphore, #tpu.memory_space<semaphore_mem>>
      %dma_start3A_1353 = arith.constant 0 : i32
      %dma_start3A_1354 = arith.constant 0 : i32
      %dma_start3A_1355 = tpu.memref_slice %arg10[%dma_start3A_1343, %dma_start3A_1353, %dma_start3A_1354] : memref<8x32x128xf32, #tpu.memory_space<vmem>> -> memref<1x32x128xf32, #tpu.memory_space<vmem>>
      %dma_start3A_1356 = tpu.memref_squeeze %dma_start3A_1355 : memref<1x32x128xf32, #tpu.memory_space<vmem>> -> memref<32x128xf32, #tpu.memory_space<vmem>>
      %dma_start3A_1357 = arith.constant 0 : i32
      %dma_start3A_1358 = tpu.memref_slice %arg5[%dma_start3A_1357, %multiple_of3A_1342] : memref<32x1000000xf32, #tpu.memory_space<hbm>> -> memref<32x128xf32, #tpu.memory_space<hbm>>
      tpu.enqueue_dma source(%dma_start3A_1358 : memref<32x128xf32, #tpu.memory_space<hbm>>) target(%dma_start3A_1356 : memref<32x128xf32, #tpu.memory_space<vmem>>) target_semaphore(%dma_start3A_1352 : memref<!tpu.dma_semaphore, #tpu.memory_space<semaphore_mem>>)
      %dma_wait3A_1359 = arith.constant 0 : i32
      %dma_wait3A_1360 = arith.constant 0 : i32
      %dma_wait3A_1361 = arith.constant 0 : i32
      %dma_wait3A_1362 = arith.constant 0 : i32
      %dma_wait3A_1363 = tpu.memref_slice %arg9[%dma_wait3A_1359, %dma_wait3A_1361, %dma_wait3A_1362] : memref<8x32x128xf32, #tpu.memory_space<vmem>> -> memref<1x32x128xf32, #tpu.memory_space<vmem>>
      %dma_wait3A_1364 = tpu.memref_squeeze %dma_wait3A_1363 : memref<1x32x128xf32, #tpu.memory_space<vmem>> -> memref<32x128xf32, #tpu.memory_space<vmem>>
      %dma_wait3A_1365 = arith.constant 0 : i32
      %dma_wait3A_1366 = arith.constant 0 : i32
      %dma_wait3A_1367 = tpu.memref_slice %arg4[%dma_wait3A_1365, %dma_wait3A_1366] : memref<32x1000000xf32, #tpu.memory_space<hbm>> -> memref<32x128xf32, #tpu.memory_space<hbm>>
      %dma_wait3A_1368 = tpu.memref_slice %arg12[%dma_wait3A_1360] : memref<8x!tpu.dma_semaphore, #tpu.memory_space<semaphore_mem>> -> memref<1x!tpu.dma_semaphore, #tpu.memory_space<semaphore_mem>>
      %dma_wait3A_1369 = tpu.memref_squeeze %dma_wait3A_1368 : memref<1x!tpu.dma_semaphore, #tpu.memory_space<semaphore_mem>> -> memref<!tpu.dma_semaphore, #tpu.memory_space<semaphore_mem>>
      %dma_wait3A_1370 = arith.constant 0 : i32
      %dma_wait3A_1371 = arith.constant 0 : i32
      %dma_wait3A_1372 = tpu.memref_slice %arg9[%dma_wait3A_1359, %dma_wait3A_1370, %dma_wait3A_1371] : memref<8x32x128xf32, #tpu.memory_space<vmem>> -> memref<1x32x128xf32, #tpu.memory_space<vmem>>
      %dma_wait3A_1373 = tpu.memref_squeeze %dma_wait3A_1372 : memref<1x32x128xf32, #tpu.memory_space<vmem>> -> memref<32x128xf32, #tpu.memory_space<vmem>>
      %dma_wait3A_1374 = arith.constant 0 : i32
      %dma_wait3A_1375 = arith.constant 0 : i32
      %dma_wait3A_1376 = tpu.memref_slice %arg4[%dma_wait3A_1374, %dma_wait3A_1375] : memref<32x1000000xf32, #tpu.memory_space<hbm>> -> memref<32x128xf32, #tpu.memory_space<hbm>>
      tpu.wait_dma2 semaphore(%dma_wait3A_1369 : memref<!tpu.dma_semaphore, #tpu.memory_space<semaphore_mem>>) src(%dma_wait3A_1376 : memref<32x128xf32, #tpu.memory_space<hbm>>) dst(%dma_wait3A_1373 : memref<32x128xf32, #tpu.memory_space<vmem>>)
      %dma_wait3A_1377 = arith.constant 0 : i32
      %dma_wait3A_1378 = arith.constant 0 : i32
      %dma_wait3A_1379 = arith.constant 0 : i32
      %dma_wait3A_1380 = arith.constant 0 : i32
      %dma_wait3A_1381 = tpu.memref_slice %arg10[%dma_wait3A_1377, %dma_wait3A_1379, %dma_wait3A_1380] : memref<8x32x128xf32, #tpu.memory_space<vmem>> -> memref<1x32x128xf32, #tpu.memory_space<vmem>>
      %dma_wait3A_1382 = tpu.memref_squeeze %dma_wait3A_1381 : memref<1x32x128xf32, #tpu.memory_space<vmem>> -> memref<32x128xf32, #tpu.memory_space<vmem>>
      %dma_wait3A_1383 = arith.constant 0 : i32
      %dma_wait3A_1384 = arith.constant 0 : i32
      %dma_wait3A_1385 = tpu.memref_slice %arg5[%dma_wait3A_1383, %dma_wait3A_1384] : memref<32x1000000xf32, #tpu.memory_space<hbm>> -> memref<32x128xf32, #tpu.memory_space<hbm>>
      %dma_wait3A_1386 = tpu.memref_slice %arg13[%dma_wait3A_1378] : memref<8x!tpu.dma_semaphore, #tpu.memory_space<semaphore_mem>> -> memref<1x!tpu.dma_semaphore, #tpu.memory_space<semaphore_mem>>
      %dma_wait3A_1387 = tpu.memref_squeeze %dma_wait3A_1386 : memref<1x!tpu.dma_semaphore, #tpu.memory_space<semaphore_mem>> -> memref<!tpu.dma_semaphore, #tpu.memory_space<semaphore_mem>>
      %dma_wait3A_1388 = arith.constant 0 : i32
      %dma_wait3A_1389 = arith.constant 0 : i32
      %dma_wait3A_1390 = tpu.memref_slice %arg10[%dma_wait3A_1377, %dma_wait3A_1388, %dma_wait3A_1389] : memref<8x32x128xf32, #tpu.memory_space<vmem>> -> memref<1x32x128xf32, #tpu.memory_space<vmem>>
      %dma_wait3A_1391 = tpu.memref_squeeze %dma_wait3A_1390 : memref<1x32x128xf32, #tpu.memory_space<vmem>> -> memref<32x128xf32, #tpu.memory_space<vmem>>
      %dma_wait3A_1392 = arith.constant 0 : i32
      %dma_wait3A_1393 = arith.constant 0 : i32
      %dma_wait3A_1394 = tpu.memref_slice %arg5[%dma_wait3A_1392, %dma_wait3A_1393] : memref<32x1000000xf32, #tpu.memory_space<hbm>> -> memref<32x128xf32, #tpu.memory_space<hbm>>
      tpu.wait_dma2 semaphore(%dma_wait3A_1387 : memref<!tpu.dma_semaphore, #tpu.memory_space<semaphore_mem>>) src(%dma_wait3A_1394 : memref<32x128xf32, #tpu.memory_space<hbm>>) dst(%dma_wait3A_1391 : memref<32x128xf32, #tpu.memory_space<vmem>>)
      %slice3A_1395 = vector.extract_strided_slice %get3A_16 {offsets = [8], sizes = [1], strides = [1]} : vector<16xi32> to vector<1xi32>
      %squeeze3A_1396 = vector.extract %slice3A_1395[0] : i32 from vector<1xi32>
      %and3A_1397 = arith.constant 127 : i32
      %and3A_1398 = arith.andi %squeeze3A_1396, %and3A_1397 : i32
      %slice3A_1399 = vector.extract_strided_slice %get3A_19 {offsets = [8], sizes = [1], strides = [1]} : vector<16xi32> to vector<1xi32>
      %squeeze3A_1400 = vector.extract %slice3A_1399[0] : i32 from vector<1xi32>
      %and3A_1401 = arith.constant 127 : i32
      %and3A_1402 = arith.andi %squeeze3A_1400, %and3A_1401 : i32
      %broadcast_in_dim3A_1403 = vector.broadcast %and3A_1398 : i32 to vector<16xi32>
      %gather3A_1404 = arith.constant 0 : i32
      %gather3A_1405 = arith.constant 0 : i32
      %gather3A_1406 = arith.constant 0 : i32
      %gather3A_1407 = tpu.memref_slice %arg9[%gather3A_1404, %gather3A_1405, %gather3A_1406] : memref<8x32x128xf32, #tpu.memory_space<vmem>> -> memref<1x32x128xf32, #tpu.memory_space<vmem>>
      %gather3A_1408 = tpu.memref_squeeze %gather3A_1407 : memref<1x32x128xf32, #tpu.memory_space<vmem>> -> memref<32x128xf32, #tpu.memory_space<vmem>>
      %gather3A_1409 = tpu.vector_load_idx %gather3A_1408[%iota3A, %broadcast_in_dim3A_1403] : memref<32x128xf32, #tpu.memory_space<vmem>>[vector<16xi32>, vector<16xi32>], vector<16xf32>,
      %add3A_1410 = arith.constant 16 : i32
      %add3A_1411 = vector.broadcast %add3A_1410 : i32 to vector<16xi32>
      %add3A_1412 = arith.addi %iota3A, %add3A_1411 : vector<16xi32>
      %gather3A_1413 = arith.constant 0 : i32
      %gather3A_1414 = arith.constant 0 : i32
      %gather3A_1415 = arith.constant 0 : i32
      %gather3A_1416 = tpu.memref_slice %arg9[%gather3A_1413, %gather3A_1414, %gather3A_1415] : memref<8x32x128xf32, #tpu.memory_space<vmem>> -> memref<1x32x128xf32, #tpu.memory_space<vmem>>
      %gather3A_1417 = tpu.memref_squeeze %gather3A_1416 : memref<1x32x128xf32, #tpu.memory_space<vmem>> -> memref<32x128xf32, #tpu.memory_space<vmem>>
      %gather3A_1418 = tpu.vector_load_idx %gather3A_1417[%add3A_1412, %broadcast_in_dim3A_1403] : memref<32x128xf32, #tpu.memory_space<vmem>>[vector<16xi32>, vector<16xi32>], vector<16xf32>,
      %broadcast_in_dim3A_1419 = vector.broadcast %and3A_1402 : i32 to vector<16xi32>
      %gather3A_1420 = arith.constant 0 : i32
      %gather3A_1421 = arith.constant 0 : i32
      %gather3A_1422 = arith.constant 0 : i32
      %gather3A_1423 = tpu.memref_slice %arg10[%gather3A_1420, %gather3A_1421, %gather3A_1422] : memref<8x32x128xf32, #tpu.memory_space<vmem>> -> memref<1x32x128xf32, #tpu.memory_space<vmem>>
      %gather3A_1424 = tpu.memref_squeeze %gather3A_1423 : memref<1x32x128xf32, #tpu.memory_space<vmem>> -> memref<32x128xf32, #tpu.memory_space<vmem>>
      %gather3A_1425 = tpu.vector_load_idx %gather3A_1424[%iota3A, %broadcast_in_dim3A_1419] : memref<32x128xf32, #tpu.memory_space<vmem>>[vector<16xi32>, vector<16xi32>], vector<16xf32>,
      %add3A_1426 = arith.constant 16 : i32
      %add3A_1427 = vector.broadcast %add3A_1426 : i32 to vector<16xi32>
      %add3A_1428 = arith.addi %iota3A, %add3A_1427 : vector<16xi32>
      %gather3A_1429 = arith.constant 0 : i32
      %gather3A_1430 = arith.constant 0 : i32
      %gather3A_1431 = arith.constant 0 : i32
      %gather3A_1432 = tpu.memref_slice %arg10[%gather3A_1429, %gather3A_1430, %gather3A_1431] : memref<8x32x128xf32, #tpu.memory_space<vmem>> -> memref<1x32x128xf32, #tpu.memory_space<vmem>>
      %gather3A_1433 = tpu.memref_squeeze %gather3A_1432 : memref<1x32x128xf32, #tpu.memory_space<vmem>> -> memref<32x128xf32, #tpu.memory_space<vmem>>
      %gather3A_1434 = tpu.vector_load_idx %gather3A_1433[%add3A_1428, %broadcast_in_dim3A_1419] : memref<32x128xf32, #tpu.memory_space<vmem>>[vector<16xi32>, vector<16xi32>], vector<16xf32>,
      %add3A_1435 = arith.constant 8 : i32
      %add3A_1436 = arith.addi %shift_left3A_21, %add3A_1435 : i32
      %broadcast_in_dim3A_1437 = vector.broadcast %add3A_1436 : i32 to vector<16xi32>
      %mul3A_1438 = arith.mulf %gather3A_1409, %gather3A_1425 : vector<16xf32>
      tpu.vector_store_idx %arg11[%iota3A, %broadcast_in_dim3A_1437], %mul3A_1438 : memref<32x512xf32, #tpu.memory_space<vmem>>[vector<16xi32>, vector<16xi32>], vector<16xf32>,
      %add3A_1439 = arith.constant 16 : i32
      %add3A_1440 = vector.broadcast %add3A_1439 : i32 to vector<16xi32>
      %add3A_1441 = arith.addi %iota3A, %add3A_1440 : vector<16xi32>
      %mul3A_1442 = arith.mulf %gather3A_1418, %gather3A_1434 : vector<16xf32>
      tpu.vector_store_idx %arg11[%add3A_1441, %broadcast_in_dim3A_1437], %mul3A_1442 : memref<32x512xf32, #tpu.memory_space<vmem>>[vector<16xi32>, vector<16xi32>], vector<16xf32>,
      %dma_wait3A_1443 = arith.constant 1 : i32
      %dma_wait3A_1444 = arith.constant 1 : i32
      %dma_wait3A_1445 = arith.constant 0 : i32
      %dma_wait3A_1446 = arith.constant 0 : i32
      %dma_wait3A_1447 = tpu.memref_slice %arg9[%dma_wait3A_1443, %dma_wait3A_1445, %dma_wait3A_1446] : memref<8x32x128xf32, #tpu.memory_space<vmem>> -> memref<1x32x128xf32, #tpu.memory_space<vmem>>
      %dma_wait3A_1448 = tpu.memref_squeeze %dma_wait3A_1447 : memref<1x32x128xf32, #tpu.memory_space<vmem>> -> memref<32x128xf32, #tpu.memory_space<vmem>>
      %dma_wait3A_1449 = arith.constant 0 : i32
      %dma_wait3A_1450 = arith.constant 0 : i32
      %dma_wait3A_1451 = tpu.memref_slice %arg4[%dma_wait3A_1449, %dma_wait3A_1450] : memref<32x1000000xf32, #tpu.memory_space<hbm>> -> memref<32x128xf32, #tpu.memory_space<hbm>>
      %dma_wait3A_1452 = tpu.memref_slice %arg12[%dma_wait3A_1444] : memref<8x!tpu.dma_semaphore, #tpu.memory_space<semaphore_mem>> -> memref<1x!tpu.dma_semaphore, #tpu.memory_space<semaphore_mem>>
      %dma_wait3A_1453 = tpu.memref_squeeze %dma_wait3A_1452 : memref<1x!tpu.dma_semaphore, #tpu.memory_space<semaphore_mem>> -> memref<!tpu.dma_semaphore, #tpu.memory_space<semaphore_mem>>
      %dma_wait3A_1454 = arith.constant 0 : i32
      %dma_wait3A_1455 = arith.constant 0 : i32
      %dma_wait3A_1456 = tpu.memref_slice %arg9[%dma_wait3A_1443, %dma_wait3A_1454, %dma_wait3A_1455] : memref<8x32x128xf32, #tpu.memory_space<vmem>> -> memref<1x32x128xf32, #tpu.memory_space<vmem>>
      %dma_wait3A_1457 = tpu.memref_squeeze %dma_wait3A_1456 : memref<1x32x128xf32, #tpu.memory_space<vmem>> -> memref<32x128xf32, #tpu.memory_space<vmem>>
      %dma_wait3A_1458 = arith.constant 0 : i32
      %dma_wait3A_1459 = arith.constant 0 : i32
      %dma_wait3A_1460 = tpu.memref_slice %arg4[%dma_wait3A_1458, %dma_wait3A_1459] : memref<32x1000000xf32, #tpu.memory_space<hbm>> -> memref<32x128xf32, #tpu.memory_space<hbm>>
      tpu.wait_dma2 semaphore(%dma_wait3A_1453 : memref<!tpu.dma_semaphore, #tpu.memory_space<semaphore_mem>>) src(%dma_wait3A_1460 : memref<32x128xf32, #tpu.memory_space<hbm>>) dst(%dma_wait3A_1457 : memref<32x128xf32, #tpu.memory_space<vmem>>)
      %dma_wait3A_1461 = arith.constant 1 : i32
      %dma_wait3A_1462 = arith.constant 1 : i32
      %dma_wait3A_1463 = arith.constant 0 : i32
      %dma_wait3A_1464 = arith.constant 0 : i32
      %dma_wait3A_1465 = tpu.memref_slice %arg10[%dma_wait3A_1461, %dma_wait3A_1463, %dma_wait3A_1464] : memref<8x32x128xf32, #tpu.memory_space<vmem>> -> memref<1x32x128xf32, #tpu.memory_space<vmem>>
      %dma_wait3A_1466 = tpu.memref_squeeze %dma_wait3A_1465 : memref<1x32x128xf32, #tpu.memory_space<vmem>> -> memref<32x128xf32, #tpu.memory_space<vmem>>
      %dma_wait3A_1467 = arith.constant 0 : i32
      %dma_wait3A_1468 = arith.constant 0 : i32
      %dma_wait3A_1469 = tpu.memref_slice %arg5[%dma_wait3A_1467, %dma_wait3A_1468] : memref<32x1000000xf32, #tpu.memory_space<hbm>> -> memref<32x128xf32, #tpu.memory_space<hbm>>
      %dma_wait3A_1470 = tpu.memref_slice %arg13[%dma_wait3A_1462] : memref<8x!tpu.dma_semaphore, #tpu.memory_space<semaphore_mem>> -> memref<1x!tpu.dma_semaphore, #tpu.memory_space<semaphore_mem>>
      %dma_wait3A_1471 = tpu.memref_squeeze %dma_wait3A_1470 : memref<1x!tpu.dma_semaphore, #tpu.memory_space<semaphore_mem>> -> memref<!tpu.dma_semaphore, #tpu.memory_space<semaphore_mem>>
      %dma_wait3A_1472 = arith.constant 0 : i32
      %dma_wait3A_1473 = arith.constant 0 : i32
      %dma_wait3A_1474 = tpu.memref_slice %arg10[%dma_wait3A_1461, %dma_wait3A_1472, %dma_wait3A_1473] : memref<8x32x128xf32, #tpu.memory_space<vmem>> -> memref<1x32x128xf32, #tpu.memory_space<vmem>>
      %dma_wait3A_1475 = tpu.memref_squeeze %dma_wait3A_1474 : memref<1x32x128xf32, #tpu.memory_space<vmem>> -> memref<32x128xf32, #tpu.memory_space<vmem>>
      %dma_wait3A_1476 = arith.constant 0 : i32
      %dma_wait3A_1477 = arith.constant 0 : i32
      %dma_wait3A_1478 = tpu.memref_slice %arg5[%dma_wait3A_1476, %dma_wait3A_1477] : memref<32x1000000xf32, #tpu.memory_space<hbm>> -> memref<32x128xf32, #tpu.memory_space<hbm>>
      tpu.wait_dma2 semaphore(%dma_wait3A_1471 : memref<!tpu.dma_semaphore, #tpu.memory_space<semaphore_mem>>) src(%dma_wait3A_1478 : memref<32x128xf32, #tpu.memory_space<hbm>>) dst(%dma_wait3A_1475 : memref<32x128xf32, #tpu.memory_space<vmem>>)
      %slice3A_1479 = vector.extract_strided_slice %get3A_16 {offsets = [9], sizes = [1], strides = [1]} : vector<16xi32> to vector<1xi32>
      %squeeze3A_1480 = vector.extract %slice3A_1479[0] : i32 from vector<1xi32>
      %and3A_1481 = arith.constant 127 : i32
      %and3A_1482 = arith.andi %squeeze3A_1480, %and3A_1481 : i32
      %slice3A_1483 = vector.extract_strided_slice %get3A_19 {offsets = [9], sizes = [1], strides = [1]} : vector<16xi32> to vector<1xi32>
      %squeeze3A_1484 = vector.extract %slice3A_1483[0] : i32 from vector<1xi32>
      %and3A_1485 = arith.constant 127 : i32
      %and3A_1486 = arith.andi %squeeze3A_1484, %and3A_1485 : i32
      %broadcast_in_dim3A_1487 = vector.broadcast %and3A_1482 : i32 to vector<16xi32>
      %gather3A_1488 = arith.constant 1 : i32
      %gather3A_1489 = arith.constant 0 : i32
      %gather3A_1490 = arith.constant 0 : i32
      %gather3A_1491 = tpu.memref_slice %arg9[%gather3A_1488, %gather3A_1489, %gather3A_1490] : memref<8x32x128xf32, #tpu.memory_space<vmem>> -> memref<1x32x128xf32, #tpu.memory_space<vmem>>
      %gather3A_1492 = tpu.memref_squeeze %gather3A_1491 : memref<1x32x128xf32, #tpu.memory_space<vmem>> -> memref<32x128xf32, #tpu.memory_space<vmem>>
      %gather3A_1493 = tpu.vector_load_idx %gather3A_1492[%iota3A, %broadcast_in_dim3A_1487] : memref<32x128xf32, #tpu.memory_space<vmem>>[vector<16xi32>, vector<16xi32>], vector<16xf32>,
      %add3A_1494 = arith.constant 16 : i32
      %add3A_1495 = vector.broadcast %add3A_1494 : i32 to vector<16xi32>
      %add3A_1496 = arith.addi %iota3A, %add3A_1495 : vector<16xi32>
      %gather3A_1497 = arith.constant 1 : i32
      %gather3A_1498 = arith.constant 0 : i32
      %gather3A_1499 = arith.constant 0 : i32
      %gather3A_1500 = tpu.memref_slice %arg9[%gather3A_1497, %gather3A_1498, %gather3A_1499] : memref<8x32x128xf32, #tpu.memory_space<vmem>> -> memref<1x32x128xf32, #tpu.memory_space<vmem>>
      %gather3A_1501 = tpu.memref_squeeze %gather3A_1500 : memref<1x32x128xf32, #tpu.memory_space<vmem>> -> memref<32x128xf32, #tpu.memory_space<vmem>>
      %gather3A_1502 = tpu.vector_load_idx %gather3A_1501[%add3A_1496, %broadcast_in_dim3A_1487] : memref<32x128xf32, #tpu.memory_space<vmem>>[vector<16xi32>, vector<16xi32>], vector<16xf32>,
      %broadcast_in_dim3A_1503 = vector.broadcast %and3A_1486 : i32 to vector<16xi32>
      %gather3A_1504 = arith.constant 1 : i32
      %gather3A_1505 = arith.constant 0 : i32
      %gather3A_1506 = arith.constant 0 : i32
      %gather3A_1507 = tpu.memref_slice %arg10[%gather3A_1504, %gather3A_1505, %gather3A_1506] : memref<8x32x128xf32, #tpu.memory_space<vmem>> -> memref<1x32x128xf32, #tpu.memory_space<vmem>>
      %gather3A_1508 = tpu.memref_squeeze %gather3A_1507 : memref<1x32x128xf32, #tpu.memory_space<vmem>> -> memref<32x128xf32, #tpu.memory_space<vmem>>
      %gather3A_1509 = tpu.vector_load_idx %gather3A_1508[%iota3A, %broadcast_in_dim3A_1503] : memref<32x128xf32, #tpu.memory_space<vmem>>[vector<16xi32>, vector<16xi32>], vector<16xf32>,
      %add3A_1510 = arith.constant 16 : i32
      %add3A_1511 = vector.broadcast %add3A_1510 : i32 to vector<16xi32>
      %add3A_1512 = arith.addi %iota3A, %add3A_1511 : vector<16xi32>
      %gather3A_1513 = arith.constant 1 : i32
      %gather3A_1514 = arith.constant 0 : i32
      %gather3A_1515 = arith.constant 0 : i32
      %gather3A_1516 = tpu.memref_slice %arg10[%gather3A_1513, %gather3A_1514, %gather3A_1515] : memref<8x32x128xf32, #tpu.memory_space<vmem>> -> memref<1x32x128xf32, #tpu.memory_space<vmem>>
      %gather3A_1517 = tpu.memref_squeeze %gather3A_1516 : memref<1x32x128xf32, #tpu.memory_space<vmem>> -> memref<32x128xf32, #tpu.memory_space<vmem>>
      %gather3A_1518 = tpu.vector_load_idx %gather3A_1517[%add3A_1512, %broadcast_in_dim3A_1503] : memref<32x128xf32, #tpu.memory_space<vmem>>[vector<16xi32>, vector<16xi32>], vector<16xf32>,
      %add3A_1519 = arith.constant 9 : i32
      %add3A_1520 = arith.addi %shift_left3A_21, %add3A_1519 : i32
      %broadcast_in_dim3A_1521 = vector.broadcast %add3A_1520 : i32 to vector<16xi32>
      %mul3A_1522 = arith.mulf %gather3A_1493, %gather3A_1509 : vector<16xf32>
      tpu.vector_store_idx %arg11[%iota3A, %broadcast_in_dim3A_1521], %mul3A_1522 : memref<32x512xf32, #tpu.memory_space<vmem>>[vector<16xi32>, vector<16xi32>], vector<16xf32>,
      %add3A_1523 = arith.constant 16 : i32
      %add3A_1524 = vector.broadcast %add3A_1523 : i32 to vector<16xi32>
      %add3A_1525 = arith.addi %iota3A, %add3A_1524 : vector<16xi32>
      %mul3A_1526 = arith.mulf %gather3A_1502, %gather3A_1518 : vector<16xf32>
      tpu.vector_store_idx %arg11[%add3A_1525, %broadcast_in_dim3A_1521], %mul3A_1526 : memref<32x512xf32, #tpu.memory_space<vmem>>[vector<16xi32>, vector<16xi32>], vector<16xf32>,
      %dma_wait3A_1527 = arith.constant 2 : i32
      %dma_wait3A_1528 = arith.constant 2 : i32
      %dma_wait3A_1529 = arith.constant 0 : i32
      %dma_wait3A_1530 = arith.constant 0 : i32
      %dma_wait3A_1531 = tpu.memref_slice %arg9[%dma_wait3A_1527, %dma_wait3A_1529, %dma_wait3A_1530] : memref<8x32x128xf32, #tpu.memory_space<vmem>> -> memref<1x32x128xf32, #tpu.memory_space<vmem>>
      %dma_wait3A_1532 = tpu.memref_squeeze %dma_wait3A_1531 : memref<1x32x128xf32, #tpu.memory_space<vmem>> -> memref<32x128xf32, #tpu.memory_space<vmem>>
      %dma_wait3A_1533 = arith.constant 0 : i32
      %dma_wait3A_1534 = arith.constant 0 : i32
      %dma_wait3A_1535 = tpu.memref_slice %arg4[%dma_wait3A_1533, %dma_wait3A_1534] : memref<32x1000000xf32, #tpu.memory_space<hbm>> -> memref<32x128xf32, #tpu.memory_space<hbm>>
      %dma_wait3A_1536 = tpu.memref_slice %arg12[%dma_wait3A_1528] : memref<8x!tpu.dma_semaphore, #tpu.memory_space<semaphore_mem>> -> memref<1x!tpu.dma_semaphore, #tpu.memory_space<semaphore_mem>>
      %dma_wait3A_1537 = tpu.memref_squeeze %dma_wait3A_1536 : memref<1x!tpu.dma_semaphore, #tpu.memory_space<semaphore_mem>> -> memref<!tpu.dma_semaphore, #tpu.memory_space<semaphore_mem>>
      %dma_wait3A_1538 = arith.constant 0 : i32
      %dma_wait3A_1539 = arith.constant 0 : i32
      %dma_wait3A_1540 = tpu.memref_slice %arg9[%dma_wait3A_1527, %dma_wait3A_1538, %dma_wait3A_1539] : memref<8x32x128xf32, #tpu.memory_space<vmem>> -> memref<1x32x128xf32, #tpu.memory_space<vmem>>
      %dma_wait3A_1541 = tpu.memref_squeeze %dma_wait3A_1540 : memref<1x32x128xf32, #tpu.memory_space<vmem>> -> memref<32x128xf32, #tpu.memory_space<vmem>>
      %dma_wait3A_1542 = arith.constant 0 : i32
      %dma_wait3A_1543 = arith.constant 0 : i32
      %dma_wait3A_1544 = tpu.memref_slice %arg4[%dma_wait3A_1542, %dma_wait3A_1543] : memref<32x1000000xf32, #tpu.memory_space<hbm>> -> memref<32x128xf32, #tpu.memory_space<hbm>>
      tpu.wait_dma2 semaphore(%dma_wait3A_1537 : memref<!tpu.dma_semaphore, #tpu.memory_space<semaphore_mem>>) src(%dma_wait3A_1544 : memref<32x128xf32, #tpu.memory_space<hbm>>) dst(%dma_wait3A_1541 : memref<32x128xf32, #tpu.memory_space<vmem>>)
      %dma_wait3A_1545 = arith.constant 2 : i32
      %dma_wait3A_1546 = arith.constant 2 : i32
      %dma_wait3A_1547 = arith.constant 0 : i32
      %dma_wait3A_1548 = arith.constant 0 : i32
      %dma_wait3A_1549 = tpu.memref_slice %arg10[%dma_wait3A_1545, %dma_wait3A_1547, %dma_wait3A_1548] : memref<8x32x128xf32, #tpu.memory_space<vmem>> -> memref<1x32x128xf32, #tpu.memory_space<vmem>>
      %dma_wait3A_1550 = tpu.memref_squeeze %dma_wait3A_1549 : memref<1x32x128xf32, #tpu.memory_space<vmem>> -> memref<32x128xf32, #tpu.memory_space<vmem>>
      %dma_wait3A_1551 = arith.constant 0 : i32
      %dma_wait3A_1552 = arith.constant 0 : i32
      %dma_wait3A_1553 = tpu.memref_slice %arg5[%dma_wait3A_1551, %dma_wait3A_1552] : memref<32x1000000xf32, #tpu.memory_space<hbm>> -> memref<32x128xf32, #tpu.memory_space<hbm>>
      %dma_wait3A_1554 = tpu.memref_slice %arg13[%dma_wait3A_1546] : memref<8x!tpu.dma_semaphore, #tpu.memory_space<semaphore_mem>> -> memref<1x!tpu.dma_semaphore, #tpu.memory_space<semaphore_mem>>
      %dma_wait3A_1555 = tpu.memref_squeeze %dma_wait3A_1554 : memref<1x!tpu.dma_semaphore, #tpu.memory_space<semaphore_mem>> -> memref<!tpu.dma_semaphore, #tpu.memory_space<semaphore_mem>>
      %dma_wait3A_1556 = arith.constant 0 : i32
      %dma_wait3A_1557 = arith.constant 0 : i32
      %dma_wait3A_1558 = tpu.memref_slice %arg10[%dma_wait3A_1545, %dma_wait3A_1556, %dma_wait3A_1557] : memref<8x32x128xf32, #tpu.memory_space<vmem>> -> memref<1x32x128xf32, #tpu.memory_space<vmem>>
      %dma_wait3A_1559 = tpu.memref_squeeze %dma_wait3A_1558 : memref<1x32x128xf32, #tpu.memory_space<vmem>> -> memref<32x128xf32, #tpu.memory_space<vmem>>
      %dma_wait3A_1560 = arith.constant 0 : i32
      %dma_wait3A_1561 = arith.constant 0 : i32
      %dma_wait3A_1562 = tpu.memref_slice %arg5[%dma_wait3A_1560, %dma_wait3A_1561] : memref<32x1000000xf32, #tpu.memory_space<hbm>> -> memref<32x128xf32, #tpu.memory_space<hbm>>
      tpu.wait_dma2 semaphore(%dma_wait3A_1555 : memref<!tpu.dma_semaphore, #tpu.memory_space<semaphore_mem>>) src(%dma_wait3A_1562 : memref<32x128xf32, #tpu.memory_space<hbm>>) dst(%dma_wait3A_1559 : memref<32x128xf32, #tpu.memory_space<vmem>>)
      %slice3A_1563 = vector.extract_strided_slice %get3A_16 {offsets = [10], sizes = [1], strides = [1]} : vector<16xi32> to vector<1xi32>
      %squeeze3A_1564 = vector.extract %slice3A_1563[0] : i32 from vector<1xi32>
      %and3A_1565 = arith.constant 127 : i32
      %and3A_1566 = arith.andi %squeeze3A_1564, %and3A_1565 : i32
      %slice3A_1567 = vector.extract_strided_slice %get3A_19 {offsets = [10], sizes = [1], strides = [1]} : vector<16xi32> to vector<1xi32>
      %squeeze3A_1568 = vector.extract %slice3A_1567[0] : i32 from vector<1xi32>
      %and3A_1569 = arith.constant 127 : i32
      %and3A_1570 = arith.andi %squeeze3A_1568, %and3A_1569 : i32
      %broadcast_in_dim3A_1571 = vector.broadcast %and3A_1566 : i32 to vector<16xi32>
      %gather3A_1572 = arith.constant 2 : i32
      %gather3A_1573 = arith.constant 0 : i32
      %gather3A_1574 = arith.constant 0 : i32
      %gather3A_1575 = tpu.memref_slice %arg9[%gather3A_1572, %gather3A_1573, %gather3A_1574] : memref<8x32x128xf32, #tpu.memory_space<vmem>> -> memref<1x32x128xf32, #tpu.memory_space<vmem>>
      %gather3A_1576 = tpu.memref_squeeze %gather3A_1575 : memref<1x32x128xf32, #tpu.memory_space<vmem>> -> memref<32x128xf32, #tpu.memory_space<vmem>>
      %gather3A_1577 = tpu.vector_load_idx %gather3A_1576[%iota3A, %broadcast_in_dim3A_1571] : memref<32x128xf32, #tpu.memory_space<vmem>>[vector<16xi32>, vector<16xi32>], vector<16xf32>,
      %add3A_1578 = arith.constant 16 : i32
      %add3A_1579 = vector.broadcast %add3A_1578 : i32 to vector<16xi32>
      %add3A_1580 = arith.addi %iota3A, %add3A_1579 : vector<16xi32>
      %gather3A_1581 = arith.constant 2 : i32
      %gather3A_1582 = arith.constant 0 : i32
      %gather3A_1583 = arith.constant 0 : i32
      %gather3A_1584 = tpu.memref_slice %arg9[%gather3A_1581, %gather3A_1582, %gather3A_1583] : memref<8x32x128xf32, #tpu.memory_space<vmem>> -> memref<1x32x128xf32, #tpu.memory_space<vmem>>
      %gather3A_1585 = tpu.memref_squeeze %gather3A_1584 : memref<1x32x128xf32, #tpu.memory_space<vmem>> -> memref<32x128xf32, #tpu.memory_space<vmem>>
      %gather3A_1586 = tpu.vector_load_idx %gather3A_1585[%add3A_1580, %broadcast_in_dim3A_1571] : memref<32x128xf32, #tpu.memory_space<vmem>>[vector<16xi32>, vector<16xi32>], vector<16xf32>,
      %broadcast_in_dim3A_1587 = vector.broadcast %and3A_1570 : i32 to vector<16xi32>
      %gather3A_1588 = arith.constant 2 : i32
      %gather3A_1589 = arith.constant 0 : i32
      %gather3A_1590 = arith.constant 0 : i32
      %gather3A_1591 = tpu.memref_slice %arg10[%gather3A_1588, %gather3A_1589, %gather3A_1590] : memref<8x32x128xf32, #tpu.memory_space<vmem>> -> memref<1x32x128xf32, #tpu.memory_space<vmem>>
      %gather3A_1592 = tpu.memref_squeeze %gather3A_1591 : memref<1x32x128xf32, #tpu.memory_space<vmem>> -> memref<32x128xf32, #tpu.memory_space<vmem>>
      %gather3A_1593 = tpu.vector_load_idx %gather3A_1592[%iota3A, %broadcast_in_dim3A_1587] : memref<32x128xf32, #tpu.memory_space<vmem>>[vector<16xi32>, vector<16xi32>], vector<16xf32>,
      %add3A_1594 = arith.constant 16 : i32
      %add3A_1595 = vector.broadcast %add3A_1594 : i32 to vector<16xi32>
      %add3A_1596 = arith.addi %iota3A, %add3A_1595 : vector<16xi32>
      %gather3A_1597 = arith.constant 2 : i32
      %gather3A_1598 = arith.constant 0 : i32
      %gather3A_1599 = arith.constant 0 : i32
      %gather3A_1600 = tpu.memref_slice %arg10[%gather3A_1597, %gather3A_1598, %gather3A_1599] : memref<8x32x128xf32, #tpu.memory_space<vmem>> -> memref<1x32x128xf32, #tpu.memory_space<vmem>>
      %gather3A_1601 = tpu.memref_squeeze %gather3A_1600 : memref<1x32x128xf32, #tpu.memory_space<vmem>> -> memref<32x128xf32, #tpu.memory_space<vmem>>
      %gather3A_1602 = tpu.vector_load_idx %gather3A_1601[%add3A_1596, %broadcast_in_dim3A_1587] : memref<32x128xf32, #tpu.memory_space<vmem>>[vector<16xi32>, vector<16xi32>], vector<16xf32>,
      %add3A_1603 = arith.constant 10 : i32
      %add3A_1604 = arith.addi %shift_left3A_21, %add3A_1603 : i32
      %broadcast_in_dim3A_1605 = vector.broadcast %add3A_1604 : i32 to vector<16xi32>
      %mul3A_1606 = arith.mulf %gather3A_1577, %gather3A_1593 : vector<16xf32>
      tpu.vector_store_idx %arg11[%iota3A, %broadcast_in_dim3A_1605], %mul3A_1606 : memref<32x512xf32, #tpu.memory_space<vmem>>[vector<16xi32>, vector<16xi32>], vector<16xf32>,
      %add3A_1607 = arith.constant 16 : i32
      %add3A_1608 = vector.broadcast %add3A_1607 : i32 to vector<16xi32>
      %add3A_1609 = arith.addi %iota3A, %add3A_1608 : vector<16xi32>
      %mul3A_1610 = arith.mulf %gather3A_1586, %gather3A_1602 : vector<16xf32>
      tpu.vector_store_idx %arg11[%add3A_1609, %broadcast_in_dim3A_1605], %mul3A_1610 : memref<32x512xf32, #tpu.memory_space<vmem>>[vector<16xi32>, vector<16xi32>], vector<16xf32>,
      %dma_wait3A_1611 = arith.constant 3 : i32
      %dma_wait3A_1612 = arith.constant 3 : i32
      %dma_wait3A_1613 = arith.constant 0 : i32
      %dma_wait3A_1614 = arith.constant 0 : i32
      %dma_wait3A_1615 = tpu.memref_slice %arg9[%dma_wait3A_1611, %dma_wait3A_1613, %dma_wait3A_1614] : memref<8x32x128xf32, #tpu.memory_space<vmem>> -> memref<1x32x128xf32, #tpu.memory_space<vmem>>
      %dma_wait3A_1616 = tpu.memref_squeeze %dma_wait3A_1615 : memref<1x32x128xf32, #tpu.memory_space<vmem>> -> memref<32x128xf32, #tpu.memory_space<vmem>>
      %dma_wait3A_1617 = arith.constant 0 : i32
      %dma_wait3A_1618 = arith.constant 0 : i32
      %dma_wait3A_1619 = tpu.memref_slice %arg4[%dma_wait3A_1617, %dma_wait3A_1618] : memref<32x1000000xf32, #tpu.memory_space<hbm>> -> memref<32x128xf32, #tpu.memory_space<hbm>>
      %dma_wait3A_1620 = tpu.memref_slice %arg12[%dma_wait3A_1612] : memref<8x!tpu.dma_semaphore, #tpu.memory_space<semaphore_mem>> -> memref<1x!tpu.dma_semaphore, #tpu.memory_space<semaphore_mem>>
      %dma_wait3A_1621 = tpu.memref_squeeze %dma_wait3A_1620 : memref<1x!tpu.dma_semaphore, #tpu.memory_space<semaphore_mem>> -> memref<!tpu.dma_semaphore, #tpu.memory_space<semaphore_mem>>
      %dma_wait3A_1622 = arith.constant 0 : i32
      %dma_wait3A_1623 = arith.constant 0 : i32
      %dma_wait3A_1624 = tpu.memref_slice %arg9[%dma_wait3A_1611, %dma_wait3A_1622, %dma_wait3A_1623] : memref<8x32x128xf32, #tpu.memory_space<vmem>> -> memref<1x32x128xf32, #tpu.memory_space<vmem>>
      %dma_wait3A_1625 = tpu.memref_squeeze %dma_wait3A_1624 : memref<1x32x128xf32, #tpu.memory_space<vmem>> -> memref<32x128xf32, #tpu.memory_space<vmem>>
      %dma_wait3A_1626 = arith.constant 0 : i32
      %dma_wait3A_1627 = arith.constant 0 : i32
      %dma_wait3A_1628 = tpu.memref_slice %arg4[%dma_wait3A_1626, %dma_wait3A_1627] : memref<32x1000000xf32, #tpu.memory_space<hbm>> -> memref<32x128xf32, #tpu.memory_space<hbm>>
      tpu.wait_dma2 semaphore(%dma_wait3A_1621 : memref<!tpu.dma_semaphore, #tpu.memory_space<semaphore_mem>>) src(%dma_wait3A_1628 : memref<32x128xf32, #tpu.memory_space<hbm>>) dst(%dma_wait3A_1625 : memref<32x128xf32, #tpu.memory_space<vmem>>)
      %dma_wait3A_1629 = arith.constant 3 : i32
      %dma_wait3A_1630 = arith.constant 3 : i32
      %dma_wait3A_1631 = arith.constant 0 : i32
      %dma_wait3A_1632 = arith.constant 0 : i32
      %dma_wait3A_1633 = tpu.memref_slice %arg10[%dma_wait3A_1629, %dma_wait3A_1631, %dma_wait3A_1632] : memref<8x32x128xf32, #tpu.memory_space<vmem>> -> memref<1x32x128xf32, #tpu.memory_space<vmem>>
      %dma_wait3A_1634 = tpu.memref_squeeze %dma_wait3A_1633 : memref<1x32x128xf32, #tpu.memory_space<vmem>> -> memref<32x128xf32, #tpu.memory_space<vmem>>
      %dma_wait3A_1635 = arith.constant 0 : i32
      %dma_wait3A_1636 = arith.constant 0 : i32
      %dma_wait3A_1637 = tpu.memref_slice %arg5[%dma_wait3A_1635, %dma_wait3A_1636] : memref<32x1000000xf32, #tpu.memory_space<hbm>> -> memref<32x128xf32, #tpu.memory_space<hbm>>
      %dma_wait3A_1638 = tpu.memref_slice %arg13[%dma_wait3A_1630] : memref<8x!tpu.dma_semaphore, #tpu.memory_space<semaphore_mem>> -> memref<1x!tpu.dma_semaphore, #tpu.memory_space<semaphore_mem>>
      %dma_wait3A_1639 = tpu.memref_squeeze %dma_wait3A_1638 : memref<1x!tpu.dma_semaphore, #tpu.memory_space<semaphore_mem>> -> memref<!tpu.dma_semaphore, #tpu.memory_space<semaphore_mem>>
      %dma_wait3A_1640 = arith.constant 0 : i32
      %dma_wait3A_1641 = arith.constant 0 : i32
      %dma_wait3A_1642 = tpu.memref_slice %arg10[%dma_wait3A_1629, %dma_wait3A_1640, %dma_wait3A_1641] : memref<8x32x128xf32, #tpu.memory_space<vmem>> -> memref<1x32x128xf32, #tpu.memory_space<vmem>>
      %dma_wait3A_1643 = tpu.memref_squeeze %dma_wait3A_1642 : memref<1x32x128xf32, #tpu.memory_space<vmem>> -> memref<32x128xf32, #tpu.memory_space<vmem>>
      %dma_wait3A_1644 = arith.constant 0 : i32
      %dma_wait3A_1645 = arith.constant 0 : i32
      %dma_wait3A_1646 = tpu.memref_slice %arg5[%dma_wait3A_1644, %dma_wait3A_1645] : memref<32x1000000xf32, #tpu.memory_space<hbm>> -> memref<32x128xf32, #tpu.memory_space<hbm>>
      tpu.wait_dma2 semaphore(%dma_wait3A_1639 : memref<!tpu.dma_semaphore, #tpu.memory_space<semaphore_mem>>) src(%dma_wait3A_1646 : memref<32x128xf32, #tpu.memory_space<hbm>>) dst(%dma_wait3A_1643 : memref<32x128xf32, #tpu.memory_space<vmem>>)
      %slice3A_1647 = vector.extract_strided_slice %get3A_16 {offsets = [11], sizes = [1], strides = [1]} : vector<16xi32> to vector<1xi32>
      %squeeze3A_1648 = vector.extract %slice3A_1647[0] : i32 from vector<1xi32>
      %and3A_1649 = arith.constant 127 : i32
      %and3A_1650 = arith.andi %squeeze3A_1648, %and3A_1649 : i32
      %slice3A_1651 = vector.extract_strided_slice %get3A_19 {offsets = [11], sizes = [1], strides = [1]} : vector<16xi32> to vector<1xi32>
      %squeeze3A_1652 = vector.extract %slice3A_1651[0] : i32 from vector<1xi32>
      %and3A_1653 = arith.constant 127 : i32
      %and3A_1654 = arith.andi %squeeze3A_1652, %and3A_1653 : i32
      %broadcast_in_dim3A_1655 = vector.broadcast %and3A_1650 : i32 to vector<16xi32>
      %gather3A_1656 = arith.constant 3 : i32
      %gather3A_1657 = arith.constant 0 : i32
      %gather3A_1658 = arith.constant 0 : i32
      %gather3A_1659 = tpu.memref_slice %arg9[%gather3A_1656, %gather3A_1657, %gather3A_1658] : memref<8x32x128xf32, #tpu.memory_space<vmem>> -> memref<1x32x128xf32, #tpu.memory_space<vmem>>
      %gather3A_1660 = tpu.memref_squeeze %gather3A_1659 : memref<1x32x128xf32, #tpu.memory_space<vmem>> -> memref<32x128xf32, #tpu.memory_space<vmem>>
      %gather3A_1661 = tpu.vector_load_idx %gather3A_1660[%iota3A, %broadcast_in_dim3A_1655] : memref<32x128xf32, #tpu.memory_space<vmem>>[vector<16xi32>, vector<16xi32>], vector<16xf32>,
      %add3A_1662 = arith.constant 16 : i32
      %add3A_1663 = vector.broadcast %add3A_1662 : i32 to vector<16xi32>
      %add3A_1664 = arith.addi %iota3A, %add3A_1663 : vector<16xi32>
      %gather3A_1665 = arith.constant 3 : i32
      %gather3A_1666 = arith.constant 0 : i32
      %gather3A_1667 = arith.constant 0 : i32
      %gather3A_1668 = tpu.memref_slice %arg9[%gather3A_1665, %gather3A_1666, %gather3A_1667] : memref<8x32x128xf32, #tpu.memory_space<vmem>> -> memref<1x32x128xf32, #tpu.memory_space<vmem>>
      %gather3A_1669 = tpu.memref_squeeze %gather3A_1668 : memref<1x32x128xf32, #tpu.memory_space<vmem>> -> memref<32x128xf32, #tpu.memory_space<vmem>>
      %gather3A_1670 = tpu.vector_load_idx %gather3A_1669[%add3A_1664, %broadcast_in_dim3A_1655] : memref<32x128xf32, #tpu.memory_space<vmem>>[vector<16xi32>, vector<16xi32>], vector<16xf32>,
      %broadcast_in_dim3A_1671 = vector.broadcast %and3A_1654 : i32 to vector<16xi32>
      %gather3A_1672 = arith.constant 3 : i32
      %gather3A_1673 = arith.constant 0 : i32
      %gather3A_1674 = arith.constant 0 : i32
      %gather3A_1675 = tpu.memref_slice %arg10[%gather3A_1672, %gather3A_1673, %gather3A_1674] : memref<8x32x128xf32, #tpu.memory_space<vmem>> -> memref<1x32x128xf32, #tpu.memory_space<vmem>>
      %gather3A_1676 = tpu.memref_squeeze %gather3A_1675 : memref<1x32x128xf32, #tpu.memory_space<vmem>> -> memref<32x128xf32, #tpu.memory_space<vmem>>
      %gather3A_1677 = tpu.vector_load_idx %gather3A_1676[%iota3A, %broadcast_in_dim3A_1671] : memref<32x128xf32, #tpu.memory_space<vmem>>[vector<16xi32>, vector<16xi32>], vector<16xf32>,
      %add3A_1678 = arith.constant 16 : i32
      %add3A_1679 = vector.broadcast %add3A_1678 : i32 to vector<16xi32>
      %add3A_1680 = arith.addi %iota3A, %add3A_1679 : vector<16xi32>
      %gather3A_1681 = arith.constant 3 : i32
      %gather3A_1682 = arith.constant 0 : i32
      %gather3A_1683 = arith.constant 0 : i32
      %gather3A_1684 = tpu.memref_slice %arg10[%gather3A_1681, %gather3A_1682, %gather3A_1683] : memref<8x32x128xf32, #tpu.memory_space<vmem>> -> memref<1x32x128xf32, #tpu.memory_space<vmem>>
      %gather3A_1685 = tpu.memref_squeeze %gather3A_1684 : memref<1x32x128xf32, #tpu.memory_space<vmem>> -> memref<32x128xf32, #tpu.memory_space<vmem>>
      %gather3A_1686 = tpu.vector_load_idx %gather3A_1685[%add3A_1680, %broadcast_in_dim3A_1671] : memref<32x128xf32, #tpu.memory_space<vmem>>[vector<16xi32>, vector<16xi32>], vector<16xf32>,
      %add3A_1687 = arith.constant 11 : i32
      %add3A_1688 = arith.addi %shift_left3A_21, %add3A_1687 : i32
      %broadcast_in_dim3A_1689 = vector.broadcast %add3A_1688 : i32 to vector<16xi32>
      %mul3A_1690 = arith.mulf %gather3A_1661, %gather3A_1677 : vector<16xf32>
      tpu.vector_store_idx %arg11[%iota3A, %broadcast_in_dim3A_1689], %mul3A_1690 : memref<32x512xf32, #tpu.memory_space<vmem>>[vector<16xi32>, vector<16xi32>], vector<16xf32>,
      %add3A_1691 = arith.constant 16 : i32
      %add3A_1692 = vector.broadcast %add3A_1691 : i32 to vector<16xi32>
      %add3A_1693 = arith.addi %iota3A, %add3A_1692 : vector<16xi32>
      %mul3A_1694 = arith.mulf %gather3A_1670, %gather3A_1686 : vector<16xf32>
      tpu.vector_store_idx %arg11[%add3A_1693, %broadcast_in_dim3A_1689], %mul3A_1694 : memref<32x512xf32, #tpu.memory_space<vmem>>[vector<16xi32>, vector<16xi32>], vector<16xf32>,
      %dma_wait3A_1695 = arith.constant 4 : i32
      %dma_wait3A_1696 = arith.constant 4 : i32
      %dma_wait3A_1697 = arith.constant 0 : i32
      %dma_wait3A_1698 = arith.constant 0 : i32
      %dma_wait3A_1699 = tpu.memref_slice %arg9[%dma_wait3A_1695, %dma_wait3A_1697, %dma_wait3A_1698] : memref<8x32x128xf32, #tpu.memory_space<vmem>> -> memref<1x32x128xf32, #tpu.memory_space<vmem>>
      %dma_wait3A_1700 = tpu.memref_squeeze %dma_wait3A_1699 : memref<1x32x128xf32, #tpu.memory_space<vmem>> -> memref<32x128xf32, #tpu.memory_space<vmem>>
      %dma_wait3A_1701 = arith.constant 0 : i32
      %dma_wait3A_1702 = arith.constant 0 : i32
      %dma_wait3A_1703 = tpu.memref_slice %arg4[%dma_wait3A_1701, %dma_wait3A_1702] : memref<32x1000000xf32, #tpu.memory_space<hbm>> -> memref<32x128xf32, #tpu.memory_space<hbm>>
      %dma_wait3A_1704 = tpu.memref_slice %arg12[%dma_wait3A_1696] : memref<8x!tpu.dma_semaphore, #tpu.memory_space<semaphore_mem>> -> memref<1x!tpu.dma_semaphore, #tpu.memory_space<semaphore_mem>>
      %dma_wait3A_1705 = tpu.memref_squeeze %dma_wait3A_1704 : memref<1x!tpu.dma_semaphore, #tpu.memory_space<semaphore_mem>> -> memref<!tpu.dma_semaphore, #tpu.memory_space<semaphore_mem>>
      %dma_wait3A_1706 = arith.constant 0 : i32
      %dma_wait3A_1707 = arith.constant 0 : i32
      %dma_wait3A_1708 = tpu.memref_slice %arg9[%dma_wait3A_1695, %dma_wait3A_1706, %dma_wait3A_1707] : memref<8x32x128xf32, #tpu.memory_space<vmem>> -> memref<1x32x128xf32, #tpu.memory_space<vmem>>
      %dma_wait3A_1709 = tpu.memref_squeeze %dma_wait3A_1708 : memref<1x32x128xf32, #tpu.memory_space<vmem>> -> memref<32x128xf32, #tpu.memory_space<vmem>>
      %dma_wait3A_1710 = arith.constant 0 : i32
      %dma_wait3A_1711 = arith.constant 0 : i32
      %dma_wait3A_1712 = tpu.memref_slice %arg4[%dma_wait3A_1710, %dma_wait3A_1711] : memref<32x1000000xf32, #tpu.memory_space<hbm>> -> memref<32x128xf32, #tpu.memory_space<hbm>>
      tpu.wait_dma2 semaphore(%dma_wait3A_1705 : memref<!tpu.dma_semaphore, #tpu.memory_space<semaphore_mem>>) src(%dma_wait3A_1712 : memref<32x128xf32, #tpu.memory_space<hbm>>) dst(%dma_wait3A_1709 : memref<32x128xf32, #tpu.memory_space<vmem>>)
      %dma_wait3A_1713 = arith.constant 4 : i32
      %dma_wait3A_1714 = arith.constant 4 : i32
      %dma_wait3A_1715 = arith.constant 0 : i32
      %dma_wait3A_1716 = arith.constant 0 : i32
      %dma_wait3A_1717 = tpu.memref_slice %arg10[%dma_wait3A_1713, %dma_wait3A_1715, %dma_wait3A_1716] : memref<8x32x128xf32, #tpu.memory_space<vmem>> -> memref<1x32x128xf32, #tpu.memory_space<vmem>>
      %dma_wait3A_1718 = tpu.memref_squeeze %dma_wait3A_1717 : memref<1x32x128xf32, #tpu.memory_space<vmem>> -> memref<32x128xf32, #tpu.memory_space<vmem>>
      %dma_wait3A_1719 = arith.constant 0 : i32
      %dma_wait3A_1720 = arith.constant 0 : i32
      %dma_wait3A_1721 = tpu.memref_slice %arg5[%dma_wait3A_1719, %dma_wait3A_1720] : memref<32x1000000xf32, #tpu.memory_space<hbm>> -> memref<32x128xf32, #tpu.memory_space<hbm>>
      %dma_wait3A_1722 = tpu.memref_slice %arg13[%dma_wait3A_1714] : memref<8x!tpu.dma_semaphore, #tpu.memory_space<semaphore_mem>> -> memref<1x!tpu.dma_semaphore, #tpu.memory_space<semaphore_mem>>
      %dma_wait3A_1723 = tpu.memref_squeeze %dma_wait3A_1722 : memref<1x!tpu.dma_semaphore, #tpu.memory_space<semaphore_mem>> -> memref<!tpu.dma_semaphore, #tpu.memory_space<semaphore_mem>>
      %dma_wait3A_1724 = arith.constant 0 : i32
      %dma_wait3A_1725 = arith.constant 0 : i32
      %dma_wait3A_1726 = tpu.memref_slice %arg10[%dma_wait3A_1713, %dma_wait3A_1724, %dma_wait3A_1725] : memref<8x32x128xf32, #tpu.memory_space<vmem>> -> memref<1x32x128xf32, #tpu.memory_space<vmem>>
      %dma_wait3A_1727 = tpu.memref_squeeze %dma_wait3A_1726 : memref<1x32x128xf32, #tpu.memory_space<vmem>> -> memref<32x128xf32, #tpu.memory_space<vmem>>
      %dma_wait3A_1728 = arith.constant 0 : i32
      %dma_wait3A_1729 = arith.constant 0 : i32
      %dma_wait3A_1730 = tpu.memref_slice %arg5[%dma_wait3A_1728, %dma_wait3A_1729] : memref<32x1000000xf32, #tpu.memory_space<hbm>> -> memref<32x128xf32, #tpu.memory_space<hbm>>
      tpu.wait_dma2 semaphore(%dma_wait3A_1723 : memref<!tpu.dma_semaphore, #tpu.memory_space<semaphore_mem>>) src(%dma_wait3A_1730 : memref<32x128xf32, #tpu.memory_space<hbm>>) dst(%dma_wait3A_1727 : memref<32x128xf32, #tpu.memory_space<vmem>>)
      %slice3A_1731 = vector.extract_strided_slice %get3A_16 {offsets = [12], sizes = [1], strides = [1]} : vector<16xi32> to vector<1xi32>
      %squeeze3A_1732 = vector.extract %slice3A_1731[0] : i32 from vector<1xi32>
      %and3A_1733 = arith.constant 127 : i32
      %and3A_1734 = arith.andi %squeeze3A_1732, %and3A_1733 : i32
      %slice3A_1735 = vector.extract_strided_slice %get3A_19 {offsets = [12], sizes = [1], strides = [1]} : vector<16xi32> to vector<1xi32>
      %squeeze3A_1736 = vector.extract %slice3A_1735[0] : i32 from vector<1xi32>
      %and3A_1737 = arith.constant 127 : i32
      %and3A_1738 = arith.andi %squeeze3A_1736, %and3A_1737 : i32
      %broadcast_in_dim3A_1739 = vector.broadcast %and3A_1734 : i32 to vector<16xi32>
      %gather3A_1740 = arith.constant 4 : i32
      %gather3A_1741 = arith.constant 0 : i32
      %gather3A_1742 = arith.constant 0 : i32
      %gather3A_1743 = tpu.memref_slice %arg9[%gather3A_1740, %gather3A_1741, %gather3A_1742] : memref<8x32x128xf32, #tpu.memory_space<vmem>> -> memref<1x32x128xf32, #tpu.memory_space<vmem>>
      %gather3A_1744 = tpu.memref_squeeze %gather3A_1743 : memref<1x32x128xf32, #tpu.memory_space<vmem>> -> memref<32x128xf32, #tpu.memory_space<vmem>>
      %gather3A_1745 = tpu.vector_load_idx %gather3A_1744[%iota3A, %broadcast_in_dim3A_1739] : memref<32x128xf32, #tpu.memory_space<vmem>>[vector<16xi32>, vector<16xi32>], vector<16xf32>,
      %add3A_1746 = arith.constant 16 : i32
      %add3A_1747 = vector.broadcast %add3A_1746 : i32 to vector<16xi32>
      %add3A_1748 = arith.addi %iota3A, %add3A_1747 : vector<16xi32>
      %gather3A_1749 = arith.constant 4 : i32
      %gather3A_1750 = arith.constant 0 : i32
      %gather3A_1751 = arith.constant 0 : i32
      %gather3A_1752 = tpu.memref_slice %arg9[%gather3A_1749, %gather3A_1750, %gather3A_1751] : memref<8x32x128xf32, #tpu.memory_space<vmem>> -> memref<1x32x128xf32, #tpu.memory_space<vmem>>
      %gather3A_1753 = tpu.memref_squeeze %gather3A_1752 : memref<1x32x128xf32, #tpu.memory_space<vmem>> -> memref<32x128xf32, #tpu.memory_space<vmem>>
      %gather3A_1754 = tpu.vector_load_idx %gather3A_1753[%add3A_1748, %broadcast_in_dim3A_1739] : memref<32x128xf32, #tpu.memory_space<vmem>>[vector<16xi32>, vector<16xi32>], vector<16xf32>,
      %broadcast_in_dim3A_1755 = vector.broadcast %and3A_1738 : i32 to vector<16xi32>
      %gather3A_1756 = arith.constant 4 : i32
      %gather3A_1757 = arith.constant 0 : i32
      %gather3A_1758 = arith.constant 0 : i32
      %gather3A_1759 = tpu.memref_slice %arg10[%gather3A_1756, %gather3A_1757, %gather3A_1758] : memref<8x32x128xf32, #tpu.memory_space<vmem>> -> memref<1x32x128xf32, #tpu.memory_space<vmem>>
      %gather3A_1760 = tpu.memref_squeeze %gather3A_1759 : memref<1x32x128xf32, #tpu.memory_space<vmem>> -> memref<32x128xf32, #tpu.memory_space<vmem>>
      %gather3A_1761 = tpu.vector_load_idx %gather3A_1760[%iota3A, %broadcast_in_dim3A_1755] : memref<32x128xf32, #tpu.memory_space<vmem>>[vector<16xi32>, vector<16xi32>], vector<16xf32>,
      %add3A_1762 = arith.constant 16 : i32
      %add3A_1763 = vector.broadcast %add3A_1762 : i32 to vector<16xi32>
      %add3A_1764 = arith.addi %iota3A, %add3A_1763 : vector<16xi32>
      %gather3A_1765 = arith.constant 4 : i32
      %gather3A_1766 = arith.constant 0 : i32
      %gather3A_1767 = arith.constant 0 : i32
      %gather3A_1768 = tpu.memref_slice %arg10[%gather3A_1765, %gather3A_1766, %gather3A_1767] : memref<8x32x128xf32, #tpu.memory_space<vmem>> -> memref<1x32x128xf32, #tpu.memory_space<vmem>>
      %gather3A_1769 = tpu.memref_squeeze %gather3A_1768 : memref<1x32x128xf32, #tpu.memory_space<vmem>> -> memref<32x128xf32, #tpu.memory_space<vmem>>
      %gather3A_1770 = tpu.vector_load_idx %gather3A_1769[%add3A_1764, %broadcast_in_dim3A_1755] : memref<32x128xf32, #tpu.memory_space<vmem>>[vector<16xi32>, vector<16xi32>], vector<16xf32>,
      %add3A_1771 = arith.constant 12 : i32
      %add3A_1772 = arith.addi %shift_left3A_21, %add3A_1771 : i32
      %broadcast_in_dim3A_1773 = vector.broadcast %add3A_1772 : i32 to vector<16xi32>
      %mul3A_1774 = arith.mulf %gather3A_1745, %gather3A_1761 : vector<16xf32>
      tpu.vector_store_idx %arg11[%iota3A, %broadcast_in_dim3A_1773], %mul3A_1774 : memref<32x512xf32, #tpu.memory_space<vmem>>[vector<16xi32>, vector<16xi32>], vector<16xf32>,
      %add3A_1775 = arith.constant 16 : i32
      %add3A_1776 = vector.broadcast %add3A_1775 : i32 to vector<16xi32>
      %add3A_1777 = arith.addi %iota3A, %add3A_1776 : vector<16xi32>
      %mul3A_1778 = arith.mulf %gather3A_1754, %gather3A_1770 : vector<16xf32>
      tpu.vector_store_idx %arg11[%add3A_1777, %broadcast_in_dim3A_1773], %mul3A_1778 : memref<32x512xf32, #tpu.memory_space<vmem>>[vector<16xi32>, vector<16xi32>], vector<16xf32>,
      %dma_wait3A_1779 = arith.constant 5 : i32
      %dma_wait3A_1780 = arith.constant 5 : i32
      %dma_wait3A_1781 = arith.constant 0 : i32
      %dma_wait3A_1782 = arith.constant 0 : i32
      %dma_wait3A_1783 = tpu.memref_slice %arg9[%dma_wait3A_1779, %dma_wait3A_1781, %dma_wait3A_1782] : memref<8x32x128xf32, #tpu.memory_space<vmem>> -> memref<1x32x128xf32, #tpu.memory_space<vmem>>
      %dma_wait3A_1784 = tpu.memref_squeeze %dma_wait3A_1783 : memref<1x32x128xf32, #tpu.memory_space<vmem>> -> memref<32x128xf32, #tpu.memory_space<vmem>>
      %dma_wait3A_1785 = arith.constant 0 : i32
      %dma_wait3A_1786 = arith.constant 0 : i32
      %dma_wait3A_1787 = tpu.memref_slice %arg4[%dma_wait3A_1785, %dma_wait3A_1786] : memref<32x1000000xf32, #tpu.memory_space<hbm>> -> memref<32x128xf32, #tpu.memory_space<hbm>>
      %dma_wait3A_1788 = tpu.memref_slice %arg12[%dma_wait3A_1780] : memref<8x!tpu.dma_semaphore, #tpu.memory_space<semaphore_mem>> -> memref<1x!tpu.dma_semaphore, #tpu.memory_space<semaphore_mem>>
      %dma_wait3A_1789 = tpu.memref_squeeze %dma_wait3A_1788 : memref<1x!tpu.dma_semaphore, #tpu.memory_space<semaphore_mem>> -> memref<!tpu.dma_semaphore, #tpu.memory_space<semaphore_mem>>
      %dma_wait3A_1790 = arith.constant 0 : i32
      %dma_wait3A_1791 = arith.constant 0 : i32
      %dma_wait3A_1792 = tpu.memref_slice %arg9[%dma_wait3A_1779, %dma_wait3A_1790, %dma_wait3A_1791] : memref<8x32x128xf32, #tpu.memory_space<vmem>> -> memref<1x32x128xf32, #tpu.memory_space<vmem>>
      %dma_wait3A_1793 = tpu.memref_squeeze %dma_wait3A_1792 : memref<1x32x128xf32, #tpu.memory_space<vmem>> -> memref<32x128xf32, #tpu.memory_space<vmem>>
      %dma_wait3A_1794 = arith.constant 0 : i32
      %dma_wait3A_1795 = arith.constant 0 : i32
      %dma_wait3A_1796 = tpu.memref_slice %arg4[%dma_wait3A_1794, %dma_wait3A_1795] : memref<32x1000000xf32, #tpu.memory_space<hbm>> -> memref<32x128xf32, #tpu.memory_space<hbm>>
      tpu.wait_dma2 semaphore(%dma_wait3A_1789 : memref<!tpu.dma_semaphore, #tpu.memory_space<semaphore_mem>>) src(%dma_wait3A_1796 : memref<32x128xf32, #tpu.memory_space<hbm>>) dst(%dma_wait3A_1793 : memref<32x128xf32, #tpu.memory_space<vmem>>)
      %dma_wait3A_1797 = arith.constant 5 : i32
      %dma_wait3A_1798 = arith.constant 5 : i32
      %dma_wait3A_1799 = arith.constant 0 : i32
      %dma_wait3A_1800 = arith.constant 0 : i32
      %dma_wait3A_1801 = tpu.memref_slice %arg10[%dma_wait3A_1797, %dma_wait3A_1799, %dma_wait3A_1800] : memref<8x32x128xf32, #tpu.memory_space<vmem>> -> memref<1x32x128xf32, #tpu.memory_space<vmem>>
      %dma_wait3A_1802 = tpu.memref_squeeze %dma_wait3A_1801 : memref<1x32x128xf32, #tpu.memory_space<vmem>> -> memref<32x128xf32, #tpu.memory_space<vmem>>
      %dma_wait3A_1803 = arith.constant 0 : i32
      %dma_wait3A_1804 = arith.constant 0 : i32
      %dma_wait3A_1805 = tpu.memref_slice %arg5[%dma_wait3A_1803, %dma_wait3A_1804] : memref<32x1000000xf32, #tpu.memory_space<hbm>> -> memref<32x128xf32, #tpu.memory_space<hbm>>
      %dma_wait3A_1806 = tpu.memref_slice %arg13[%dma_wait3A_1798] : memref<8x!tpu.dma_semaphore, #tpu.memory_space<semaphore_mem>> -> memref<1x!tpu.dma_semaphore, #tpu.memory_space<semaphore_mem>>
      %dma_wait3A_1807 = tpu.memref_squeeze %dma_wait3A_1806 : memref<1x!tpu.dma_semaphore, #tpu.memory_space<semaphore_mem>> -> memref<!tpu.dma_semaphore, #tpu.memory_space<semaphore_mem>>
      %dma_wait3A_1808 = arith.constant 0 : i32
      %dma_wait3A_1809 = arith.constant 0 : i32
      %dma_wait3A_1810 = tpu.memref_slice %arg10[%dma_wait3A_1797, %dma_wait3A_1808, %dma_wait3A_1809] : memref<8x32x128xf32, #tpu.memory_space<vmem>> -> memref<1x32x128xf32, #tpu.memory_space<vmem>>
      %dma_wait3A_1811 = tpu.memref_squeeze %dma_wait3A_1810 : memref<1x32x128xf32, #tpu.memory_space<vmem>> -> memref<32x128xf32, #tpu.memory_space<vmem>>
      %dma_wait3A_1812 = arith.constant 0 : i32
      %dma_wait3A_1813 = arith.constant 0 : i32
      %dma_wait3A_1814 = tpu.memref_slice %arg5[%dma_wait3A_1812, %dma_wait3A_1813] : memref<32x1000000xf32, #tpu.memory_space<hbm>> -> memref<32x128xf32, #tpu.memory_space<hbm>>
      tpu.wait_dma2 semaphore(%dma_wait3A_1807 : memref<!tpu.dma_semaphore, #tpu.memory_space<semaphore_mem>>) src(%dma_wait3A_1814 : memref<32x128xf32, #tpu.memory_space<hbm>>) dst(%dma_wait3A_1811 : memref<32x128xf32, #tpu.memory_space<vmem>>)
      %slice3A_1815 = vector.extract_strided_slice %get3A_16 {offsets = [13], sizes = [1], strides = [1]} : vector<16xi32> to vector<1xi32>
      %squeeze3A_1816 = vector.extract %slice3A_1815[0] : i32 from vector<1xi32>
      %and3A_1817 = arith.constant 127 : i32
      %and3A_1818 = arith.andi %squeeze3A_1816, %and3A_1817 : i32
      %slice3A_1819 = vector.extract_strided_slice %get3A_19 {offsets = [13], sizes = [1], strides = [1]} : vector<16xi32> to vector<1xi32>
      %squeeze3A_1820 = vector.extract %slice3A_1819[0] : i32 from vector<1xi32>
      %and3A_1821 = arith.constant 127 : i32
      %and3A_1822 = arith.andi %squeeze3A_1820, %and3A_1821 : i32
      %broadcast_in_dim3A_1823 = vector.broadcast %and3A_1818 : i32 to vector<16xi32>
      %gather3A_1824 = arith.constant 5 : i32
      %gather3A_1825 = arith.constant 0 : i32
      %gather3A_1826 = arith.constant 0 : i32
      %gather3A_1827 = tpu.memref_slice %arg9[%gather3A_1824, %gather3A_1825, %gather3A_1826] : memref<8x32x128xf32, #tpu.memory_space<vmem>> -> memref<1x32x128xf32, #tpu.memory_space<vmem>>
      %gather3A_1828 = tpu.memref_squeeze %gather3A_1827 : memref<1x32x128xf32, #tpu.memory_space<vmem>> -> memref<32x128xf32, #tpu.memory_space<vmem>>
      %gather3A_1829 = tpu.vector_load_idx %gather3A_1828[%iota3A, %broadcast_in_dim3A_1823] : memref<32x128xf32, #tpu.memory_space<vmem>>[vector<16xi32>, vector<16xi32>], vector<16xf32>,
      %add3A_1830 = arith.constant 16 : i32
      %add3A_1831 = vector.broadcast %add3A_1830 : i32 to vector<16xi32>
      %add3A_1832 = arith.addi %iota3A, %add3A_1831 : vector<16xi32>
      %gather3A_1833 = arith.constant 5 : i32
      %gather3A_1834 = arith.constant 0 : i32
      %gather3A_1835 = arith.constant 0 : i32
      %gather3A_1836 = tpu.memref_slice %arg9[%gather3A_1833, %gather3A_1834, %gather3A_1835] : memref<8x32x128xf32, #tpu.memory_space<vmem>> -> memref<1x32x128xf32, #tpu.memory_space<vmem>>
      %gather3A_1837 = tpu.memref_squeeze %gather3A_1836 : memref<1x32x128xf32, #tpu.memory_space<vmem>> -> memref<32x128xf32, #tpu.memory_space<vmem>>
      %gather3A_1838 = tpu.vector_load_idx %gather3A_1837[%add3A_1832, %broadcast_in_dim3A_1823] : memref<32x128xf32, #tpu.memory_space<vmem>>[vector<16xi32>, vector<16xi32>], vector<16xf32>,
      %broadcast_in_dim3A_1839 = vector.broadcast %and3A_1822 : i32 to vector<16xi32>
      %gather3A_1840 = arith.constant 5 : i32
      %gather3A_1841 = arith.constant 0 : i32
      %gather3A_1842 = arith.constant 0 : i32
      %gather3A_1843 = tpu.memref_slice %arg10[%gather3A_1840, %gather3A_1841, %gather3A_1842] : memref<8x32x128xf32, #tpu.memory_space<vmem>> -> memref<1x32x128xf32, #tpu.memory_space<vmem>>
      %gather3A_1844 = tpu.memref_squeeze %gather3A_1843 : memref<1x32x128xf32, #tpu.memory_space<vmem>> -> memref<32x128xf32, #tpu.memory_space<vmem>>
      %gather3A_1845 = tpu.vector_load_idx %gather3A_1844[%iota3A, %broadcast_in_dim3A_1839] : memref<32x128xf32, #tpu.memory_space<vmem>>[vector<16xi32>, vector<16xi32>], vector<16xf32>,
      %add3A_1846 = arith.constant 16 : i32
      %add3A_1847 = vector.broadcast %add3A_1846 : i32 to vector<16xi32>
      %add3A_1848 = arith.addi %iota3A, %add3A_1847 : vector<16xi32>
      %gather3A_1849 = arith.constant 5 : i32
      %gather3A_1850 = arith.constant 0 : i32
      %gather3A_1851 = arith.constant 0 : i32
      %gather3A_1852 = tpu.memref_slice %arg10[%gather3A_1849, %gather3A_1850, %gather3A_1851] : memref<8x32x128xf32, #tpu.memory_space<vmem>> -> memref<1x32x128xf32, #tpu.memory_space<vmem>>
      %gather3A_1853 = tpu.memref_squeeze %gather3A_1852 : memref<1x32x128xf32, #tpu.memory_space<vmem>> -> memref<32x128xf32, #tpu.memory_space<vmem>>
      %gather3A_1854 = tpu.vector_load_idx %gather3A_1853[%add3A_1848, %broadcast_in_dim3A_1839] : memref<32x128xf32, #tpu.memory_space<vmem>>[vector<16xi32>, vector<16xi32>], vector<16xf32>,
      %add3A_1855 = arith.constant 13 : i32
      %add3A_1856 = arith.addi %shift_left3A_21, %add3A_1855 : i32
      %broadcast_in_dim3A_1857 = vector.broadcast %add3A_1856 : i32 to vector<16xi32>
      %mul3A_1858 = arith.mulf %gather3A_1829, %gather3A_1845 : vector<16xf32>
      tpu.vector_store_idx %arg11[%iota3A, %broadcast_in_dim3A_1857], %mul3A_1858 : memref<32x512xf32, #tpu.memory_space<vmem>>[vector<16xi32>, vector<16xi32>], vector<16xf32>,
      %add3A_1859 = arith.constant 16 : i32
      %add3A_1860 = vector.broadcast %add3A_1859 : i32 to vector<16xi32>
      %add3A_1861 = arith.addi %iota3A, %add3A_1860 : vector<16xi32>
      %mul3A_1862 = arith.mulf %gather3A_1838, %gather3A_1854 : vector<16xf32>
      tpu.vector_store_idx %arg11[%add3A_1861, %broadcast_in_dim3A_1857], %mul3A_1862 : memref<32x512xf32, #tpu.memory_space<vmem>>[vector<16xi32>, vector<16xi32>], vector<16xf32>,
      %dma_wait3A_1863 = arith.constant 6 : i32
      %dma_wait3A_1864 = arith.constant 6 : i32
      %dma_wait3A_1865 = arith.constant 0 : i32
      %dma_wait3A_1866 = arith.constant 0 : i32
      %dma_wait3A_1867 = tpu.memref_slice %arg9[%dma_wait3A_1863, %dma_wait3A_1865, %dma_wait3A_1866] : memref<8x32x128xf32, #tpu.memory_space<vmem>> -> memref<1x32x128xf32, #tpu.memory_space<vmem>>
      %dma_wait3A_1868 = tpu.memref_squeeze %dma_wait3A_1867 : memref<1x32x128xf32, #tpu.memory_space<vmem>> -> memref<32x128xf32, #tpu.memory_space<vmem>>
      %dma_wait3A_1869 = arith.constant 0 : i32
      %dma_wait3A_1870 = arith.constant 0 : i32
      %dma_wait3A_1871 = tpu.memref_slice %arg4[%dma_wait3A_1869, %dma_wait3A_1870] : memref<32x1000000xf32, #tpu.memory_space<hbm>> -> memref<32x128xf32, #tpu.memory_space<hbm>>
      %dma_wait3A_1872 = tpu.memref_slice %arg12[%dma_wait3A_1864] : memref<8x!tpu.dma_semaphore, #tpu.memory_space<semaphore_mem>> -> memref<1x!tpu.dma_semaphore, #tpu.memory_space<semaphore_mem>>
      %dma_wait3A_1873 = tpu.memref_squeeze %dma_wait3A_1872 : memref<1x!tpu.dma_semaphore, #tpu.memory_space<semaphore_mem>> -> memref<!tpu.dma_semaphore, #tpu.memory_space<semaphore_mem>>
      %dma_wait3A_1874 = arith.constant 0 : i32
      %dma_wait3A_1875 = arith.constant 0 : i32
      %dma_wait3A_1876 = tpu.memref_slice %arg9[%dma_wait3A_1863, %dma_wait3A_1874, %dma_wait3A_1875] : memref<8x32x128xf32, #tpu.memory_space<vmem>> -> memref<1x32x128xf32, #tpu.memory_space<vmem>>
      %dma_wait3A_1877 = tpu.memref_squeeze %dma_wait3A_1876 : memref<1x32x128xf32, #tpu.memory_space<vmem>> -> memref<32x128xf32, #tpu.memory_space<vmem>>
      %dma_wait3A_1878 = arith.constant 0 : i32
      %dma_wait3A_1879 = arith.constant 0 : i32
      %dma_wait3A_1880 = tpu.memref_slice %arg4[%dma_wait3A_1878, %dma_wait3A_1879] : memref<32x1000000xf32, #tpu.memory_space<hbm>> -> memref<32x128xf32, #tpu.memory_space<hbm>>
      tpu.wait_dma2 semaphore(%dma_wait3A_1873 : memref<!tpu.dma_semaphore, #tpu.memory_space<semaphore_mem>>) src(%dma_wait3A_1880 : memref<32x128xf32, #tpu.memory_space<hbm>>) dst(%dma_wait3A_1877 : memref<32x128xf32, #tpu.memory_space<vmem>>)
      %dma_wait3A_1881 = arith.constant 6 : i32
      %dma_wait3A_1882 = arith.constant 6 : i32
      %dma_wait3A_1883 = arith.constant 0 : i32
      %dma_wait3A_1884 = arith.constant 0 : i32
      %dma_wait3A_1885 = tpu.memref_slice %arg10[%dma_wait3A_1881, %dma_wait3A_1883, %dma_wait3A_1884] : memref<8x32x128xf32, #tpu.memory_space<vmem>> -> memref<1x32x128xf32, #tpu.memory_space<vmem>>
      %dma_wait3A_1886 = tpu.memref_squeeze %dma_wait3A_1885 : memref<1x32x128xf32, #tpu.memory_space<vmem>> -> memref<32x128xf32, #tpu.memory_space<vmem>>
      %dma_wait3A_1887 = arith.constant 0 : i32
      %dma_wait3A_1888 = arith.constant 0 : i32
      %dma_wait3A_1889 = tpu.memref_slice %arg5[%dma_wait3A_1887, %dma_wait3A_1888] : memref<32x1000000xf32, #tpu.memory_space<hbm>> -> memref<32x128xf32, #tpu.memory_space<hbm>>
      %dma_wait3A_1890 = tpu.memref_slice %arg13[%dma_wait3A_1882] : memref<8x!tpu.dma_semaphore, #tpu.memory_space<semaphore_mem>> -> memref<1x!tpu.dma_semaphore, #tpu.memory_space<semaphore_mem>>
      %dma_wait3A_1891 = tpu.memref_squeeze %dma_wait3A_1890 : memref<1x!tpu.dma_semaphore, #tpu.memory_space<semaphore_mem>> -> memref<!tpu.dma_semaphore, #tpu.memory_space<semaphore_mem>>
      %dma_wait3A_1892 = arith.constant 0 : i32
      %dma_wait3A_1893 = arith.constant 0 : i32
      %dma_wait3A_1894 = tpu.memref_slice %arg10[%dma_wait3A_1881, %dma_wait3A_1892, %dma_wait3A_1893] : memref<8x32x128xf32, #tpu.memory_space<vmem>> -> memref<1x32x128xf32, #tpu.memory_space<vmem>>
      %dma_wait3A_1895 = tpu.memref_squeeze %dma_wait3A_1894 : memref<1x32x128xf32, #tpu.memory_space<vmem>> -> memref<32x128xf32, #tpu.memory_space<vmem>>
      %dma_wait3A_1896 = arith.constant 0 : i32
      %dma_wait3A_1897 = arith.constant 0 : i32
      %dma_wait3A_1898 = tpu.memref_slice %arg5[%dma_wait3A_1896, %dma_wait3A_1897] : memref<32x1000000xf32, #tpu.memory_space<hbm>> -> memref<32x128xf32, #tpu.memory_space<hbm>>
      tpu.wait_dma2 semaphore(%dma_wait3A_1891 : memref<!tpu.dma_semaphore, #tpu.memory_space<semaphore_mem>>) src(%dma_wait3A_1898 : memref<32x128xf32, #tpu.memory_space<hbm>>) dst(%dma_wait3A_1895 : memref<32x128xf32, #tpu.memory_space<vmem>>)
      %slice3A_1899 = vector.extract_strided_slice %get3A_16 {offsets = [14], sizes = [1], strides = [1]} : vector<16xi32> to vector<1xi32>
      %squeeze3A_1900 = vector.extract %slice3A_1899[0] : i32 from vector<1xi32>
      %and3A_1901 = arith.constant 127 : i32
      %and3A_1902 = arith.andi %squeeze3A_1900, %and3A_1901 : i32
      %slice3A_1903 = vector.extract_strided_slice %get3A_19 {offsets = [14], sizes = [1], strides = [1]} : vector<16xi32> to vector<1xi32>
      %squeeze3A_1904 = vector.extract %slice3A_1903[0] : i32 from vector<1xi32>
      %and3A_1905 = arith.constant 127 : i32
      %and3A_1906 = arith.andi %squeeze3A_1904, %and3A_1905 : i32
      %broadcast_in_dim3A_1907 = vector.broadcast %and3A_1902 : i32 to vector<16xi32>
      %gather3A_1908 = arith.constant 6 : i32
      %gather3A_1909 = arith.constant 0 : i32
      %gather3A_1910 = arith.constant 0 : i32
      %gather3A_1911 = tpu.memref_slice %arg9[%gather3A_1908, %gather3A_1909, %gather3A_1910] : memref<8x32x128xf32, #tpu.memory_space<vmem>> -> memref<1x32x128xf32, #tpu.memory_space<vmem>>
      %gather3A_1912 = tpu.memref_squeeze %gather3A_1911 : memref<1x32x128xf32, #tpu.memory_space<vmem>> -> memref<32x128xf32, #tpu.memory_space<vmem>>
      %gather3A_1913 = tpu.vector_load_idx %gather3A_1912[%iota3A, %broadcast_in_dim3A_1907] : memref<32x128xf32, #tpu.memory_space<vmem>>[vector<16xi32>, vector<16xi32>], vector<16xf32>,
      %add3A_1914 = arith.constant 16 : i32
      %add3A_1915 = vector.broadcast %add3A_1914 : i32 to vector<16xi32>
      %add3A_1916 = arith.addi %iota3A, %add3A_1915 : vector<16xi32>
      %gather3A_1917 = arith.constant 6 : i32
      %gather3A_1918 = arith.constant 0 : i32
      %gather3A_1919 = arith.constant 0 : i32
      %gather3A_1920 = tpu.memref_slice %arg9[%gather3A_1917, %gather3A_1918, %gather3A_1919] : memref<8x32x128xf32, #tpu.memory_space<vmem>> -> memref<1x32x128xf32, #tpu.memory_space<vmem>>
      %gather3A_1921 = tpu.memref_squeeze %gather3A_1920 : memref<1x32x128xf32, #tpu.memory_space<vmem>> -> memref<32x128xf32, #tpu.memory_space<vmem>>
      %gather3A_1922 = tpu.vector_load_idx %gather3A_1921[%add3A_1916, %broadcast_in_dim3A_1907] : memref<32x128xf32, #tpu.memory_space<vmem>>[vector<16xi32>, vector<16xi32>], vector<16xf32>,
      %broadcast_in_dim3A_1923 = vector.broadcast %and3A_1906 : i32 to vector<16xi32>
      %gather3A_1924 = arith.constant 6 : i32
      %gather3A_1925 = arith.constant 0 : i32
      %gather3A_1926 = arith.constant 0 : i32
      %gather3A_1927 = tpu.memref_slice %arg10[%gather3A_1924, %gather3A_1925, %gather3A_1926] : memref<8x32x128xf32, #tpu.memory_space<vmem>> -> memref<1x32x128xf32, #tpu.memory_space<vmem>>
      %gather3A_1928 = tpu.memref_squeeze %gather3A_1927 : memref<1x32x128xf32, #tpu.memory_space<vmem>> -> memref<32x128xf32, #tpu.memory_space<vmem>>
      %gather3A_1929 = tpu.vector_load_idx %gather3A_1928[%iota3A, %broadcast_in_dim3A_1923] : memref<32x128xf32, #tpu.memory_space<vmem>>[vector<16xi32>, vector<16xi32>], vector<16xf32>,
      %add3A_1930 = arith.constant 16 : i32
      %add3A_1931 = vector.broadcast %add3A_1930 : i32 to vector<16xi32>
      %add3A_1932 = arith.addi %iota3A, %add3A_1931 : vector<16xi32>
      %gather3A_1933 = arith.constant 6 : i32
      %gather3A_1934 = arith.constant 0 : i32
      %gather3A_1935 = arith.constant 0 : i32
      %gather3A_1936 = tpu.memref_slice %arg10[%gather3A_1933, %gather3A_1934, %gather3A_1935] : memref<8x32x128xf32, #tpu.memory_space<vmem>> -> memref<1x32x128xf32, #tpu.memory_space<vmem>>
      %gather3A_1937 = tpu.memref_squeeze %gather3A_1936 : memref<1x32x128xf32, #tpu.memory_space<vmem>> -> memref<32x128xf32, #tpu.memory_space<vmem>>
      %gather3A_1938 = tpu.vector_load_idx %gather3A_1937[%add3A_1932, %broadcast_in_dim3A_1923] : memref<32x128xf32, #tpu.memory_space<vmem>>[vector<16xi32>, vector<16xi32>], vector<16xf32>,
      %add3A_1939 = arith.constant 14 : i32
      %add3A_1940 = arith.addi %shift_left3A_21, %add3A_1939 : i32
      %broadcast_in_dim3A_1941 = vector.broadcast %add3A_1940 : i32 to vector<16xi32>
      %mul3A_1942 = arith.mulf %gather3A_1913, %gather3A_1929 : vector<16xf32>
      tpu.vector_store_idx %arg11[%iota3A, %broadcast_in_dim3A_1941], %mul3A_1942 : memref<32x512xf32, #tpu.memory_space<vmem>>[vector<16xi32>, vector<16xi32>], vector<16xf32>,
      %add3A_1943 = arith.constant 16 : i32
      %add3A_1944 = vector.broadcast %add3A_1943 : i32 to vector<16xi32>
      %add3A_1945 = arith.addi %iota3A, %add3A_1944 : vector<16xi32>
      %mul3A_1946 = arith.mulf %gather3A_1922, %gather3A_1938 : vector<16xf32>
      tpu.vector_store_idx %arg11[%add3A_1945, %broadcast_in_dim3A_1941], %mul3A_1946 : memref<32x512xf32, #tpu.memory_space<vmem>>[vector<16xi32>, vector<16xi32>], vector<16xf32>,
      %dma_wait3A_1947 = arith.constant 7 : i32
      %dma_wait3A_1948 = arith.constant 7 : i32
      %dma_wait3A_1949 = arith.constant 0 : i32
      %dma_wait3A_1950 = arith.constant 0 : i32
      %dma_wait3A_1951 = tpu.memref_slice %arg9[%dma_wait3A_1947, %dma_wait3A_1949, %dma_wait3A_1950] : memref<8x32x128xf32, #tpu.memory_space<vmem>> -> memref<1x32x128xf32, #tpu.memory_space<vmem>>
      %dma_wait3A_1952 = tpu.memref_squeeze %dma_wait3A_1951 : memref<1x32x128xf32, #tpu.memory_space<vmem>> -> memref<32x128xf32, #tpu.memory_space<vmem>>
      %dma_wait3A_1953 = arith.constant 0 : i32
      %dma_wait3A_1954 = arith.constant 0 : i32
      %dma_wait3A_1955 = tpu.memref_slice %arg4[%dma_wait3A_1953, %dma_wait3A_1954] : memref<32x1000000xf32, #tpu.memory_space<hbm>> -> memref<32x128xf32, #tpu.memory_space<hbm>>
      %dma_wait3A_1956 = tpu.memref_slice %arg12[%dma_wait3A_1948] : memref<8x!tpu.dma_semaphore, #tpu.memory_space<semaphore_mem>> -> memref<1x!tpu.dma_semaphore, #tpu.memory_space<semaphore_mem>>
      %dma_wait3A_1957 = tpu.memref_squeeze %dma_wait3A_1956 : memref<1x!tpu.dma_semaphore, #tpu.memory_space<semaphore_mem>> -> memref<!tpu.dma_semaphore, #tpu.memory_space<semaphore_mem>>
      %dma_wait3A_1958 = arith.constant 0 : i32
      %dma_wait3A_1959 = arith.constant 0 : i32
      %dma_wait3A_1960 = tpu.memref_slice %arg9[%dma_wait3A_1947, %dma_wait3A_1958, %dma_wait3A_1959] : memref<8x32x128xf32, #tpu.memory_space<vmem>> -> memref<1x32x128xf32, #tpu.memory_space<vmem>>
      %dma_wait3A_1961 = tpu.memref_squeeze %dma_wait3A_1960 : memref<1x32x128xf32, #tpu.memory_space<vmem>> -> memref<32x128xf32, #tpu.memory_space<vmem>>
      %dma_wait3A_1962 = arith.constant 0 : i32
      %dma_wait3A_1963 = arith.constant 0 : i32
      %dma_wait3A_1964 = tpu.memref_slice %arg4[%dma_wait3A_1962, %dma_wait3A_1963] : memref<32x1000000xf32, #tpu.memory_space<hbm>> -> memref<32x128xf32, #tpu.memory_space<hbm>>
      tpu.wait_dma2 semaphore(%dma_wait3A_1957 : memref<!tpu.dma_semaphore, #tpu.memory_space<semaphore_mem>>) src(%dma_wait3A_1964 : memref<32x128xf32, #tpu.memory_space<hbm>>) dst(%dma_wait3A_1961 : memref<32x128xf32, #tpu.memory_space<vmem>>)
      %dma_wait3A_1965 = arith.constant 7 : i32
      %dma_wait3A_1966 = arith.constant 7 : i32
      %dma_wait3A_1967 = arith.constant 0 : i32
      %dma_wait3A_1968 = arith.constant 0 : i32
      %dma_wait3A_1969 = tpu.memref_slice %arg10[%dma_wait3A_1965, %dma_wait3A_1967, %dma_wait3A_1968] : memref<8x32x128xf32, #tpu.memory_space<vmem>> -> memref<1x32x128xf32, #tpu.memory_space<vmem>>
      %dma_wait3A_1970 = tpu.memref_squeeze %dma_wait3A_1969 : memref<1x32x128xf32, #tpu.memory_space<vmem>> -> memref<32x128xf32, #tpu.memory_space<vmem>>
      %dma_wait3A_1971 = arith.constant 0 : i32
      %dma_wait3A_1972 = arith.constant 0 : i32
      %dma_wait3A_1973 = tpu.memref_slice %arg5[%dma_wait3A_1971, %dma_wait3A_1972] : memref<32x1000000xf32, #tpu.memory_space<hbm>> -> memref<32x128xf32, #tpu.memory_space<hbm>>
      %dma_wait3A_1974 = tpu.memref_slice %arg13[%dma_wait3A_1966] : memref<8x!tpu.dma_semaphore, #tpu.memory_space<semaphore_mem>> -> memref<1x!tpu.dma_semaphore, #tpu.memory_space<semaphore_mem>>
      %dma_wait3A_1975 = tpu.memref_squeeze %dma_wait3A_1974 : memref<1x!tpu.dma_semaphore, #tpu.memory_space<semaphore_mem>> -> memref<!tpu.dma_semaphore, #tpu.memory_space<semaphore_mem>>
      %dma_wait3A_1976 = arith.constant 0 : i32
      %dma_wait3A_1977 = arith.constant 0 : i32
      %dma_wait3A_1978 = tpu.memref_slice %arg10[%dma_wait3A_1965, %dma_wait3A_1976, %dma_wait3A_1977] : memref<8x32x128xf32, #tpu.memory_space<vmem>> -> memref<1x32x128xf32, #tpu.memory_space<vmem>>
      %dma_wait3A_1979 = tpu.memref_squeeze %dma_wait3A_1978 : memref<1x32x128xf32, #tpu.memory_space<vmem>> -> memref<32x128xf32, #tpu.memory_space<vmem>>
      %dma_wait3A_1980 = arith.constant 0 : i32
      %dma_wait3A_1981 = arith.constant 0 : i32
      %dma_wait3A_1982 = tpu.memref_slice %arg5[%dma_wait3A_1980, %dma_wait3A_1981] : memref<32x1000000xf32, #tpu.memory_space<hbm>> -> memref<32x128xf32, #tpu.memory_space<hbm>>
      tpu.wait_dma2 semaphore(%dma_wait3A_1975 : memref<!tpu.dma_semaphore, #tpu.memory_space<semaphore_mem>>) src(%dma_wait3A_1982 : memref<32x128xf32, #tpu.memory_space<hbm>>) dst(%dma_wait3A_1979 : memref<32x128xf32, #tpu.memory_space<vmem>>)
      %slice3A_1983 = vector.extract_strided_slice %get3A_16 {offsets = [15], sizes = [1], strides = [1]} : vector<16xi32> to vector<1xi32>
      %squeeze3A_1984 = vector.extract %slice3A_1983[0] : i32 from vector<1xi32>
      %and3A_1985 = arith.constant 127 : i32
      %and3A_1986 = arith.andi %squeeze3A_1984, %and3A_1985 : i32
      %slice3A_1987 = vector.extract_strided_slice %get3A_19 {offsets = [15], sizes = [1], strides = [1]} : vector<16xi32> to vector<1xi32>
      %squeeze3A_1988 = vector.extract %slice3A_1987[0] : i32 from vector<1xi32>
      %and3A_1989 = arith.constant 127 : i32
      %and3A_1990 = arith.andi %squeeze3A_1988, %and3A_1989 : i32
      %broadcast_in_dim3A_1991 = vector.broadcast %and3A_1986 : i32 to vector<16xi32>
      %gather3A_1992 = arith.constant 7 : i32
      %gather3A_1993 = arith.constant 0 : i32
      %gather3A_1994 = arith.constant 0 : i32
      %gather3A_1995 = tpu.memref_slice %arg9[%gather3A_1992, %gather3A_1993, %gather3A_1994] : memref<8x32x128xf32, #tpu.memory_space<vmem>> -> memref<1x32x128xf32, #tpu.memory_space<vmem>>
      %gather3A_1996 = tpu.memref_squeeze %gather3A_1995 : memref<1x32x128xf32, #tpu.memory_space<vmem>> -> memref<32x128xf32, #tpu.memory_space<vmem>>
      %gather3A_1997 = tpu.vector_load_idx %gather3A_1996[%iota3A, %broadcast_in_dim3A_1991] : memref<32x128xf32, #tpu.memory_space<vmem>>[vector<16xi32>, vector<16xi32>], vector<16xf32>,
      %add3A_1998 = arith.constant 16 : i32
      %add3A_1999 = vector.broadcast %add3A_1998 : i32 to vector<16xi32>
      %add3A_2000 = arith.addi %iota3A, %add3A_1999 : vector<16xi32>
      %gather3A_2001 = arith.constant 7 : i32
      %gather3A_2002 = arith.constant 0 : i32
      %gather3A_2003 = arith.constant 0 : i32
      %gather3A_2004 = tpu.memref_slice %arg9[%gather3A_2001, %gather3A_2002, %gather3A_2003] : memref<8x32x128xf32, #tpu.memory_space<vmem>> -> memref<1x32x128xf32, #tpu.memory_space<vmem>>
      %gather3A_2005 = tpu.memref_squeeze %gather3A_2004 : memref<1x32x128xf32, #tpu.memory_space<vmem>> -> memref<32x128xf32, #tpu.memory_space<vmem>>
      %gather3A_2006 = tpu.vector_load_idx %gather3A_2005[%add3A_2000, %broadcast_in_dim3A_1991] : memref<32x128xf32, #tpu.memory_space<vmem>>[vector<16xi32>, vector<16xi32>], vector<16xf32>,
      %broadcast_in_dim3A_2007 = vector.broadcast %and3A_1990 : i32 to vector<16xi32>
      %gather3A_2008 = arith.constant 7 : i32
      %gather3A_2009 = arith.constant 0 : i32
      %gather3A_2010 = arith.constant 0 : i32
      %gather3A_2011 = tpu.memref_slice %arg10[%gather3A_2008, %gather3A_2009, %gather3A_2010] : memref<8x32x128xf32, #tpu.memory_space<vmem>> -> memref<1x32x128xf32, #tpu.memory_space<vmem>>
      %gather3A_2012 = tpu.memref_squeeze %gather3A_2011 : memref<1x32x128xf32, #tpu.memory_space<vmem>> -> memref<32x128xf32, #tpu.memory_space<vmem>>
      %gather3A_2013 = tpu.vector_load_idx %gather3A_2012[%iota3A, %broadcast_in_dim3A_2007] : memref<32x128xf32, #tpu.memory_space<vmem>>[vector<16xi32>, vector<16xi32>], vector<16xf32>,
      %add3A_2014 = arith.constant 16 : i32
      %add3A_2015 = vector.broadcast %add3A_2014 : i32 to vector<16xi32>
      %add3A_2016 = arith.addi %iota3A, %add3A_2015 : vector<16xi32>
      %gather3A_2017 = arith.constant 7 : i32
      %gather3A_2018 = arith.constant 0 : i32
      %gather3A_2019 = arith.constant 0 : i32
      %gather3A_2020 = tpu.memref_slice %arg10[%gather3A_2017, %gather3A_2018, %gather3A_2019] : memref<8x32x128xf32, #tpu.memory_space<vmem>> -> memref<1x32x128xf32, #tpu.memory_space<vmem>>
      %gather3A_2021 = tpu.memref_squeeze %gather3A_2020 : memref<1x32x128xf32, #tpu.memory_space<vmem>> -> memref<32x128xf32, #tpu.memory_space<vmem>>
      %gather3A_2022 = tpu.vector_load_idx %gather3A_2021[%add3A_2016, %broadcast_in_dim3A_2007] : memref<32x128xf32, #tpu.memory_space<vmem>>[vector<16xi32>, vector<16xi32>], vector<16xf32>,
      %add3A_2023 = arith.constant 15 : i32
      %add3A_2024 = arith.addi %shift_left3A_21, %add3A_2023 : i32
      %broadcast_in_dim3A_2025 = vector.broadcast %add3A_2024 : i32 to vector<16xi32>
      %mul3A_2026 = arith.mulf %gather3A_1997, %gather3A_2013 : vector<16xf32>
      tpu.vector_store_idx %arg11[%iota3A, %broadcast_in_dim3A_2025], %mul3A_2026 : memref<32x512xf32, #tpu.memory_space<vmem>>[vector<16xi32>, vector<16xi32>], vector<16xf32>,
      %add3A_2027 = arith.constant 16 : i32
      %add3A_2028 = vector.broadcast %add3A_2027 : i32 to vector<16xi32>
      %add3A_2029 = arith.addi %iota3A, %add3A_2028 : vector<16xi32>
      %mul3A_2030 = arith.mulf %gather3A_2006, %gather3A_2022 : vector<16xf32>
      tpu.vector_store_idx %arg11[%add3A_2029, %broadcast_in_dim3A_2025], %mul3A_2030 : memref<32x512xf32, #tpu.memory_space<vmem>>[vector<16xi32>, vector<16xi32>], vector<16xf32>,
    }
    %scan3A_10 = arith.constant 32 : i32
    "tpu.region"() ({
      %run_scoped3A = tpu.sem_alloc : memref<!tpu.dma_semaphore, #tpu.memory_space<semaphore_mem>>
      %dma_start3A = arith.constant 0 : i32
      %dma_start3A_11 = tpu.memref_slice %arg6[%dma_start3A, %mul3A_2] : memref<32x16384xf32, #tpu.memory_space<hbm>> -> memref<32x512xf32, #tpu.memory_space<hbm>>
      %dma_start3A_12 = arith.constant 0 : i32
      %dma_start3A_13 = tpu.memref_slice %arg6[%dma_start3A_12, %mul3A_2] : memref<32x16384xf32, #tpu.memory_space<hbm>> -> memref<32x512xf32, #tpu.memory_space<hbm>>
      tpu.enqueue_dma source(%arg11 : memref<32x512xf32, #tpu.memory_space<vmem>>) target(%dma_start3A_13 : memref<32x512xf32, #tpu.memory_space<hbm>>) target_semaphore(%run_scoped3A : memref<!tpu.dma_semaphore, #tpu.memory_space<semaphore_mem>>)
      %dma_wait3A = arith.constant 0 : i32
      %dma_wait3A_14 = tpu.memref_slice %arg6[%dma_wait3A, %mul3A_2] : memref<32x16384xf32, #tpu.memory_space<hbm>> -> memref<32x512xf32, #tpu.memory_space<hbm>>
      %dma_wait3A_15 = arith.constant 0 : i32
      %dma_wait3A_16 = tpu.memref_slice %arg6[%dma_wait3A_15, %mul3A_2] : memref<32x16384xf32, #tpu.memory_space<hbm>> -> memref<32x512xf32, #tpu.memory_space<hbm>>
      tpu.wait_dma2 semaphore(%run_scoped3A : memref<!tpu.dma_semaphore, #tpu.memory_space<semaphore_mem>>) src(%arg11 : memref<32x512xf32, #tpu.memory_space<vmem>>) dst(%dma_wait3A_16 : memref<32x512xf32, #tpu.memory_space<hbm>>)
      tpu.yield
    }) : () -> ()
    return
  }
}

</mosaic_0001>

<sc_bundles>
// kernel: _gmf.3.cloned.1.call-start
scs
__scs_entry_jumppad:
0x0: {  	(pc) =	sbr.rel $0x88, $3  }
0x1: {  	(tag) =	ssettag $0x0;
	lr =	simm.s32 $0x1  }
0x2: {  	[smem:$0x3F9D] =	sst lr;
	_ =	strace $0xD0000000  }
0x3: {  	_ = 	snop  }
0x4: {  	_ = 	snop  }
0x5: {  	_ = 	snop  }
0x6: {  	_ = 	snop  }
0x7: {  	_ = 	snop  }
__scs_overlays_trampoline_lowered:
0x8: {  	[smem:$0x3FAC] =	sst s0  }
0x9: {  	[smem:$0x3FAD] =	sst s1  }
0xa: {  	[smem:$0x3FAE] =	sst s2  }
0xb: {  	[smem:$0x3FAF] =	sst s3  }
0xc: {  	[smem:$0x3FB0] =	sst s4  }
0xd: {  	[smem:$0x3FB1] =	sst s5  }
0xe: {  	[smem:$0x3FB2] =	sst s6  }
0xf: {  	[smem:$0x3FB3] =	sst s7  }
0x10: {  	[smem:$0x3FB4] =	sst s8  }
0x11: {  	[smem:$0x3FB5] =	sst s9;
	s0 =	simm.s32 @!p0 $0x0  }
0x12: {  	s1 =	sld [smem:$0x3F9B];
	s0 =	simm.s32 @p0 $0x1  }
0x13: {  	[smem:$0x3FB6] =	sst s0;
	s0 =	simm.s32 @!p1 $0x0  }
0x14: {  	s2 =	sld [smem:$0x3F9A];
	s0 =	simm.s32 @p1 $0x1  }
0x15: {  	[smem:$0x3FB7] =	sst s0;
	s0 =	simm.s32 @!p2 $0x0  }
0x16: {  	s3 =	sld [smem:$0x3FDB];
	s0 =	simm.s32 @p2 $0x1  }
0x17: {  	s4 =	simm.s32 $0x1BF5;
	[smem:$0x3FB9] =	sst s0  }
0x18: {  	s0 =	sld [smem:$0x3F9C];
	_ =	swait.ge [sflag:s4], $0x0  }
0x19: {  	s7 =	sld [smem:$0x3F9D]  }
0x1a: {  	s8 =	sadd.s32 $0xFFFFE003, lr  }
0x1b: {  	s9 =	sadd.s32 $0xFFFFFEF7, lr;
	s5 =	simm.s32 $0xFFFFFFFF;
	p2 =	slt.u32 s8, $0xFFFFF086  }
0x1c: {  	p1 =	slt.u32 s9, $0xF7A;
	s5 =	simm.s32 @!p2 $0x0  }
0x1d: {  	s5 =	simm.s32 @p1 $0x1;
	p0 =	seq.s32 s7, s2  }
0x1e: {  	s7 =	smul.u32 @!p0 $0xF7A, s2;
	p2 =	seq.s32 @!p0 s5, $0x0  }
0x1f: {  	s9 =	smul.u32 $0xF7A, s1;
	s8 =	simm.s32 @!p0 $0x1BF5;
	p2 =	por !p2, p0  }
0x20: {  	[sflag:s8] =	ssyncset.s32 @!p0 $0xFFFFF086;
	s6 =	sadd.s32 @!p0 s3, s7;
	s7 =	simm.s32 @!p0 $0x108  }
0x21: {  	s3 =	sadd.s32 s3, s9;
	s6 =	sadd.s32 @!p0 $0x88, s6;
	s7 =	simm.s32 @p2 $0x1082  }
0x22: {  	[simem:s7], [sflag:s8] =	dma.local @!p0 [hbm:s6], $0xF7A  }
0x23: {  	s9 =	sor.u32 $0xD0000000, s2;
	s6 =	simm.s32 $0x108;
	_ =	swait.ge @!p0 [sflag:s8], $0x0  }
0x24: {  	s3 =	sadd.s32 $0x88, s3;
	s6 =	simm.s32 @!p1 $0x1082;
	[sflag:s4] =	ssyncset.s32 $0xFFFFF086  }
0x25: {  	[simem:s6], [sflag:s4] =	dma.local [hbm:s3], $0xF7A  }
0x26: {  	[smem:$0x3F9D] =	sst s1;
	(tag) =	ssettag s2;
	_ =	strace s9  }
0x27: {  	s1 =	sld [smem:$0x3FAD]  }
0x28: {  	s2 =	sld [smem:$0x3FAE]  }
0x29: {  	s4 =	sld [smem:$0x3FB0]  }
0x2a: {  	p0 =	seq.s32 s5, $0x0;
	s5 =	sld [smem:$0x3FB1]  }
0x2b: {  	s6 =	sld [smem:$0x3FB2]  }
0x2c: {  	s7 =	sld [smem:$0x3FB3]  }
0x2d: {  	s3 =	simm.s32 $0x108;
	s8 =	sld [smem:$0x3FB4]  }
0x2e: {  	s3 =	simm.s32 @!p0 $0x1082;
	s9 =	sld [smem:$0x3FB5]  }
0x2f: {  	lr =	sadd.s32 s0, s3;
	s0 =	sld [smem:$0x3FAC]  }
0x30: {  	s3 =	sld [smem:$0x3FAF]  }
0x31: {  	[smem:$0x3FB8] =	sst s10  }
0x32: {  	s10 =	sld [smem:$0x3FB6];
	_ =	sdelay $0x3  }
0x33: {  	p0 =	seq.s32 s10, $0x1;
	s10 =	sld [smem:$0x3FB8];
	_ =	sdelay $0x3  }
0x34: {  	[smem:$0x3FB8] =	sst s10  }
0x35: {  	s10 =	sld [smem:$0x3FB7];
	_ =	sdelay $0x3  }
0x36: {  	p1 =	seq.s32 s10, $0x1;
	s10 =	sld [smem:$0x3FB8];
	_ =	sdelay $0x3  }
0x37: {  	[smem:$0x3FB8] =	sst s10  }
0x38: {  	s10 =	sld [smem:$0x3FB9]  }
0x39: {  	_ = 	snop;
	(pc) =	sbr.ind lr, $3  }
0x3a: {  	_ = 	snop  }
0x3b: {  	_ = 	snop  }
0x3c: {  	p2 =	seq.s32 s10, $0x1;
	s10 =	sld [smem:$0x3FB8]  }
0x3d: {  	_ =	shalt  }
0x3e: {  	_ =	shalt  }
0x3f: {  	_ =	shalt  }
0x40: {  	_ =	shalt  }
0x41: {  	_ =	shalt  }
0x42: {  	_ =	shalt  }
0x43: {  	_ =	shalt  }
0x44: {  	_ =	shalt  }
0x45: {  	_ =	shalt  }
0x46: {  	_ =	shalt  }
0x47: {  	_ =	shalt  }
0x48: {  	_ =	shalt  }
0x49: {  	_ =	shalt  }
0x4a: {  	_ =	shalt  }
0x4b: {  	_ =	shalt  }
0x4c: {  	_ =	shalt  }
0x4d: {  	_ =	shalt  }
0x4e: {  	_ =	shalt  }
0x4f: {  	_ =	shalt  }
0x50: {  	_ =	shalt  }
0x51: {  	_ =	shalt  }
0x52: {  	_ =	shalt  }
0x53: {  	_ =	shalt  }
0x54: {  	_ =	shalt  }
0x55: {  	_ =	shalt  }
0x56: {  	_ =	shalt  }
0x57: {  	_ =	shalt  }
0x58: {  	_ =	shalt  }
0x59: {  	_ =	shalt  }
0x5a: {  	_ =	shalt  }
0x5b: {  	_ =	shalt  }
0x5c: {  	_ =	shalt  }
0x5d: {  	_ =	shalt  }
0x5e: {  	_ =	shalt  }
0x5f: {  	_ =	shalt  }
0x60: {  	_ =	shalt  }
0x61: {  	_ =	shalt  }
0x62: {  	_ =	shalt  }
0x63: {  	_ =	shalt  }
0x64: {  	_ =	shalt  }
0x65: {  	_ =	shalt  }
0x66: {  	_ =	shalt  }
0x67: {  	_ =	shalt  }
0x68: {  	_ =	shalt  }
0x69: {  	_ =	shalt  }
0x6a: {  	_ =	shalt  }
0x6b: {  	_ =	shalt  }
0x6c: {  	_ =	shalt  }
0x6d: {  	_ =	shalt  }
0x6e: {  	_ =	shalt  }
0x6f: {  	_ =	shalt  }
0x70: {  	_ =	shalt  }
0x71: {  	_ =	shalt  }
0x72: {  	_ =	shalt  }
0x73: {  	_ =	shalt  }
0x74: {  	_ =	shalt  }
0x75: {  	_ =	shalt  }
0x76: {  	_ =	shalt  }
0x77: {  	_ =	shalt  }
0x78: {  	_ =	shalt  }
0x79: {  	_ =	shalt  }
0x7a: {  	_ =	shalt  }
0x7b: {  	_ =	shalt  }
0x7c: {  	_ =	shalt  }
0x7d: {  	_ =	shalt  }
0x7e: {  	_ =	shalt  }
0x7f: {  	_ =	shalt  }
0x80: {  	_ =	shalt  }
0x81: {  	_ =	shalt  }
0x82: {  	_ =	shalt  }
0x83: {  	_ =	shalt  }
0x84: {  	_ =	shalt  }
0x85: {  	_ =	shalt  }
0x86: {  	_ =	shalt  }
0x87: {  	_ =	shalt  }
.Lfunc_end0:
.L_simem_size_0:
called_computation_lowered:
.L_overlay_start_0:
0x88: {  	s2 =	sld [smem:$0x3FD9]  }
0x89: {  	s3 =	sld [smem:$0x3FFE];
	_ =	sdelay $0x1  }
0x8a: {  	s1 =	srdreg.scid  }
0x8b: {  	s0 =	sand.u32 $0x1, s1  }
0x8c: {  	s18 =	sshll.u32 s0, $0xA;
	s2 =	sadd.s32 s3, s2  }
0x8d: {  	s2 =	sadd.s32 s2, s18  }
0x8e: {  	[smem:$0x3FC4] =	sst s2  }
0x8f: {  	_ = 	snop  }
0x90: {  	s2 =	sld [smem:$0x3FC9]  }
0x91: {  	s19 =	sld [smem:$0x3FC8]  }
0x92: {  	s4 =	sld [smem:$0x3FC7]  }
0x93: {  	s5 =	sld [smem:$0x3FC6]  }
0x94: {  	s6 =	sld [smem:$0x3FD0];
	(tm) =	ssettm $0x1  }
0x95: {  	s7 =	sld [smem:$0x3FFB];
	_ =	sdelay $0x3  }
0x96: {  	_ =	strace s7  }
0x97: {  	s7 =	sld [smem:$0x3FFC];
	_ =	sdelay $0x3  }
0x98: {  	_ =	strace s7  }
0x99: {  	s7 =	sld [smem:$0x3FFD];
	_ =	sdelay $0x3  }
0x9a: {  	_ =	strace s7  }
0x9b: {  	_ =	strace $0x8FFFFFFF  }
0x9c: {  	s20 =	sld [smem:$0x3FDB];
	_ =	sdelay $0x1  }
0x9d: {  	s8 =	simm.s32 $_scs_section_size  }
0x9e: {  	s9 =	simm.s32 $_size__tile_overlayer_lowered;
	s10 =	simm.s32 $_tile_overlayer_lowered  }
0x9f: {  	s23 =	simm.s32 $0x1BFF;
	s22 =	sshll.u32 s10, $0x1;
	s7 =	sadd.s32 s8, s20  }
0xa0: {  	s11 =	simm.s32 $0x0;
	s21 =	sshll.u32 s9, $0x1;
	s9 =	sadd.s32 s22, s7  }
0xa1: {  	[timem:s11], [sflag:s23] =	dma.local [hbm:s9], s21  }
0xa2: {  	_ =	swait.ge [sflag:s23], s21  }
0xa3: {  	s8 =	ssub.s32 $0x0, s21;
	[sflag:s23] =	ssyncset.done $0x0  }
0xa4: {  	[sflag:s23] =	ssyncadd.s32 s8;
	_ =	sdelay $0x1  }
0xa5: {  	s24 =	simm.s32 $0x1B8B  }
0xa6: {  	_ =	swait.ge [sflag:s24], $0x1  }
0xa7: {  	[sflag:s24] =	ssyncset.done $0x0  }
0xa8: {  	s25 =	simm.s32 $0x1B8E;
	[sflag:s24] =	ssyncadd.s32 $0xFFFFFFFF  }
0xa9: {  	s26 =	simm.s32 $execute0_lowered;
	[smem:$0x3FD2] =	sst s25  }
0xaa: {  	s8 =	sshll.u32 s26, $0x1;
	_ =	strace $0x80000046;
	[dreg:$0x1] =	wrdreg $0xFFFFFFFF  }
0xab: {  	s28 =	simm.s32 $_size_execute0_lowered;
	s7 =	sadd.s32 s7, s8;
	[dreg:$0x0] =	wrdreg $0x0  }
0xac: {  	s8 =	sshll.u32 s28, $0x1;
	[dreg:$0x2] =	wrdreg s7  }
0xad: {  	[dreg:$0x3] =	wrdreg s8  }
0xae: {  	[dreg:$0x4] =	wrdreg $0xC0  }
0xaf: {  	_ =	task [dreg:s11], $0x5FFFF  }
0xb0: {  	[dreg:$0x1] =	wrdreg $0xFFFFFFFF  }
0xb1: {  	[dreg:$0x0] =	wrdreg $0x60  }
0xb2: {  	[dreg:$0x2] =	wrdreg s2  }
0xb3: {  	[dreg:$0x3] =	wrdreg s19  }
0xb4: {  	[dreg:$0x4] =	wrdreg s4  }
0xb5: {  	[dreg:$0x5] =	wrdreg s5  }
0xb6: {  	[dreg:$0x6] =	wrdreg s6  }
0xb7: {  	[dreg:$0x7] =	wrdreg $0x9  }
0xb8: {  	_ =	task.clear_ibuf [dreg:s11], $0x8FFFF;
	_ =	strace $0x90000046  }
0xb9: {  	s29 =	simm.s32 $0x9;
	_ =	strace $0x80000048  }
0xba: {  	_ =	swait.ge [sflag:s29], $0x1  }
0xbb: {  	[sflag:s29] =	ssyncadd.s32 $0xFFFFFFFF  }
0xbc: {  	_ =	strace $0x90000048  }
0xbd: {  	_ =	sfence  }
0xbe: {  	s30 =	sld [smem:$0x0];
	_ =	sdelay $0x2  }
0xbf: {  	s31 =	sshll.u32 s1, $0xD;
	s1 =	sshrl.u32 s1, $0x2  }
0xc0: {  	s3 =	sand.u32 $0x4000, s31;
	s1 =	sadd.s32 s1, s30  }
0xc1: {  	s0 =	sor.u32 s3, s0;
	s1 =	sshll.u32 s1, $0x11  }
0xc2: {  	s0 =	sor.u32 s1, s0  }
0xc3: {  	s0 =	sadd.s32 $0x8F2B, s0  }
0xc4: {  	[sflag:s0] =	ssyncadd.remote.s32 $0x1  }
0xc5: {  	_ =	sfence.sel $0xFFFF  }
0xc6: {  	[dreg:$0x0] =	wrdreg $0xFFFFFFFF;
	(pc) =	sbr.abs _section_cstart, $3  }
0xc7: {  	[dreg:$0x1] =	wrdreg $0xFFFFFFFF  }
0xc8: {  	_ =	task.clear_ibuf [dreg:s11], $0x2FFFF;
	_ =	strace $0x9FFFFFFF  }
0xc9: {  	(tm) =	ssettm $0x7FFFFFFF  }
tec
execute0_lowered:
.L_overlay_start_1:
0x0: {  	(tag) =	ssettag $0x1  }
0x1: {  	v0 =	vlaneseq.u32;
	v1 =	vimm.s32 $0x1380  }
0x2: {  	s0 =	rddreg [dreg:$0x0];
	vm0 =	vcmask $0x300;
	v2 =	vimm.s32 $0x3380;
	vm1 =	vcmask $0x704  }
0x3: {  	s3 =	rddreg [dreg:$0x1];
	vm15 =	vcmask $0xB08;
	v1 =	vsel vm0, $0x0, v1;
	v2 =	vsel vm0, $0x2000, v2  }
0x4: {  	s16 =	rddreg [dreg:$0x2];
	vm4 =	vcmask $0xF0C;
	v1 =	vsel vm1, $0x80, v1;
	v2 =	vsel vm1, $0x2080, v2  }
0x5: {  	s2 =	rddreg [dreg:$0x3];
	vm5 =	vcmask $0x1310;
	v1 =	vsel vm15, $0x100, v1;
	v2 =	vsel vm15, $0x2100, v2  }
0x6: {  	s4 =	rddreg [dreg:$0x4];
	s6 =	simm.s32 $0x0;
	s5 =	srdreg.scid;
	vm6 =	vcmask $0x1714;
	v1 =	vsel vm4, $0x180, v1;
	v2 =	vsel vm4, $0x2180, v2  }
0x7: {  	s7 =	stileid.u32;
	s10 =	simm.s32 $0x7A1400;
	s11 =	simm.s32 $0x400;
	vm7 =	vcmask $0x1B18;
	v1 =	vsel vm5, $0x200, v1;
	v2 =	vsel vm5, $0x2200, v2  }
0x8: {  	s12 =	simm.s32 $0x9400;
	s13 =	simm.s32 $0xA400;
	s14 =	simm.s32 $0x3400;
	vm8 =	vcmask $0x1F1C;
	v1 =	vsel vm6, $0x280, v1;
	v2 =	vsel vm6, $0x2280, v2  }
0x9: {  	s15 =	simm.s32 $0x4400;
	vm9 =	vcmask $0x2320;
	s30 =	simm.s32 $0x10400;
	s1 =	simm.s32 $0x0;
	v1 =	vsel vm7, $0x300, v1;
	v2 =	vsel vm7, $0x2300, v2  }
0xa: {  	vm10 =	vcmask $0x2724;
	[smem:$0x7FF] =	sst s6;
	s5 =	sand.u32 $0x1, s5;
	s7 =	sshll.u32 s7, $0xA;
	v1 =	vsel vm8, $0x380, v1;
	v2 =	vsel vm8, $0x2380, v2  }
0xb: {  	vm11 =	vcmask $0x2B28;
	s25 =	ssub.s32 $0x2, s5;
	s5 =	sshll.u32 s5, $0x9;
	_ =	strace $0x80000047;
	v1 =	vsel vm9, $0x1000, v1;
	v2 =	vsel vm9, $0x3000, v2  }
0xc: {  	vm12 =	vcmask $0x2F2C;
	s8 =	sshrl.u32 s25, $0x1;
	s9 =	sor.u32 s5, s7;
	s4 =	sadd.s32 s4, s5;
	v1 =	vsel vm10, $0x1080, v1;
	v2 =	vsel vm10, $0x3080, v2  }
0xd: {  	vm13 =	vcmask $0x3330;
	s5 =	simm.s32 $0x8400;
	s26 =	sshrl.u32 s9, $0x3;
	s29 =	sadd.s32 s7, s4;
	v1 =	vsel vm11, $0x1100, v1;
	v2 =	vsel vm11, $0x3100, v2  }
0xe: {  	vm14 =	vcmask $0x3734;
	s6 =	ssub.s32 s25, s8;
	s0 =	sadd.s32 s0, s26;
	[dreg:$0x8] =	wrdreg s29;
	v1 =	vsel vm12, $0x1180, v1;
	v2 =	vsel vm12, $0x3180, v2  }
0xf: {  	v0 =	vmul.u32 $0x80, v0;
	s4 =	simm.s32 $0x11;
	s28 =	sadd.s32 s3, s26;
	[dreg:$0x6] =	wrdreg s0;
	v1 =	vsel vm13, $0x1200, v1;
	v2 =	vsel vm13, $0x3200, v2  }
0x10: {  	vm15 =	vcmask $0x3B38;
	s9 =	simm.s32 $0x1400;
	s31 =	smax.u32 s6, $0x1;
	[dreg:$0x7] =	wrdreg s28;
	v3 =	vsel vm14, $0x1280, v1;
	v4 =	vsel vm14, $0x3280, v2  }
0x11: {  	s8 =	simm.s32 $0x2400;
	s6 =	simm.s32 $0xB400;
	[dreg:$0x9] =	wrdreg s31;
	v1 =	vor.u32 $0x800, v0;
	v2 =	vsel vm15, $0x1300, v3;
	v3 =	vsel vm15, $0x3300, v4  }
.LBB2_1:
0x12: {  	[dreg:$0xa] =	wrdreg s1  }
0x13: {  	s0 =	simm.s32 $0x0;
	s3 =	rddreg [dreg:$0x6]  }
0x14: {  	[tilespmem:s0], [sflag:$0x11] =	stream.linear.gather [hbm4b:s3+s0], $0x200, $0x38;
	[tilespmem:$0x14400] =	vst v63  }
0x15: {  	_ =	swait.ge [sflag:s4], $0x200  }
0x16: {  	[sflag:s4] =	ssyncset.done $0x0  }
0x17: {  	s1 =	simm.s32 $0x200;
	s31 =	rddreg [dreg:$0x7];
	[sflag:s4] =	ssyncadd.s32 $0xFFFFFE00  }
0x18: {  	[tilespmem:s1], [sflag:$0x11] =	stream.linear.gather [hbm4b:s31+s0], $0x200, $0x38;
	[tilespmem:$0x14400] =	vst v63  }
0x19: {  	_ =	swait.ge [sflag:s4], $0x200  }
0x1a: {  	[sflag:s4] =	ssyncset.done $0x0  }
0x1b: {  	s19 =	simm.s32 $0x0;
	s0 =	simm.s32 $0x0;
	[sflag:s4] =	ssyncadd.s32 $0xFFFFFE00  }
.LBB2_2:
0x1c: {  	v5 =	vld [tilespmem:s0+$0x0];
	_ =	sdelay $0x4  }
0x1d: {  	v4 =	vld [tilespmem:s1+$0x0];
	(v2sf) =	vpush v5, $0x0;
	_ =	sdelay $0x4  }
0x1e: {  	(v2sf) =	vpush v4, $0x0  }
0x1f: {  	(v2sf) =	vpush v5, $0x1;
	_ =	sdelay $0x3  }
0x20: {  	(v2sf) =	vpush v4, $0x1;
	_ =	sdelay $0x4  }
0x21: {  	s21 =	spop (v2sf);
	(v2sf) =	vpush v5, $0x2  }
0x22: {  	(v2sf) =	vpush v4, $0x2;
	_ =	sdelay $0x3  }
0x23: {  	[dreg:$0xc] =	wrdreg s0;
	s3 =	sand.u32 $0xFFFFF80, s21;
	s23 =	spop (v2sf)  }
0x24: {  	s0 =	sadd.s32 s16, s3;
	s4 =	sand.u32 $0xFFFFF80, s23;
	s24 =	spop (v2sf);
	(v2sf) =	vpush v5, $0x3  }
0x25: {  	[tilespmem:s11], [sflag:$0x1] =	stream.strided.gather [hbm4b:s0+s11], $0x1000, s10, s11, $0x38;
	[tilespmem:$0x14400] =	vst v63  }
0x26: {  	s0 =	sadd.s32 s2, s4  }
0x27: {  	[tilespmem:s5], [sflag:$0x9] =	stream.strided.gather [hbm4b:s0+s11], $0x1000, s10, s11, $0x38;
	[tilespmem:$0x14400] =	vst v63  }
0x28: {  	s25 =	spop (v2sf);
	(v2sf) =	vpush v4, $0x3;
	s5 =	sand.u32 $0xFFFFF80, s24  }
0x29: {  	s7 =	sand.u32 $0xFFFFF80, s25;
	s0 =	sadd.s32 s16, s5  }
0x2a: {  	[tilespmem:s9], [sflag:$0x2] =	stream.strided.gather [hbm4b:s0+s11], $0x1000, s10, s11, $0x38;
	[tilespmem:$0x14400] =	vst v63  }
0x2b: {  	s0 =	sadd.s32 s2, s7  }
0x2c: {  	[tilespmem:s12], [sflag:$0xA] =	stream.strided.gather [hbm4b:s0+s11], $0x1000, s10, s11, $0x38;
	[tilespmem:$0x14400] =	vst v63  }
0x2d: {  	s26 =	spop (v2sf);
	(v2sf) =	vpush v5, $0x4  }
0x2e: {  	s9 =	sand.u32 $0xFFFFF80, s26;
	s28 =	spop (v2sf)  }
0x2f: {  	s0 =	sadd.s32 s16, s9;
	s12 =	sand.u32 $0xFFFFF80, s28  }
0x30: {  	[tilespmem:s8], [sflag:$0x3] =	stream.strided.gather [hbm4b:s0+s11], $0x1000, s10, s11, $0x38;
	[tilespmem:$0x14400] =	vst v63  }
0x31: {  	(v2sf) =	vpush v4, $0x4;
	s0 =	sadd.s32 s2, s12  }
0x32: {  	(v2sf) =	vpush v5, $0x5;
	[tilespmem:s13], [sflag:$0xB] =	stream.strided.gather [hbm4b:s0+s11], $0x1000, s10, s11, $0x38;
	[tilespmem:$0x14400] =	vst v63  }
0x33: {  	s0 =	spop (v2sf)  }
0x34: {  	s3 =	sand.u32 $0xFFFFF80, s0  }
0x35: {  	(v2sf) =	vpush v4, $0x5;
	s3 =	sadd.s32 s16, s3  }
0x36: {  	[tilespmem:s14], [sflag:$0x4] =	stream.strided.gather [hbm4b:s3+s11], $0x1000, s10, s11, $0x38;
	[tilespmem:$0x14400] =	vst v63  }
0x37: {  	s3 =	spop (v2sf);
	(v2sf) =	vpush v5, $0x6;
	_ =	sdelay $0x1  }
0x38: {  	s4 =	sand.u32 $0xFFFFF80, s3  }
0x39: {  	s4 =	sadd.s32 s2, s4  }
0x3a: {  	[tilespmem:s6], [sflag:$0xC] =	stream.strided.gather [hbm4b:s4+s11], $0x1000, s10, s11, $0x38;
	[tilespmem:$0x14400] =	vst v63  }
0x3b: {  	s6 =	spop (v2sf);
	(v2sf) =	vpush v4, $0x6  }
0x3c: {  	s14 =	sand.u32 $0xFFFFF80, s6  }
0x3d: {  	s5 =	sadd.s32 s16, s14  }
0x3e: {  	[tilespmem:s15], [sflag:$0x5] =	stream.strided.gather [hbm4b:s5+s11], $0x1000, s10, s11, $0x38;
	[tilespmem:$0x14400] =	vst v63  }
0x3f: {  	s5 =	spop (v2sf);
	(v2sf) =	vpush v5, $0x7  }
0x40: {  	s7 =	sand.u32 $0xFFFFF80, s5;
	s9 =	spop (v2sf)  }
0x41: {  	s15 =	simm.s32 $0xC400;
	s7 =	sadd.s32 s2, s7;
	s20 =	sand.u32 $0xFFFFF80, s9  }
0x42: {  	[tilespmem:s15], [sflag:$0xD] =	stream.strided.gather [hbm4b:s7+s11], $0x1000, s10, s11, $0x38;
	[tilespmem:$0x14400] =	vst v63  }
0x43: {  	s22 =	simm.s32 $0x5400;
	s20 =	sadd.s32 s16, s20;
	s7 =	spop (v2sf);
	(v2sf) =	vpush v4, $0x7  }
0x44: {  	[tilespmem:s22], [sflag:$0x6] =	stream.strided.gather [hbm4b:s20+s11], $0x1000, s10, s11, $0x38;
	[tilespmem:$0x14400] =	vst v63  }
0x45: {  	s14 =	sand.u32 $0xFFFFF80, s7;
	s15 =	spop (v2sf)  }
0x46: {  	s20 =	sadd.s32 s2, s14;
	s22 =	simm.s32 $0xD400;
	s14 =	sand.u32 $0xFFFFF80, s15  }
0x47: {  	[tilespmem:s22], [sflag:$0xE] =	stream.strided.gather [hbm4b:s20+s11], $0x1000, s10, s11, $0x38;
	[tilespmem:$0x14400] =	vst v63  }
0x48: {  	s20 =	sadd.s32 s16, s14;
	s22 =	simm.s32 $0x6400  }
0x49: {  	[tilespmem:s22], [sflag:$0x7] =	stream.strided.gather [hbm4b:s20+s11], $0x1000, s10, s11, $0x38;
	[tilespmem:$0x14400] =	vst v63  }
0x4a: {  	[dreg:$0xd] =	wrdreg s15;
	s15 =	spop (v2sf)  }
0x4b: {  	[dreg:$0xe] =	wrdreg s15;
	s15 =	sand.u32 $0xFFFFF80, s15  }
0x4c: {  	s22 =	simm.s32 $0xE400;
	s20 =	sadd.s32 s2, s15  }
0x4d: {  	[tilespmem:s22], [sflag:$0xF] =	stream.strided.gather [hbm4b:s20+s11], $0x1000, s10, s11, $0x38;
	[tilespmem:$0x14400] =	vst v63  }
0x4e: {  	s20 =	spop (v2sf)  }
0x4f: {  	s22 =	sand.u32 $0xFFFFF80, s20  }
0x50: {  	s14 =	simm.s32 $0x7400;
	s22 =	sadd.s32 s16, s22  }
0x51: {  	[tilespmem:s14], [sflag:$0x8] =	stream.strided.gather [hbm4b:s22+s11], $0x1000, s10, s11, $0x38;
	[tilespmem:$0x14400] =	vst v63  }
0x52: {  	s22 =	spop (v2sf)  }
0x53: {  	[dreg:$0xb] =	wrdreg s1;
	s15 =	sand.u32 $0xFFFFF80, s22  }
0x54: {  	s1 =	simm.s32 $0x1;
	s8 =	sadd.s32 s2, s15;
	s15 =	simm.s32 $0xF400  }
0x55: {  	[tilespmem:s15], [sflag:$0x10] =	stream.strided.gather [hbm4b:s8+s11], $0x1000, s10, s11, $0x38;
	[tilespmem:$0x14400] =	vst v63  }
0x56: {  	_ =	swait.ge [sflag:s1], $0x1000  }
0x57: {  	[sflag:s1] =	ssyncset.done $0x0  }
0x58: {  	s17 =	simm.s32 $0x9;
	[sflag:s1] =	ssyncadd.s32 $0xFFFFF000  }
0x59: {  	_ =	swait.ge [sflag:s17], $0x1000  }
0x5a: {  	(v2sf) =	vpush v5, $0x8  }
0x5b: {  	s15 =	sand.u32 $0x7F, s23;
	(v2sf) =	vpush v4, $0x8  }
0x5c: {  	v8 =	vor.u32 s15, v0  }
0x5d: {  	v9 =	vor.u32 s15, v1;
	s1 =	sand.u32 $0x7F, s21  }
0x5e: {  	v6 =	vor.u32 s1, v0  }
0x5f: {  	v7 =	vor.u32 s1, v1;
	[sflag:s17] =	ssyncset.done $0x0  }
0x60: {  	s21 =	simm.s32 $0x8400;
	[sflag:s17] =	ssyncadd.s32 $0xFFFFF000  }
0x61: {  	v10 =	vmov s19;
	s23 =	simm.s32 $0x8400;
	v8 =	vld.idx.msk [tilespmem:v8+s21+$0x0], $0xffff  }
0x62: {  	v11 =	vshll.u32 v10, $0x3;
	v9 =	vld.idx.msk [tilespmem:v9+s23+$0x0], $0xffff  }
0x63: {  	v10 =	vand.u32 $0x70, v10;
	v11 =	vand.u32 $0xC00, v11;
	v6 =	vld.idx.msk [tilespmem:v6+s11+$0x0], $0xffff  }
0x64: {  	v10 =	vor.u32 v10, v11;
	v7 =	vld.idx.msk [tilespmem:v7+s11+$0x0], $0xffff  }
0x65: {  	v11 =	vor.u32 v2, v10  }
0x66: {  	v10 =	vor.u32 v3, v10;
	_ =	sdelay $0x1  }
0x67: {  	v6 =	vmul.f32 v8, v6  }
0x68: {  	v7 =	vmul.f32 v9, v7;
	s21 =	spop (v2sf)  }
0x69: {  	[tilespmem:v11+s30+$0x0] =	vst.idx.msk $0xffff, v6;
	s1 =	sand.u32 $0xFFFFF80, s21;
	s23 =	spop (v2sf)  }
0x6a: {  	[tilespmem:v10+s30+$0x0] =	vst.idx.msk $0xffff, v7;
	s8 =	sadd.s32 s16, s1;
	s15 =	sand.u32 $0xFFFFF80, s23  }
0x6b: {  	[tilespmem:s11], [sflag:$0x1] =	stream.strided.gather [hbm4b:s8+s11], $0x1000, s10, s11, $0x38;
	[tilespmem:$0x14400] =	vst v63  }
0x6c: {  	s17 =	simm.s32 $0x2;
	s1 =	simm.s32 $0x8400;
	s8 =	sadd.s32 s2, s15  }
0x6d: {  	[tilespmem:s1], [sflag:$0x9] =	stream.strided.gather [hbm4b:s8+s11], $0x1000, s10, s11, $0x38;
	[tilespmem:$0x14400] =	vst v63  }
0x6e: {  	_ =	swait.ge [sflag:s17], $0x1000  }
0x6f: {  	[sflag:s17] =	ssyncset.done $0x0  }
0x70: {  	s18 =	simm.s32 $0xA;
	[sflag:s17] =	ssyncadd.s32 $0xFFFFF000  }
0x71: {  	_ =	swait.ge [sflag:s18], $0x1000  }
0x72: {  	(v2sf) =	vpush v5, $0x9  }
0x73: {  	s1 =	sand.u32 $0x7F, s24;
	(v2sf) =	vpush v4, $0x9  }
0x74: {  	v44 =	vor.u32 s1, v0  }
0x75: {  	s15 =	sand.u32 $0x7F, s25;
	v45 =	vor.u32 s1, v1  }
0x76: {  	v46 =	vor.u32 s15, v0  }
0x77: {  	v47 =	vor.u32 s15, v1;
	[sflag:s18] =	ssyncset.done $0x0  }
0x78: {  	s12 =	simm.s32 $0x1400;
	s25 =	sadd.s32 $0x1, s19;
	[sflag:s18] =	ssyncadd.s32 $0xFFFFF000  }
0x79: {  	v48 =	vmov s25;
	v6 =	vld.idx.msk [tilespmem:v44+s12+$0x0], $0xffff  }
0x7a: {  	s13 =	simm.s32 $0x9400;
	v49 =	vshll.u32 v48, $0x3;
	v7 =	vld.idx.msk [tilespmem:v45+s12+$0x0], $0xffff  }
0x7b: {  	v10 =	vand.u32 $0x71, v48;
	v11 =	vand.u32 $0xC00, v49;
	v8 =	vld.idx.msk [tilespmem:v46+s13+$0x0], $0xffff  }
0x7c: {  	v10 =	vor.u32 v10, v11;
	v9 =	vld.idx.msk [tilespmem:v47+s13+$0x0], $0xffff  }
0x7d: {  	v11 =	vor.u32 v2, v10  }
0x7e: {  	v10 =	vor.u32 v3, v10;
	_ =	sdelay $0x1  }
0x7f: {  	v6 =	vmul.f32 v8, v6  }
0x80: {  	v7 =	vmul.f32 v9, v7;
	s24 =	spop (v2sf)  }
0x81: {  	[tilespmem:v11+s30+$0x0] =	vst.idx.msk $0xffff, v6;
	s1 =	sand.u32 $0xFFFFF80, s24;
	s25 =	spop (v2sf)  }
0x82: {  	[tilespmem:v10+s30+$0x0] =	vst.idx.msk $0xffff, v7;
	s8 =	sadd.s32 s16, s1;
	s15 =	sand.u32 $0xFFFFF80, s25  }
0x83: {  	[tilespmem:s12], [sflag:$0x2] =	stream.strided.gather [hbm4b:s8+s11], $0x1000, s10, s11, $0x38;
	[tilespmem:$0x14400] =	vst v63  }
0x84: {  	s18 =	simm.s32 $0x3;
	s12 =	simm.s32 $0x9400;
	s8 =	sadd.s32 s2, s15  }
0x85: {  	[tilespmem:s12], [sflag:$0xA] =	stream.strided.gather [hbm4b:s8+s11], $0x1000, s10, s11, $0x38;
	[tilespmem:$0x14400] =	vst v63  }
0x86: {  	_ =	swait.ge [sflag:s18], $0x1000  }
0x87: {  	[sflag:s18] =	ssyncset.done $0x0  }
0x88: {  	s4 =	simm.s32 $0xB;
	[sflag:s18] =	ssyncadd.s32 $0xFFFFF000  }
0x89: {  	_ =	swait.ge [sflag:s4], $0x1000  }
0x8a: {  	(v2sf) =	vpush v5, $0xA  }
0x8b: {  	s1 =	sand.u32 $0x7F, s26;
	(v2sf) =	vpush v4, $0xA  }
0x8c: {  	v50 =	vor.u32 s1, v0  }
0x8d: {  	s15 =	sand.u32 $0x7F, s28;
	v51 =	vor.u32 s1, v1  }
0x8e: {  	v52 =	vor.u32 s15, v0  }
0x8f: {  	v53 =	vor.u32 s15, v1;
	[sflag:s4] =	ssyncset.done $0x0  }
0x90: {  	s14 =	simm.s32 $0x2400;
	s28 =	sadd.s32 $0x2, s19;
	[sflag:s4] =	ssyncadd.s32 $0xFFFFF000  }
0x91: {  	v54 =	vmov s28;
	v6 =	vld.idx.msk [tilespmem:v50+s14+$0x0], $0xffff  }
0x92: {  	s13 =	simm.s32 $0xA400;
	v55 =	vshll.u32 v54, $0x3;
	v7 =	vld.idx.msk [tilespmem:v51+s14+$0x0], $0xffff  }
0x93: {  	v10 =	vand.u32 $0x72, v54;
	v11 =	vand.u32 $0xC00, v55;
	v8 =	vld.idx.msk [tilespmem:v52+s13+$0x0], $0xffff  }
0x94: {  	v10 =	vor.u32 v10, v11;
	v9 =	vld.idx.msk [tilespmem:v53+s13+$0x0], $0xffff  }
0x95: {  	v11 =	vor.u32 v2, v10  }
0x96: {  	v10 =	vor.u32 v3, v10;
	_ =	sdelay $0x1  }
0x97: {  	v6 =	vmul.f32 v8, v6  }
0x98: {  	v7 =	vmul.f32 v9, v7;
	s26 =	spop (v2sf)  }
0x99: {  	[tilespmem:v11+s30+$0x0] =	vst.idx.msk $0xffff, v6;
	s1 =	sand.u32 $0xFFFFF80, s26;
	s28 =	spop (v2sf)  }
0x9a: {  	[tilespmem:v10+s30+$0x0] =	vst.idx.msk $0xffff, v7;
	s8 =	sadd.s32 s16, s1;
	s4 =	sand.u32 $0xFFFFF80, s28  }
0x9b: {  	[tilespmem:s14], [sflag:$0x3] =	stream.strided.gather [hbm4b:s8+s11], $0x1000, s10, s11, $0x38;
	[tilespmem:$0x14400] =	vst v63  }
0x9c: {  	s29 =	simm.s32 $0x4;
	s8 =	sadd.s32 s2, s4  }
0x9d: {  	[tilespmem:s13], [sflag:$0xB] =	stream.strided.gather [hbm4b:s8+s11], $0x1000, s10, s11, $0x38;
	[tilespmem:$0x14400] =	vst v63  }
0x9e: {  	_ =	swait.ge [sflag:s29], $0x1000  }
0x9f: {  	[sflag:s29] =	ssyncset.done $0x0  }
0xa0: {  	s31 =	simm.s32 $0xC;
	[sflag:s29] =	ssyncadd.s32 $0xFFFFF000  }
0xa1: {  	_ =	swait.ge [sflag:s31], $0x1000  }
0xa2: {  	(v2sf) =	vpush v5, $0xB  }
0xa3: {  	s0 =	sand.u32 $0x7F, s0  }
0xa4: {  	v56 =	vor.u32 s0, v0  }
0xa5: {  	v57 =	vor.u32 s0, v1;
	s3 =	sand.u32 $0x7F, s3  }
0xa6: {  	v58 =	vor.u32 s3, v0;
	(v2sf) =	vpush v4, $0xB  }
0xa7: {  	v59 =	vor.u32 s3, v1;
	[sflag:s31] =	ssyncset.done $0x0  }
0xa8: {  	s14 =	simm.s32 $0x3400;
	s8 =	sadd.s32 $0x3, s19;
	[sflag:s31] =	ssyncadd.s32 $0xFFFFF000  }
0xa9: {  	v60 =	vmov s8;
	v6 =	vld.idx.msk [tilespmem:v56+s14+$0x0], $0xffff  }
0xaa: {  	s15 =	simm.s32 $0xB400;
	v61 =	vshll.u32 v60, $0x3;
	v7 =	vld.idx.msk [tilespmem:v57+s14+$0x0], $0xffff  }
0xab: {  	v10 =	vand.u32 $0x73, v60;
	v11 =	vand.u32 $0xC00, v61;
	s29 =	simm.s32 $0xB400;
	v8 =	vld.idx.msk [tilespmem:v58+s15+$0x0], $0xffff  }
0xac: {  	v10 =	vor.u32 v10, v11;
	v9 =	vld.idx.msk [tilespmem:v59+s29+$0x0], $0xffff  }
0xad: {  	v11 =	vor.u32 v2, v10  }
0xae: {  	v10 =	vor.u32 v3, v10;
	_ =	sdelay $0x1  }
0xaf: {  	v6 =	vmul.f32 v8, v6  }
0xb0: {  	v7 =	vmul.f32 v9, v7;
	s0 =	spop (v2sf)  }
0xb1: {  	[tilespmem:v11+s30+$0x0] =	vst.idx.msk $0xffff, v6;
	s31 =	sand.u32 $0xFFFFF80, s0  }
0xb2: {  	[tilespmem:v10+s30+$0x0] =	vst.idx.msk $0xffff, v7;
	s3 =	sadd.s32 s16, s31  }
0xb3: {  	[tilespmem:s14], [sflag:$0x4] =	stream.strided.gather [hbm4b:s3+s11], $0x1000, s10, s11, $0x38;
	[tilespmem:$0x14400] =	vst v63  }
0xb4: {  	s3 =	spop (v2sf)  }
0xb5: {  	s1 =	sand.u32 $0xFFFFF80, s3  }
0xb6: {  	s4 =	simm.s32 $0xB400;
	s15 =	simm.s32 $0x5;
	s8 =	sadd.s32 s2, s1  }
0xb7: {  	[tilespmem:s4], [sflag:$0xC] =	stream.strided.gather [hbm4b:s8+s11], $0x1000, s10, s11, $0x38;
	[tilespmem:$0x14400] =	vst v63  }
0xb8: {  	s29 =	simm.s32 $0x5;
	_ =	swait.ge [sflag:s15], $0x1000  }
0xb9: {  	s31 =	simm.s32 $0x5;
	[sflag:s29] =	ssyncset.done $0x0  }
0xba: {  	s4 =	simm.s32 $0xD;
	[sflag:s31] =	ssyncadd.s32 $0xFFFFF000  }
0xbb: {  	_ =	swait.ge [sflag:s4], $0x1000  }
0xbc: {  	(v2sf) =	vpush v5, $0xC  }
0xbd: {  	s8 =	sand.u32 $0x7F, s6  }
0xbe: {  	v62 =	vor.u32 s8, v0  }
0xbf: {  	s5 =	sand.u32 $0x7F, s5;
	v63 =	vor.u32 s8, v1  }
0xc0: {  	v12 =	vor.u32 s5, v0;
	s15 =	simm.s32 $0xD;
	(v2sf) =	vpush v4, $0xC  }
0xc1: {  	v13 =	vor.u32 s5, v1;
	s29 =	simm.s32 $0xD;
	[sflag:s15] =	ssyncset.done $0x0  }
0xc2: {  	s1 =	simm.s32 $0x4400;
	s31 =	sadd.s32 $0x4, s19;
	[sflag:s29] =	ssyncadd.s32 $0xFFFFF000  }
0xc3: {  	s5 =	simm.s32 $0x4400;
	v14 =	vmov s31;
	v6 =	vld.idx.msk [tilespmem:v62+s1+$0x0], $0xffff  }
0xc4: {  	s6 =	simm.s32 $0xC400;
	v15 =	vshll.u32 v14, $0x3;
	v7 =	vld.idx.msk [tilespmem:v63+s5+$0x0], $0xffff  }
0xc5: {  	s8 =	simm.s32 $0xC400;
	v10 =	vand.u32 $0x74, v14;
	v11 =	vand.u32 $0xC00, v15;
	v8 =	vld.idx.msk [tilespmem:v12+s6+$0x0], $0xffff  }
0xc6: {  	v9 =	vld.idx.msk [tilespmem:v13+s8+$0x0], $0xffff;
	v10 =	vor.u32 v10, v11  }
0xc7: {  	v11 =	vor.u32 v2, v10  }
0xc8: {  	v10 =	vor.u32 v3, v10;
	_ =	sdelay $0x1  }
0xc9: {  	v6 =	vmul.f32 v8, v6  }
0xca: {  	v7 =	vmul.f32 v9, v7;
	s4 =	spop (v2sf)  }
0xcb: {  	[tilespmem:v11+s30+$0x0] =	vst.idx.msk $0xffff, v6;
	s15 =	sand.u32 $0xFFFFF80, s4  }
0xcc: {  	s29 =	simm.s32 $0x4400;
	[tilespmem:v10+s30+$0x0] =	vst.idx.msk $0xffff, v7;
	s5 =	sadd.s32 s16, s15  }
0xcd: {  	[tilespmem:s29], [sflag:$0x5] =	stream.strided.gather [hbm4b:s5+s11], $0x1000, s10, s11, $0x38;
	[tilespmem:$0x14400] =	vst v63  }
0xce: {  	s5 =	spop (v2sf)  }
0xcf: {  	s6 =	sand.u32 $0xFFFFF80, s5  }
0xd0: {  	s31 =	simm.s32 $0xC400;
	s8 =	sadd.s32 s2, s6  }
0xd1: {  	[tilespmem:s31], [sflag:$0xD] =	stream.strided.gather [hbm4b:s8+s11], $0x1000, s10, s11, $0x38;
	[tilespmem:$0x14400] =	vst v63  }
0xd2: {  	s8 =	simm.s32 $0x6  }
0xd3: {  	s15 =	simm.s32 $0x6;
	_ =	swait.ge [sflag:s8], $0x1000  }
0xd4: {  	s29 =	simm.s32 $0x6;
	[sflag:s15] =	ssyncset.done $0x0  }
0xd5: {  	s31 =	simm.s32 $0xE;
	[sflag:s29] =	ssyncadd.s32 $0xFFFFF000  }
0xd6: {  	_ =	swait.ge [sflag:s31], $0x1000  }
0xd7: {  	(v2sf) =	vpush v5, $0xD  }
0xd8: {  	s1 =	sand.u32 $0x7F, s9  }
0xd9: {  	v16 =	vor.u32 s1, v0  }
0xda: {  	s7 =	sand.u32 $0x7F, s7;
	v17 =	vor.u32 s1, v1  }
0xdb: {  	v18 =	vor.u32 s7, v0;
	s6 =	simm.s32 $0xE;
	(v2sf) =	vpush v4, $0xD  }
0xdc: {  	v19 =	vor.u32 s7, v1;
	s7 =	simm.s32 $0xE;
	[sflag:s6] =	ssyncset.done $0x0  }
0xdd: {  	s9 =	simm.s32 $0x5400;
	s8 =	sadd.s32 $0x5, s19;
	[sflag:s7] =	ssyncadd.s32 $0xFFFFF000  }
0xde: {  	v20 =	vmov s8;
	s15 =	simm.s32 $0x5400;
	v6 =	vld.idx.msk [tilespmem:v16+s9+$0x0], $0xffff  }
0xdf: {  	v21 =	vshll.u32 v20, $0x3;
	s29 =	simm.s32 $0xD400;
	v7 =	vld.idx.msk [tilespmem:v17+s15+$0x0], $0xffff  }
0xe0: {  	v10 =	vand.u32 $0x75, v20;
	v11 =	vand.u32 $0xC00, v21;
	s31 =	simm.s32 $0xD400;
	v8 =	vld.idx.msk [tilespmem:v18+s29+$0x0], $0xffff  }
0xe1: {  	v10 =	vor.u32 v10, v11;
	v9 =	vld.idx.msk [tilespmem:v19+s31+$0x0], $0xffff  }
0xe2: {  	v11 =	vor.u32 v2, v10  }
0xe3: {  	v10 =	vor.u32 v3, v10;
	_ =	sdelay $0x1  }
0xe4: {  	v6 =	vmul.f32 v8, v6  }
0xe5: {  	v7 =	vmul.f32 v9, v7;
	s6 =	spop (v2sf)  }
0xe6: {  	[tilespmem:v11+s30+$0x0] =	vst.idx.msk $0xffff, v6;
	s1 =	sand.u32 $0xFFFFF80, s6  }
0xe7: {  	s8 =	simm.s32 $0x5400;
	[tilespmem:v10+s30+$0x0] =	vst.idx.msk $0xffff, v7;
	s7 =	sadd.s32 s16, s1  }
0xe8: {  	[tilespmem:s8], [sflag:$0x6] =	stream.strided.gather [hbm4b:s7+s11], $0x1000, s10, s11, $0x38;
	[tilespmem:$0x14400] =	vst v63  }
0xe9: {  	s7 =	spop (v2sf)  }
0xea: {  	s9 =	sand.u32 $0xFFFFF80, s7  }
0xeb: {  	s15 =	simm.s32 $0xD400;
	s29 =	simm.s32 $0x7;
	s8 =	sadd.s32 s2, s9  }
0xec: {  	[tilespmem:s15], [sflag:$0xE] =	stream.strided.gather [hbm4b:s8+s11], $0x1000, s10, s11, $0x38;
	[tilespmem:$0x14400] =	vst v63  }
0xed: {  	s31 =	simm.s32 $0x7;
	_ =	swait.ge [sflag:s29], $0x1000  }
0xee: {  	s9 =	simm.s32 $0x7;
	[sflag:s31] =	ssyncset.done $0x0  }
0xef: {  	s29 =	simm.s32 $0xF;
	[sflag:s9] =	ssyncadd.s32 $0xFFFFF000  }
0xf0: {  	_ =	swait.ge [sflag:s29], $0x1000  }
0xf1: {  	(v2sf) =	vpush v5, $0xE;
	s8 =	rddreg [dreg:$0xd]  }
0xf2: {  	s8 =	sand.u32 $0x7F, s8  }
0xf3: {  	s31 =	rddreg [dreg:$0xe];
	v22 =	vor.u32 s8, v0  }
0xf4: {  	s9 =	sand.u32 $0x7F, s31;
	v23 =	vor.u32 s8, v1  }
0xf5: {  	(v2sf) =	vpush v4, $0xE;
	s31 =	simm.s32 $0xF;
	v24 =	vor.u32 s9, v0  }
0xf6: {  	[sflag:s31] =	ssyncset.done $0x0;
	v25 =	vor.u32 s9, v1;
	s9 =	simm.s32 $0xF  }
0xf7: {  	s29 =	sadd.s32 $0x6, s19;
	s31 =	simm.s32 $0x6400;
	[sflag:s9] =	ssyncadd.s32 $0xFFFFF000  }
0xf8: {  	v26 =	vmov s29;
	s9 =	simm.s32 $0x6400;
	v6 =	vld.idx.msk [tilespmem:v22+s31+$0x0], $0xffff  }
0xf9: {  	s29 =	simm.s32 $0xE400;
	v27 =	vshll.u32 v26, $0x3;
	v7 =	vld.idx.msk [tilespmem:v23+s9+$0x0], $0xffff  }
0xfa: {  	v10 =	vand.u32 $0x76, v26;
	v11 =	vand.u32 $0xC00, v27;
	v8 =	vld.idx.msk [tilespmem:v24+s29+$0x0], $0xffff;
	s31 =	simm.s32 $0xE400  }
0xfb: {  	v10 =	vor.u32 v10, v11;
	v9 =	vld.idx.msk [tilespmem:v25+s31+$0x0], $0xffff  }
0xfc: {  	v11 =	vor.u32 v2, v10  }
0xfd: {  	v10 =	vor.u32 v3, v10;
	_ =	sdelay $0x1  }
0xfe: {  	v6 =	vmul.f32 v8, v6  }
0xff: {  	v7 =	vmul.f32 v9, v7;
	s29 =	spop (v2sf)  }
0x100: {  	[tilespmem:v11+s30+$0x0] =	vst.idx.msk $0xffff, v6;
	s9 =	sand.u32 $0xFFFFF80, s29  }
0x101: {  	s31 =	simm.s32 $0x6400;
	[tilespmem:v10+s30+$0x0] =	vst.idx.msk $0xffff, v7;
	s8 =	sadd.s32 s16, s9  }
0x102: {  	[tilespmem:s31], [sflag:$0x7] =	stream.strided.gather [hbm4b:s8+s11], $0x1000, s10, s11, $0x38;
	[tilespmem:$0x14400] =	vst v63  }
0x103: {  	s31 =	spop (v2sf)  }
0x104: {  	s9 =	sand.u32 $0xFFFFF80, s31  }
0x105: {  	s8 =	sadd.s32 s2, s9;
	s9 =	simm.s32 $0xE400  }
0x106: {  	[tilespmem:s9], [sflag:$0xF] =	stream.strided.gather [hbm4b:s8+s11], $0x1000, s10, s11, $0x38;
	[tilespmem:$0x14400] =	vst v63  }
0x107: {  	s9 =	simm.s32 $0x8  }
0x108: {  	_ =	swait.ge [sflag:s9], $0x1000;
	s9 =	simm.s32 $0x8  }
0x109: {  	[sflag:s9] =	ssyncset.done $0x0;
	s9 =	simm.s32 $0x8  }
0x10a: {  	[sflag:s9] =	ssyncadd.s32 $0xFFFFF000;
	s9 =	simm.s32 $0x10  }
0x10b: {  	_ =	swait.ge [sflag:s9], $0x1000  }
0x10c: {  	(v2sf) =	vpush v5, $0xF  }
0x10d: {  	s20 =	sand.u32 $0x7F, s20  }
0x10e: {  	v28 =	vor.u32 s20, v1  }
0x10f: {  	s9 =	sand.u32 $0x7F, s22;
	v5 =	vor.u32 s20, v0  }
0x110: {  	s22 =	simm.s32 $0x10;
	v29 =	vor.u32 s9, v0;
	(v2sf) =	vpush v4, $0xF  }
0x111: {  	[sflag:s22] =	ssyncset.done $0x0;
	v4 =	vor.u32 s9, v1;
	s9 =	simm.s32 $0x10  }
0x112: {  	s20 =	sadd.s32 $0x7, s19;
	[sflag:s9] =	ssyncadd.s32 $0xFFFFF000;
	s9 =	simm.s32 $0x7400  }
0x113: {  	s22 =	simm.s32 $0x7400;
	v30 =	vmov s20;
	v6 =	vld.idx.msk [tilespmem:v28+s9+$0x0], $0xffff  }
0x114: {  	s20 =	simm.s32 $0xF400;
	v31 =	vshll.u32 v30, $0x3;
	v5 =	vld.idx.msk [tilespmem:v5+s22+$0x0], $0xffff  }
0x115: {  	v8 =	vand.u32 $0x77, v30;
	v9 =	vand.u32 $0xC00, v31;
	v7 =	vld.idx.msk [tilespmem:v29+s20+$0x0], $0xffff;
	s22 =	simm.s32 $0xF400  }
0x116: {  	v8 =	vor.u32 v8, v9;
	v4 =	vld.idx.msk [tilespmem:v4+s22+$0x0], $0xffff  }
0x117: {  	v9 =	vor.u32 v2, v8  }
0x118: {  	v8 =	vor.u32 v3, v8;
	_ =	sdelay $0x1  }
0x119: {  	v5 =	vmul.f32 v7, v5  }
0x11a: {  	v4 =	vmul.f32 v4, v6;
	s20 =	spop (v2sf)  }
0x11b: {  	[tilespmem:v9+s30+$0x0] =	vst.idx.msk $0xffff, v5;
	s9 =	sand.u32 $0xFFFFF80, s20  }
0x11c: {  	s22 =	simm.s32 $0x7400;
	[tilespmem:v8+s30+$0x0] =	vst.idx.msk $0xffff, v4;
	s8 =	sadd.s32 s16, s9  }
0x11d: {  	[tilespmem:s22], [sflag:$0x8] =	stream.strided.gather [hbm4b:s8+s11], $0x1000, s10, s11, $0x38;
	[tilespmem:$0x14400] =	vst v63  }
0x11e: {  	s22 =	spop (v2sf)  }
0x11f: {  	s9 =	sand.u32 $0xFFFFF80, s22  }
0x120: {  	s15 =	simm.s32 $0x1;
	s8 =	sadd.s32 s2, s9;
	s9 =	simm.s32 $0xF400  }
0x121: {  	[tilespmem:s9], [sflag:$0x10] =	stream.strided.gather [hbm4b:s8+s11], $0x1000, s10, s11, $0x38;
	[tilespmem:$0x14400] =	vst v63  }
0x122: {  	s21 =	sand.u32 $0x7F, s21;
	_ =	swait.ge [sflag:s15], $0x1000  }
0x123: {  	v4 =	vor.u32 s21, v0;
	[sflag:s15] =	ssyncset.done $0x0  }
0x124: {  	s1 =	simm.s32 $0x9;
	v5 =	vor.u32 s21, v1;
	s9 =	sand.u32 $0x7F, s23;
	[sflag:s15] =	ssyncadd.s32 $0xFFFFF000  }
0x125: {  	v32 =	vor.u32 s9, v0;
	_ =	swait.ge [sflag:s1], $0x1000  }
0x126: {  	v33 =	vor.u32 s9, v1;
	[sflag:s1] =	ssyncset.done $0x0  }
0x127: {  	s15 =	sadd.s32 $0x8, s19;
	[sflag:s1] =	ssyncadd.s32 $0xFFFFF000  }
0x128: {  	v34 =	vmov s15;
	v4 =	vld.idx.msk [tilespmem:v4+s11+$0x0], $0xffff  }
0x129: {  	s21 =	simm.s32 $0x8400;
	v35 =	vshll.u32 v34, $0x3;
	v5 =	vld.idx.msk [tilespmem:v5+s11+$0x0], $0xffff  }
0x12a: {  	s23 =	simm.s32 $0x8400;
	v8 =	vand.u32 $0x78, v34;
	v9 =	vand.u32 $0xC00, v35;
	v6 =	vld.idx.msk [tilespmem:v32+s21+$0x0], $0xffff  }
0x12b: {  	v7 =	vld.idx.msk [tilespmem:v33+s23+$0x0], $0xffff;
	v8 =	vor.u32 v8, v9  }
0x12c: {  	v9 =	vor.u32 v2, v8  }
0x12d: {  	v8 =	vor.u32 v3, v8;
	_ =	sdelay $0x1  }
0x12e: {  	v4 =	vmul.f32 v6, v4  }
0x12f: {  	v5 =	vmul.f32 v7, v5  }
0x130: {  	[tilespmem:v9+s30+$0x0] =	vst.idx.msk $0xffff, v4  }
0x131: {  	[tilespmem:v8+s30+$0x0] =	vst.idx.msk $0xffff, v5  }
0x132: {  	s24 =	sand.u32 $0x7F, s24;
	_ =	swait.ge [sflag:s17], $0x1000  }
0x133: {  	v4 =	vor.u32 s24, v0;
	[sflag:s17] =	ssyncset.done $0x0  }
0x134: {  	s25 =	sand.u32 $0x7F, s25;
	s1 =	simm.s32 $0xA;
	v5 =	vor.u32 s24, v1;
	[sflag:s17] =	ssyncadd.s32 $0xFFFFF000  }
0x135: {  	v36 =	vor.u32 s25, v0;
	_ =	swait.ge [sflag:s1], $0x1000  }
0x136: {  	v37 =	vor.u32 s25, v1;
	[sflag:s1] =	ssyncset.done $0x0  }
0x137: {  	s9 =	simm.s32 $0x1400;
	s17 =	sadd.s32 $0x9, s19;
	[sflag:s1] =	ssyncadd.s32 $0xFFFFF000  }
0x138: {  	v38 =	vmov s17;
	v4 =	vld.idx.msk [tilespmem:v4+s9+$0x0], $0xffff  }
0x139: {  	v39 =	vshll.u32 v38, $0x3;
	v5 =	vld.idx.msk [tilespmem:v5+s9+$0x0], $0xffff  }
0x13a: {  	v8 =	vand.u32 $0x79, v38;
	v9 =	vand.u32 $0xC00, v39;
	v6 =	vld.idx.msk [tilespmem:v36+s12+$0x0], $0xffff  }
0x13b: {  	v7 =	vld.idx.msk [tilespmem:v37+s12+$0x0], $0xffff;
	v8 =	vor.u32 v8, v9  }
0x13c: {  	v9 =	vor.u32 v2, v8  }
0x13d: {  	v8 =	vor.u32 v3, v8;
	_ =	sdelay $0x1  }
0x13e: {  	v4 =	vmul.f32 v6, v4  }
0x13f: {  	v5 =	vmul.f32 v7, v5  }
0x140: {  	[tilespmem:v9+s30+$0x0] =	vst.idx.msk $0xffff, v4  }
0x141: {  	[tilespmem:v8+s30+$0x0] =	vst.idx.msk $0xffff, v5  }
0x142: {  	s21 =	sand.u32 $0x7F, s26;
	_ =	swait.ge [sflag:s18], $0x1000  }
0x143: {  	v4 =	vor.u32 s21, v0;
	[sflag:s18] =	ssyncset.done $0x0  }
0x144: {  	s15 =	simm.s32 $0xB;
	s23 =	sand.u32 $0x7F, s28;
	v5 =	vor.u32 s21, v1;
	[sflag:s18] =	ssyncadd.s32 $0xFFFFF000  }
0x145: {  	v40 =	vor.u32 s23, v0;
	_ =	swait.ge [sflag:s15], $0x1000  }
0x146: {  	v41 =	vor.u32 s23, v1;
	[sflag:s15] =	ssyncset.done $0x0  }
0x147: {  	s25 =	sadd.s32 $0xA, s19;
	s8 =	simm.s32 $0x2400;
	[sflag:s15] =	ssyncadd.s32 $0xFFFFF000  }
0x148: {  	v42 =	vmov s25;
	v4 =	vld.idx.msk [tilespmem:v4+s8+$0x0], $0xffff  }
0x149: {  	v43 =	vshll.u32 v42, $0x3;
	v5 =	vld.idx.msk [tilespmem:v5+s8+$0x0], $0xffff  }
0x14a: {  	v9 =	vand.u32 $0xC00, v43;
	v8 =	vand.u32 $0x7A, v42;
	v6 =	vld.idx.msk [tilespmem:v40+s13+$0x0], $0xffff  }
0x14b: {  	v8 =	vor.u32 v8, v9;
	v7 =	vld.idx.msk [tilespmem:v41+s13+$0x0], $0xffff  }
0x14c: {  	v9 =	vor.u32 v2, v8  }
0x14d: {  	v8 =	vor.u32 v3, v8;
	_ =	sdelay $0x1  }
0x14e: {  	v4 =	vmul.f32 v6, v4  }
0x14f: {  	v5 =	vmul.f32 v7, v5  }
0x150: {  	[tilespmem:v9+s30+$0x0] =	vst.idx.msk $0xffff, v4  }
0x151: {  	s24 =	simm.s32 $0x4;
	[tilespmem:v8+s30+$0x0] =	vst.idx.msk $0xffff, v5  }
0x152: {  	s0 =	sand.u32 $0x7F, s0;
	_ =	swait.ge [sflag:s24], $0x1000  }
0x153: {  	v4 =	vor.u32 s0, v0;
	[sflag:s24] =	ssyncset.done $0x0  }
0x154: {  	s26 =	simm.s32 $0xC;
	s28 =	sand.u32 $0x7F, s3;
	v5 =	vor.u32 s0, v1;
	[sflag:s24] =	ssyncadd.s32 $0xFFFFF000  }
0x155: {  	v44 =	vor.u32 s28, v0;
	_ =	swait.ge [sflag:s26], $0x1000  }
0x156: {  	v45 =	vor.u32 s28, v1;
	[sflag:s26] =	ssyncset.done $0x0  }
0x157: {  	s17 =	sadd.s32 $0xB, s19;
	[sflag:s26] =	ssyncadd.s32 $0xFFFFF000  }
0x158: {  	v46 =	vmov s17;
	v4 =	vld.idx.msk [tilespmem:v4+s14+$0x0], $0xffff  }
0x159: {  	v47 =	vshll.u32 v46, $0x3;
	s18 =	simm.s32 $0xB400;
	v5 =	vld.idx.msk [tilespmem:v5+s14+$0x0], $0xffff  }
0x15a: {  	s21 =	simm.s32 $0xB400;
	v9 =	vand.u32 $0xC00, v47;
	v8 =	vand.u32 $0x7B, v46;
	v6 =	vld.idx.msk [tilespmem:v44+s18+$0x0], $0xffff  }
0x15b: {  	v8 =	vor.u32 v8, v9;
	v7 =	vld.idx.msk [tilespmem:v45+s21+$0x0], $0xffff  }
0x15c: {  	v9 =	vor.u32 v2, v8  }
0x15d: {  	v8 =	vor.u32 v3, v8;
	_ =	sdelay $0x1  }
0x15e: {  	v4 =	vmul.f32 v6, v4  }
0x15f: {  	v5 =	vmul.f32 v7, v5  }
0x160: {  	[tilespmem:v9+s30+$0x0] =	vst.idx.msk $0xffff, v4  }
0x161: {  	s3 =	simm.s32 $0x5;
	[tilespmem:v8+s30+$0x0] =	vst.idx.msk $0xffff, v5  }
0x162: {  	s23 =	sand.u32 $0x7F, s4;
	_ =	swait.ge [sflag:s3], $0x1000  }
0x163: {  	v4 =	vor.u32 s23, v0;
	[sflag:s3] =	ssyncset.done $0x0  }
0x164: {  	s25 =	sand.u32 $0x7F, s5;
	s24 =	simm.s32 $0xD;
	v5 =	vor.u32 s23, v1;
	[sflag:s3] =	ssyncadd.s32 $0xFFFFF000  }
0x165: {  	v48 =	vor.u32 s25, v0;
	_ =	swait.ge [sflag:s24], $0x1000  }
0x166: {  	v49 =	vor.u32 s25, v1;
	[sflag:s24] =	ssyncset.done $0x0  }
0x167: {  	s28 =	sadd.s32 $0xC, s19;
	s15 =	simm.s32 $0x4400;
	[sflag:s24] =	ssyncadd.s32 $0xFFFFF000  }
0x168: {  	v50 =	vmov s28;
	v4 =	vld.idx.msk [tilespmem:v4+s15+$0x0], $0xffff  }
0x169: {  	v51 =	vshll.u32 v50, $0x3;
	s3 =	simm.s32 $0xC400;
	v5 =	vld.idx.msk [tilespmem:v5+s15+$0x0], $0xffff  }
0x16a: {  	v9 =	vand.u32 $0xC00, v51;
	v8 =	vand.u32 $0x7C, v50;
	v6 =	vld.idx.msk [tilespmem:v48+s3+$0x0], $0xffff  }
0x16b: {  	v8 =	vor.u32 v8, v9;
	v7 =	vld.idx.msk [tilespmem:v49+s3+$0x0], $0xffff  }
0x16c: {  	v9 =	vor.u32 v2, v8  }
0x16d: {  	v8 =	vor.u32 v3, v8;
	_ =	sdelay $0x1  }
0x16e: {  	v4 =	vmul.f32 v6, v4  }
0x16f: {  	v5 =	vmul.f32 v7, v5  }
0x170: {  	[tilespmem:v9+s30+$0x0] =	vst.idx.msk $0xffff, v4  }
0x171: {  	s26 =	simm.s32 $0x6;
	[tilespmem:v8+s30+$0x0] =	vst.idx.msk $0xffff, v5  }
0x172: {  	s4 =	sand.u32 $0x7F, s6;
	_ =	swait.ge [sflag:s26], $0x1000  }
0x173: {  	v4 =	vor.u32 s4, v0;
	[sflag:s26] =	ssyncset.done $0x0  }
0x174: {  	s17 =	simm.s32 $0xE;
	s18 =	sand.u32 $0x7F, s7;
	v5 =	vor.u32 s4, v1;
	[sflag:s26] =	ssyncadd.s32 $0xFFFFF000  }
0x175: {  	v52 =	vor.u32 s18, v0;
	_ =	swait.ge [sflag:s17], $0x1000  }
0x176: {  	v53 =	vor.u32 s18, v1;
	[sflag:s17] =	ssyncset.done $0x0  }
0x177: {  	s24 =	simm.s32 $0x5400;
	s26 =	sadd.s32 $0xD, s19;
	[sflag:s17] =	ssyncadd.s32 $0xFFFFF000  }
0x178: {  	v54 =	vmov s26;
	v4 =	vld.idx.msk [tilespmem:v4+s24+$0x0], $0xffff  }
0x179: {  	s23 =	simm.s32 $0xD400;
	v55 =	vshll.u32 v54, $0x3;
	v5 =	vld.idx.msk [tilespmem:v5+s24+$0x0], $0xffff  }
0x17a: {  	v8 =	vand.u32 $0x7D, v54;
	v9 =	vand.u32 $0xC00, v55;
	v6 =	vld.idx.msk [tilespmem:v52+s23+$0x0], $0xffff  }
0x17b: {  	v7 =	vld.idx.msk [tilespmem:v53+s23+$0x0], $0xffff;
	v8 =	vor.u32 v8, v9  }
0x17c: {  	v9 =	vor.u32 v2, v8  }
0x17d: {  	v8 =	vor.u32 v3, v8;
	_ =	sdelay $0x1  }
0x17e: {  	v4 =	vmul.f32 v6, v4  }
0x17f: {  	v5 =	vmul.f32 v7, v5  }
0x180: {  	[tilespmem:v9+s30+$0x0] =	vst.idx.msk $0xffff, v4  }
0x181: {  	s25 =	simm.s32 $0x7;
	[tilespmem:v8+s30+$0x0] =	vst.idx.msk $0xffff, v5  }
0x182: {  	s28 =	sand.u32 $0x7F, s29;
	_ =	swait.ge [sflag:s25], $0x1000  }
0x183: {  	v4 =	vor.u32 s28, v0;
	[sflag:s25] =	ssyncset.done $0x0  }
0x184: {  	s29 =	simm.s32 $0xF;
	s3 =	sand.u32 $0x7F, s31;
	v5 =	vor.u32 s28, v1;
	[sflag:s25] =	ssyncadd.s32 $0xFFFFF000  }
0x185: {  	v56 =	vor.u32 s3, v0;
	_ =	swait.ge [sflag:s29], $0x1000  }
0x186: {  	v57 =	vor.u32 s3, v1;
	[sflag:s29] =	ssyncset.done $0x0  }
0x187: {  	s21 =	simm.s32 $0x6400;
	s17 =	sadd.s32 $0xE, s19;
	[sflag:s29] =	ssyncadd.s32 $0xFFFFF000  }
0x188: {  	v58 =	vmov s17;
	v4 =	vld.idx.msk [tilespmem:v4+s21+$0x0], $0xffff  }
0x189: {  	s23 =	simm.s32 $0xE400;
	v59 =	vshll.u32 v58, $0x3;
	v5 =	vld.idx.msk [tilespmem:v5+s21+$0x0], $0xffff  }
0x18a: {  	v9 =	vand.u32 $0xC00, v59;
	v8 =	vand.u32 $0x7E, v58;
	v6 =	vld.idx.msk [tilespmem:v56+s23+$0x0], $0xffff  }
0x18b: {  	v8 =	vor.u32 v8, v9;
	v7 =	vld.idx.msk [tilespmem:v57+s23+$0x0], $0xffff  }
0x18c: {  	v9 =	vor.u32 v2, v8  }
0x18d: {  	v8 =	vor.u32 v3, v8;
	_ =	sdelay $0x1  }
0x18e: {  	v4 =	vmul.f32 v6, v4  }
0x18f: {  	v5 =	vmul.f32 v7, v5  }
0x190: {  	[tilespmem:v9+s30+$0x0] =	vst.idx.msk $0xffff, v4  }
0x191: {  	s4 =	simm.s32 $0x8;
	[tilespmem:v8+s30+$0x0] =	vst.idx.msk $0xffff, v5  }
0x192: {  	s24 =	sand.u32 $0x7F, s20;
	_ =	swait.ge [sflag:s4], $0x1000  }
0x193: {  	v4 =	vor.u32 s24, v0;
	[sflag:s4] =	ssyncset.done $0x0  }
0x194: {  	s26 =	sand.u32 $0x7F, s22;
	s25 =	simm.s32 $0x10;
	v5 =	vor.u32 s24, v1;
	[sflag:s4] =	ssyncadd.s32 $0xFFFFF000  }
0x195: {  	v60 =	vor.u32 s26, v0;
	_ =	swait.ge [sflag:s25], $0x1000  }
0x196: {  	v61 =	vor.u32 s26, v1;
	[sflag:s25] =	ssyncset.done $0x0  }
0x197: {  	s29 =	sadd.s32 $0xF, s19;
	s21 =	simm.s32 $0x7400;
	[sflag:s25] =	ssyncadd.s32 $0xFFFFF000  }
0x198: {  	v62 =	vmov s29;
	v4 =	vld.idx.msk [tilespmem:v4+s21+$0x0], $0xffff  }
0x199: {  	s18 =	simm.s32 $0xF400;
	v63 =	vshll.u32 v62, $0x3;
	v5 =	vld.idx.msk [tilespmem:v5+s21+$0x0], $0xffff  }
0x19a: {  	v9 =	vand.u32 $0xC00, v63;
	v8 =	vand.u32 $0x7F, v62;
	v6 =	vld.idx.msk [tilespmem:v60+s18+$0x0], $0xffff  }
0x19b: {  	v8 =	vor.u32 v8, v9;
	v7 =	vld.idx.msk [tilespmem:v61+s18+$0x0], $0xffff  }
0x19c: {  	v9 =	vor.u32 v2, v8  }
0x19d: {  	p0 =	sne.s32 s19, $0x1F0;
	v8 =	vor.u32 v3, v8  }
.Ltmp0:
0x19e: {  	_ = 	snop;
	(pc) =	sbr.rel @p0 .LBB2_2-.Ltmp0, $4  }
0x19f: {  	v4 =	vmul.f32 v6, v4  }
0x1a0: {  	s28 =	rddreg [dreg:$0xb];
	v5 =	vmul.f32 v7, v5  }
0x1a1: {  	s5 =	simm.s32 $0x8400;
	s6 =	simm.s32 $0xB400;
	s31 =	rddreg [dreg:$0xc];
	[tilespmem:v9+s30+$0x0] =	vst.idx.msk $0xffff, v4  }
0x1a2: {  	s19 =	sadd.s32 $0x10, s19;
	s0 =	sadd.s32 $0x10, s31;
	s1 =	sadd.s32 $0x10, s28;
	[tilespmem:v8+s30+$0x0] =	vst.idx.msk $0xffff, v5  }
0x1a3: {  	s0 =	rddreg [dreg:$0x8]  }
0x1a4: {  	s1 =	simm.s32 $0x1000;
	s3 =	simm.s32 $0x20000;
	s4 =	simm.s32 $0x11  }
0x1a5: {  	[hbm4b:s0+s1] =	stream.strided.scatter [tilespmem:s30], [sflag:$0x11], $0x4000, s3, s1, $0x38;
	[tilespmem:$0x14400] =	vst v63  }
0x1a6: {  	_ =	swait.ge [sflag:s4], $0x4000  }
0x1a7: {  	s29 =	rddreg [dreg:$0xa]  }
0x1a8: {  	s31 =	rddreg [dreg:$0x9];
	s1 =	sadd.s32 $0x1, s29  }
0x1a9: {  	p0 =	sne.s32 s1, s31  }
.Ltmp1:
0x1aa: {  	_ = 	snop;
	(pc) =	sbr.rel @p0 .LBB2_1-.Ltmp1, $3  }
0x1ab: {  	_ =	sdelay $0x1  }
0x1ac: {  	[sflag:s4] =	ssyncset.done $0x0  }
0x1ad: {  	[sflag:s4] =	ssyncadd.s32 $0xFFFFC000  }
0x1ae: {  	_ =	sfence.sel $0x180000  }
0x1af: {  	[bflag:$0x0] =	sbarrier.arrive $0xFFFF  }
0x1b0: {  	_ =	strace $0x90000047  }
0x1b1: {  	s0 =	stileid.u32;
	[bflag:$0x2] =	sbarrier.arrive $0xFFFF  }
0x1b2: {  	p0 =	sne.s32 s0, $0x0;
	s0 =	rddreg [dreg:$0x5]  }
0x1b3: {  	s0 =	sadd.s32 @!p0 $0x100000, s0  }
0x1b4: {  	[sflag:s0] =	ssyncadd.tile.s32 @!p0 $0x1;
	_ =	shalt  }
.Lfunc_end2:
_tile_overlayer_lowered:
.L_overlay_start_2:
0x1b5: {  	(tag) =	ssettag $0x2  }
0x1b6: {  	s0 =	rddreg [dreg:$0x0];
	s2 =	stileid.u32  }
0x1b7: {  	s1 =	rddreg [dreg:$0x1];
	p0 =	sne.s32 s2, $0x0  }
0x1b8: {  	s3 =	rddreg [dreg:$0x2];
	[bflag:$0x3] =	sbarrier.arrive $0xFFFF;
	s2 =	simm.s32 @!p0 $0x1C11  }
0x1b9: {  	[timem:s3], [sflag:s2] =	dma.local @!p0 [hbm:s0], s1  }
0x1ba: {  	s0 =	simm.s32 @!p0 $0x11  }
0x1bb: {  	_ =	swait.ge @!p0 [sflag:s0], s1  }
0x1bc: {  	s1 =	ssub.s32 @!p0 $0x0, s1;
	[sflag:s0] =	ssyncset.done @!p0 $0x0  }
0x1bd: {  	[sflag:s0] =	ssyncadd.s32 @!p0 s1  }
0x1be: {  	[bflag:$0x3] =	sbarrier.arrive $0xFFFF  }
0x1bf: {  	_ =	shalt  }

</sc_bundles>
